<compile_context>
chip_gen: v7x
topology: tpu7x:2x2x1
jax: 0.10.2.dev20260603
libtpu: 0.0.44.dev20260713+nightly
codegen_flags: <defaults>
</compile_context>

<pallas_src>
import functools

import jax
import jax.numpy as jnp
from jax import lax
from jax.experimental import pallas as pl
from jax.experimental.pallas import tpu as pltpu
from jax.experimental.pallas import tpu_sc as plsc

_N, _D, _H, _C, _E = 10000, 128, 16, 40, 320000
_NC, _NS = 2, 16
_EB = 128
_ER = _E // _EB
_B0 = 78
_B1 = 78
_NX = _ER - _NS * (_B0 + _B1)
_ACC = 10240
_ZR = _ACC // _NS
_BMAX = _B0 + 1


def _seg_body(table, er, out, src_idx, dst_idx, rows0, rows1, stage, acc,
              sem0, sem1):
    cid = lax.axis_index("c")
    sid = lax.axis_index("s")

    def _zero(i, c):
        stage[i] = jnp.zeros((_H,), jnp.float32)
        return c
    lax.fori_loop(0, _ZR, _zero, 0)
    pltpu.sync_copy(stage, acc.at[pl.ds(sid * _ZR, _ZR)])
    plsc.subcore_barrier()

    def _edge_loop(base, nb):
        pltpu.sync_copy(er.at[0, pl.ds(base, nb)], src_idx.at[pl.ds(0, nb)])
        pltpu.sync_copy(er.at[1, pl.ds(base, nb)], dst_idx.at[pl.ds(0, nb)])

        pltpu.async_copy(table.at[src_idx.at[0]], rows0, sem0)

        def _step(i, c):
            j = 2 * i
            pltpu.async_copy(table.at[src_idx.at[j + 1]], rows1, sem1)
            pltpu.make_async_copy(table.at[src_idx.at[j]], rows0, sem0).wait()
            pltpu.sync_copy(rows0, acc.at[dst_idx.at[j]], add=True)

            @pl.when(j + 2 < nb)
            def _():
                pltpu.async_copy(table.at[src_idx.at[j + 2]], rows0, sem0)

            pltpu.make_async_copy(table.at[src_idx.at[j + 1]], rows1,
                                  sem1).wait()
            pltpu.sync_copy(rows1, acc.at[dst_idx.at[j + 1]], add=True)
            return c

        lax.fori_loop(0, nb // 2, _step, 0)

    @pl.when(cid == 0)
    def _():
        _edge_loop(sid * _B0, _B0)

        @pl.when(sid < _NX)
        def _():
            xb = _NS * _B0 + _NS * _B1 + sid
            pltpu.sync_copy(er.at[0, pl.ds(xb, 1)], src_idx.at[pl.ds(0, 1)])
            pltpu.sync_copy(er.at[1, pl.ds(xb, 1)], dst_idx.at[pl.ds(0, 1)])
            pltpu.async_copy(table.at[src_idx.at[0]], rows0, sem0).wait()
            pltpu.sync_copy(rows0, acc.at[dst_idx.at[0]], add=True)

    @pl.when(cid == 1)
    def _():
        _edge_loop(_NS * _B0 + sid * _B1, _B1)

    plsc.subcore_barrier()

    pltpu.sync_copy(acc.at[pl.ds(sid * _ZR, _ZR)],
                    out.at[cid, pl.ds(sid * _ZR, _ZR)])


_segsum = functools.partial(
    pl.kernel,
    out_type=jax.ShapeDtypeStruct((_NC, _ACC, _H), jnp.float32),
    mesh=plsc.VectorSubcoreMesh(core_axis_name="c", subcore_axis_name="s"),
    scratch_types=[
        pltpu.VMEM((_BMAX, _EB), jnp.int32),
        pltpu.VMEM((_BMAX, _EB), jnp.int32),
        pltpu.VMEM((_EB, _H), jnp.float32),
        pltpu.VMEM((_EB, _H), jnp.float32),
        pltpu.VMEM((_ZR, _H), jnp.float32),
        pltpu.VMEM_SHARED((_ACC, _H), jnp.float32),
        pltpu.SemaphoreType.DMA,
        pltpu.SemaphoreType.DMA,
    ],
    compiler_params=pltpu.CompilerParams(use_tc_tiling_on_sc=False),
)(_seg_body)


_FR = 640


def _seg2_body(y1, p, b1v, er, out, h1a, h1b,
               src_idx, dst_idx, rows0, rows1, stage, fy, f0, f1, bvec, acc,
               sem0, sem1):
    cid = lax.axis_index("c")
    sid = lax.axis_index("s")

    def _zero(i, c):
        stage[i] = jnp.zeros((_H,), jnp.float32)
        return c
    lax.fori_loop(0, _ZR, _zero, 0)
    pltpu.sync_copy(stage, acc.at[pl.ds(sid * _ZR, _ZR)])

    def _fuse(h1_dst, nrows):
        base = sid * _FR
        pltpu.sync_copy(y1.at[pl.ds(base, nrows)], fy.at[pl.ds(0, nrows)])
        pltpu.sync_copy(p.at[0, pl.ds(base, nrows)], f0.at[pl.ds(0, nrows)])
        pltpu.sync_copy(p.at[1, pl.ds(base, nrows)], f1.at[pl.ds(0, nrows)])
        pltpu.sync_copy(b1v, bvec)
        bb = bvec[...]

        def _row(r, c):
            fy[r] = jnp.maximum(fy[r] + f0[r] + f1[r] + bb, 0.0)
            return c
        lax.fori_loop(0, nrows, _row, 0)
        pltpu.sync_copy(fy.at[pl.ds(0, nrows)], h1_dst.at[pl.ds(base, nrows)])

    @pl.when(jnp.logical_and(cid == 0, sid < _NS - 1))
    def _():
        _fuse(h1a, _FR)

    @pl.when(jnp.logical_and(cid == 0, sid == _NS - 1))
    def _():
        _fuse(h1a, _N - (_NS - 1) * _FR)

    @pl.when(jnp.logical_and(cid == 1, sid < _NS - 1))
    def _():
        _fuse(h1b, _FR)

    @pl.when(jnp.logical_and(cid == 1, sid == _NS - 1))
    def _():
        _fuse(h1b, _N - (_NS - 1) * _FR)

    plsc.subcore_barrier()

    def _edge_loop(table, base, nb):
        pltpu.sync_copy(er.at[0, pl.ds(base, nb)], src_idx.at[pl.ds(0, nb)])
        pltpu.sync_copy(er.at[1, pl.ds(base, nb)], dst_idx.at[pl.ds(0, nb)])
        pltpu.async_copy(table.at[src_idx.at[0]], rows0, sem0)

        def _step(i, c):
            j = 2 * i
            pltpu.async_copy(table.at[src_idx.at[j + 1]], rows1, sem1)
            pltpu.make_async_copy(table.at[src_idx.at[j]], rows0, sem0).wait()
            pltpu.sync_copy(rows0, acc.at[dst_idx.at[j]], add=True)

            @pl.when(j + 2 < nb)
            def _():
                pltpu.async_copy(table.at[src_idx.at[j + 2]], rows0, sem0)

            pltpu.make_async_copy(table.at[src_idx.at[j + 1]], rows1,
                                  sem1).wait()
            pltpu.sync_copy(rows1, acc.at[dst_idx.at[j + 1]], add=True)
            return c

        lax.fori_loop(0, nb // 2, _step, 0)

    @pl.when(cid == 0)
    def _():
        _edge_loop(h1a, sid * _B0, _B0)

        @pl.when(sid < _NX)
        def _():
            xb = _NS * _B0 + _NS * _B1 + sid
            pltpu.sync_copy(er.at[0, pl.ds(xb, 1)], src_idx.at[pl.ds(0, 1)])
            pltpu.sync_copy(er.at[1, pl.ds(xb, 1)], dst_idx.at[pl.ds(0, 1)])
            pltpu.async_copy(h1a.at[src_idx.at[0]], rows0, sem0).wait()
            pltpu.sync_copy(rows0, acc.at[dst_idx.at[0]], add=True)

    @pl.when(cid == 1)
    def _():
        _edge_loop(h1b, _NS * _B0 + sid * _B1, _B1)

    plsc.subcore_barrier()
    pltpu.sync_copy(acc.at[pl.ds(sid * _ZR, _ZR)],
                    out.at[cid, pl.ds(sid * _ZR, _ZR)])


_segsum2 = functools.partial(
    pl.kernel,
    out_type=(jax.ShapeDtypeStruct((_NC, _ACC, _H), jnp.float32),
              jax.ShapeDtypeStruct((_N, _H), jnp.float32),
              jax.ShapeDtypeStruct((_N, _H), jnp.float32)),
    mesh=plsc.VectorSubcoreMesh(core_axis_name="c", subcore_axis_name="s"),
    scratch_types=[
        pltpu.VMEM((_BMAX, _EB), jnp.int32),
        pltpu.VMEM((_BMAX, _EB), jnp.int32),
        pltpu.VMEM((_EB, _H), jnp.float32),
        pltpu.VMEM((_EB, _H), jnp.float32),
        pltpu.VMEM((_ZR, _H), jnp.float32),
        pltpu.VMEM((_FR, _H), jnp.float32),
        pltpu.VMEM((_FR, _H), jnp.float32),
        pltpu.VMEM((_FR, _H), jnp.float32),
        pltpu.VMEM((_H,), jnp.float32),
        pltpu.VMEM_SHARED((_ACC, _H), jnp.float32),
        pltpu.SemaphoreType.DMA,
        pltpu.SemaphoreType.DMA,
    ],
    compiler_params=pltpu.CompilerParams(use_tc_tiling_on_sc=False),
)(_seg2_body)


def _lin1_body(x_ref, w_ref, o_ref):
    o_ref[...] = jnp.dot(x_ref[...], w_ref[...],
                         preferred_element_type=jnp.float32,
                         precision=lax.Precision.HIGHEST)


def _out_body(h_ref, q_ref, w_ref, b_ref, o_ref):
    t = h_ref[...] + q_ref[0] + q_ref[1]
    z = jnp.dot(t, w_ref[...], preferred_element_type=jnp.float32,
                precision=lax.Precision.HIGHEST) + b_ref[...]
    z = jnp.maximum(z, 0.0)
    m = jnp.max(z, axis=1, keepdims=True)
    z = z - m
    o_ref[...] = z - jnp.log(jnp.sum(jnp.exp(z), axis=1, keepdims=True))


def kernel(x, edge_index, W1, b1, W2, b2):
    er = edge_index.reshape(2, _ER, _EB)

    y1 = pl.pallas_call(
        _lin1_body,
        out_shape=jax.ShapeDtypeStruct((_N, _H), jnp.float32),
    )(x, W1)

    p = _segsum(y1, er)

    q, h1, _h1b = _segsum2(y1, p, b1, er)

    blk = 1000
    out = pl.pallas_call(
        _out_body,
        grid=(_N // blk,),
        in_specs=[
            pl.BlockSpec((blk, _H), lambda i: (i, 0)),
            pl.BlockSpec((2, blk, _H), lambda i: (0, i, 0)),
            pl.BlockSpec((_H, _C), lambda i: (0, 0)),
            pl.BlockSpec((1, _C), lambda i: (0, 0)),
        ],
        out_specs=pl.BlockSpec((blk, _C), lambda i: (i, 0)),
        out_shape=jax.ShapeDtypeStruct((_N, _C), jnp.float32),
    )(h1, q, W2, b2.reshape(1, _C))
    return out

# --- scband reference (transcript-rebuilt; emitter-appended) ---
"""Pipeline reference for scband-gin-36335423324412 (READ-ONLY COPY).

The authoritative reference and input builder live on the scoring server;
editing this copy changes nothing except your own understanding.
"""

import jax, jax.numpy as jnp
import numpy as np


def setup_inputs(seed: int = 0) -> dict:
    key = jax.random.key(seed)
    ks = jax.random.split(key, 6)
    N, D, H, C, E = 10000, 128, 16, 40, 320000
    x = jax.random.normal(ks[0], (N, D), dtype=jnp.float32)
    edge_index = jax.random.randint(ks[1], (2, E), 0, N, dtype=jnp.int32)
    # Linear layers: PyTorch nn.Linear(in, out) -> W:[out,in], we store transposed [in,out]
    W1 = jax.random.normal(ks[2], (D, H), dtype=jnp.float32) * (1.0 / np.sqrt(D))
    b1 = jax.random.normal(ks[3], (H,), dtype=jnp.float32) * 0.01
    W2 = jax.random.normal(ks[4], (H, C), dtype=jnp.float32) * (1.0 / np.sqrt(H))
    b2 = jax.random.normal(ks[5], (C,), dtype=jnp.float32) * 0.01
    return {"x": x, "edge_index": edge_index, "W1": W1, "b1": b1, "W2": W2, "b2": b2}


def reference(x, edge_index, W1, b1, W2, b2):
    # GINConv (eps=0): out = Linear((1+eps)*x + sum_{j in N(i)} x_j)
    src = edge_index[0]
    dst = edge_index[1]
    N = x.shape[0]

    def gin_conv(h, W, b):
        msgs = jnp.take(h, src, axis=0)                      # gather source node feats
        agg = jax.ops.segment_sum(msgs, dst, num_segments=N) # scatter-add to dst nodes
        return (h + agg) @ W + b

    h = jax.nn.relu(gin_conv(x, W1, b1))
    h = jax.nn.relu(gin_conv(h, W2, b2))
    return jax.nn.log_softmax(h, axis=1)

if __name__ == "__main__":
    import jax
    _d = setup_inputs()
    print(jax.jit(kernel)(*tuple(_d.values())))

</pallas_src>

<mosaic_0001>
#map = affine_map<(d0, d1) -> (0, 0)>
#map1 = affine_map<(d0, d1) -> (0, 0, 0)>
module attributes {stable_mosaic.version = 14 : i64} {
  func.func @_seg_body(%arg0: i32, %arg1: i32, %arg2: memref<10000x16xf32, #tpu.memory_space<hbm>>, %arg3: memref<2x2500x128xi32, #tpu.memory_space<hbm>>, %arg4: memref<2x10240x16xf32, #tpu.memory_space<hbm>>, %arg5: memref<79x128xi32, #tpu.memory_space<vmem>>, %arg6: memref<79x128xi32, #tpu.memory_space<vmem>>, %arg7: memref<128x16xf32, #tpu.memory_space<vmem>>, %arg8: memref<128x16xf32, #tpu.memory_space<vmem>>, %arg9: memref<640x16xf32, #tpu.memory_space<vmem>>, %arg10: memref<10240x16xf32, #tpu.memory_space<vmem_shared>>, %arg11: memref<!tpu.dma_semaphore, #tpu.memory_space<semaphore_mem>>, %arg12: memref<!tpu.dma_semaphore, #tpu.memory_space<semaphore_mem>>) attributes {dimension_semantics = [#tpu.dimension_semantics<core_parallel>, #tpu.dimension_semantics<subcore_parallel>], iteration_bounds = array<i64: 2, 16>, scalar_prefetch = 0 : i64, scratch_operands = 8 : i64, tpu.core_type = #tpu.core_type<sc_vector_subcore>, window_params = [{transform_indices = #map}, {transform_indices = #map1}, {transform_indices = #map1}]} {
    %scan3A = arith.constant 0 : i32
    %scan3A_0 = arith.constant 0 : i32
    %scan3A_1 = arith.constant 640 : i32
    %scan3A_2 = arith.addi %scan3A_0, %scan3A_1 : i32
    %scan3A_3 = arith.constant 1 : i32
    scf.for %scan3A_18 = %scan3A_0 to %scan3A_2 step %scan3A_3  : i32 {
      %broadcast_in_dim3A = arith.constant 0.000000e+00 : f32
      %broadcast_in_dim3A_19 = vector.broadcast %broadcast_in_dim3A : f32 to vector<16xf32>
      %swap3A = arith.index_cast %scan3A_18 : i32 to index
      %swap3A_20 = arith.constant 0 : index
      %swap3A_21 = tpu.vector_load %arg9[%swap3A, %swap3A_20] {strides = array<i32>} : memref<640x16xf32, #tpu.memory_space<vmem>>, vector<1x16xf32>,
      %swap3A_22 = vector.shape_cast %swap3A_21 : vector<1x16xf32> to vector<16xf32>
      %swap3A_23 = vector.shape_cast %broadcast_in_dim3A_19 : vector<16xf32> to vector<1x16xf32>
      tpu.vector_store %arg9[%swap3A, %swap3A_20], %swap3A_23 {strides = array<i32>} : memref<640x16xf32, #tpu.memory_space<vmem>>, vector<1x16xf32>,
    }
    %scan3A_4 = arith.constant 640 : i32
    %mul3A = arith.constant 640 : i32
    %mul3A_5 = arith.muli %arg1, %mul3A : i32
    "tpu.region"() ({
      %run_scoped3A = tpu.sem_alloc : memref<!tpu.dma_semaphore, #tpu.memory_space<semaphore_mem>>
      %dma_start3A = arith.constant 0 : i32
      %dma_start3A_18 = tpu.memref_slice %arg10[%mul3A_5, %dma_start3A] : memref<10240x16xf32, #tpu.memory_space<vmem_shared>> -> memref<640x16xf32, #tpu.memory_space<vmem_shared>>
      %dma_start3A_19 = arith.constant 0 : i32
      %dma_start3A_20 = tpu.memref_slice %arg10[%mul3A_5, %dma_start3A_19] : memref<10240x16xf32, #tpu.memory_space<vmem_shared>> -> memref<640x16xf32, #tpu.memory_space<vmem_shared>>
      tpu.enqueue_dma source(%arg9 : memref<640x16xf32, #tpu.memory_space<vmem>>) target(%dma_start3A_20 : memref<640x16xf32, #tpu.memory_space<vmem_shared>>) target_semaphore(%run_scoped3A : memref<!tpu.dma_semaphore, #tpu.memory_space<semaphore_mem>>)
      %dma_wait3A = arith.constant 0 : i32
      %dma_wait3A_21 = tpu.memref_slice %arg10[%mul3A_5, %dma_wait3A] : memref<10240x16xf32, #tpu.memory_space<vmem_shared>> -> memref<640x16xf32, #tpu.memory_space<vmem_shared>>
      %dma_wait3A_22 = arith.constant 0 : i32
      %dma_wait3A_23 = tpu.memref_slice %arg10[%mul3A_5, %dma_wait3A_22] : memref<10240x16xf32, #tpu.memory_space<vmem_shared>> -> memref<640x16xf32, #tpu.memory_space<vmem_shared>>
      tpu.wait_dma2 semaphore(%run_scoped3A : memref<!tpu.dma_semaphore, #tpu.memory_space<semaphore_mem>>) src(%arg9 : memref<640x16xf32, #tpu.memory_space<vmem>>) dst(%dma_wait3A_23 : memref<640x16xf32, #tpu.memory_space<vmem_shared>>)
      tpu.yield
    }) : () -> ()
    %barrier3A = arith.constant 0 : index
    tpu.barrier barrier_id(%barrier3A)
    %eq3A = arith.constant 0 : i32
    %eq3A_6 = arith.cmpi eq, %arg0, %eq3A : i32
    %convert_element_type3A = arith.extui %eq3A_6 : i1 to i32
    %cond3A = arith.constant 0 : i32
    %cond3A_7 = arith.cmpi ne, %convert_element_type3A, %cond3A : i32
    scf.if %cond3A_7 {
      %mul3A_18 = arith.constant 78 : i32
      %mul3A_19 = arith.muli %arg1, %mul3A_18 : i32
      %run_scoped3A = arith.constant 0 : i32
      "tpu.region"() ({
        %run_scoped3A_37 = tpu.sem_alloc : memref<!tpu.dma_semaphore, #tpu.memory_space<semaphore_mem>>
        %dma_start3A_38 = arith.constant 0 : i32
        %dma_start3A_39 = arith.constant 0 : i32
        %dma_start3A_40 = tpu.memref_slice %arg5[%dma_start3A_38, %dma_start3A_39] : memref<79x128xi32, #tpu.memory_space<vmem>> -> memref<78x128xi32, #tpu.memory_space<vmem>>
        %dma_start3A_41 = arith.constant 0 : i32
        %dma_start3A_42 = tpu.memref_slice %arg3[%run_scoped3A, %mul3A_19, %dma_start3A_41] : memref<2x2500x128xi32, #tpu.memory_space<hbm>> -> memref<1x78x128xi32, #tpu.memory_space<hbm>>
        %dma_start3A_43 = tpu.memref_squeeze %dma_start3A_42 : memref<1x78x128xi32, #tpu.memory_space<hbm>> -> memref<78x128xi32, #tpu.memory_space<hbm>>
        %dma_start3A_44 = arith.constant 0 : i32
        %dma_start3A_45 = arith.constant 0 : i32
        %dma_start3A_46 = tpu.memref_slice %arg5[%dma_start3A_44, %dma_start3A_45] : memref<79x128xi32, #tpu.memory_space<vmem>> -> memref<78x128xi32, #tpu.memory_space<vmem>>
        %dma_start3A_47 = arith.constant 0 : i32
        %dma_start3A_48 = tpu.memref_slice %arg3[%run_scoped3A, %mul3A_19, %dma_start3A_47] : memref<2x2500x128xi32, #tpu.memory_space<hbm>> -> memref<1x78x128xi32, #tpu.memory_space<hbm>>
        %dma_start3A_49 = tpu.memref_squeeze %dma_start3A_48 : memref<1x78x128xi32, #tpu.memory_space<hbm>> -> memref<78x128xi32, #tpu.memory_space<hbm>>
        tpu.enqueue_dma source(%dma_start3A_49 : memref<78x128xi32, #tpu.memory_space<hbm>>) target(%dma_start3A_46 : memref<78x128xi32, #tpu.memory_space<vmem>>) target_semaphore(%run_scoped3A_37 : memref<!tpu.dma_semaphore, #tpu.memory_space<semaphore_mem>>)
        %dma_wait3A = arith.constant 0 : i32
        %dma_wait3A_50 = arith.constant 0 : i32
        %dma_wait3A_51 = tpu.memref_slice %arg5[%dma_wait3A, %dma_wait3A_50] : memref<79x128xi32, #tpu.memory_space<vmem>> -> memref<78x128xi32, #tpu.memory_space<vmem>>
        %dma_wait3A_52 = arith.constant 0 : i32
        %dma_wait3A_53 = tpu.memref_slice %arg3[%run_scoped3A, %mul3A_19, %dma_wait3A_52] : memref<2x2500x128xi32, #tpu.memory_space<hbm>> -> memref<1x78x128xi32, #tpu.memory_space<hbm>>
        %dma_wait3A_54 = tpu.memref_squeeze %dma_wait3A_53 : memref<1x78x128xi32, #tpu.memory_space<hbm>> -> memref<78x128xi32, #tpu.memory_space<hbm>>
        %dma_wait3A_55 = arith.constant 0 : i32
        %dma_wait3A_56 = arith.constant 0 : i32
        %dma_wait3A_57 = tpu.memref_slice %arg5[%dma_wait3A_55, %dma_wait3A_56] : memref<79x128xi32, #tpu.memory_space<vmem>> -> memref<78x128xi32, #tpu.memory_space<vmem>>
        %dma_wait3A_58 = arith.constant 0 : i32
        %dma_wait3A_59 = tpu.memref_slice %arg3[%run_scoped3A, %mul3A_19, %dma_wait3A_58] : memref<2x2500x128xi32, #tpu.memory_space<hbm>> -> memref<1x78x128xi32, #tpu.memory_space<hbm>>
        %dma_wait3A_60 = tpu.memref_squeeze %dma_wait3A_59 : memref<1x78x128xi32, #tpu.memory_space<hbm>> -> memref<78x128xi32, #tpu.memory_space<hbm>>
        tpu.wait_dma2 semaphore(%run_scoped3A_37 : memref<!tpu.dma_semaphore, #tpu.memory_space<semaphore_mem>>) src(%dma_wait3A_60 : memref<78x128xi32, #tpu.memory_space<hbm>>) dst(%dma_wait3A_57 : memref<78x128xi32, #tpu.memory_space<vmem>>)
        tpu.yield
      }) : () -> ()
      %run_scoped3A_20 = arith.constant 1 : i32
      "tpu.region"() ({
        %run_scoped3A_37 = tpu.sem_alloc : memref<!tpu.dma_semaphore, #tpu.memory_space<semaphore_mem>>
        %dma_start3A_38 = arith.constant 0 : i32
        %dma_start3A_39 = arith.constant 0 : i32
        %dma_start3A_40 = tpu.memref_slice %arg6[%dma_start3A_38, %dma_start3A_39] : memref<79x128xi32, #tpu.memory_space<vmem>> -> memref<78x128xi32, #tpu.memory_space<vmem>>
        %dma_start3A_41 = arith.constant 0 : i32
        %dma_start3A_42 = tpu.memref_slice %arg3[%run_scoped3A_20, %mul3A_19, %dma_start3A_41] : memref<2x2500x128xi32, #tpu.memory_space<hbm>> -> memref<1x78x128xi32, #tpu.memory_space<hbm>>
        %dma_start3A_43 = tpu.memref_squeeze %dma_start3A_42 : memref<1x78x128xi32, #tpu.memory_space<hbm>> -> memref<78x128xi32, #tpu.memory_space<hbm>>
        %dma_start3A_44 = arith.constant 0 : i32
        %dma_start3A_45 = arith.constant 0 : i32
        %dma_start3A_46 = tpu.memref_slice %arg6[%dma_start3A_44, %dma_start3A_45] : memref<79x128xi32, #tpu.memory_space<vmem>> -> memref<78x128xi32, #tpu.memory_space<vmem>>
        %dma_start3A_47 = arith.constant 0 : i32
        %dma_start3A_48 = tpu.memref_slice %arg3[%run_scoped3A_20, %mul3A_19, %dma_start3A_47] : memref<2x2500x128xi32, #tpu.memory_space<hbm>> -> memref<1x78x128xi32, #tpu.memory_space<hbm>>
        %dma_start3A_49 = tpu.memref_squeeze %dma_start3A_48 : memref<1x78x128xi32, #tpu.memory_space<hbm>> -> memref<78x128xi32, #tpu.memory_space<hbm>>
        tpu.enqueue_dma source(%dma_start3A_49 : memref<78x128xi32, #tpu.memory_space<hbm>>) target(%dma_start3A_46 : memref<78x128xi32, #tpu.memory_space<vmem>>) target_semaphore(%run_scoped3A_37 : memref<!tpu.dma_semaphore, #tpu.memory_space<semaphore_mem>>)
        %dma_wait3A = arith.constant 0 : i32
        %dma_wait3A_50 = arith.constant 0 : i32
        %dma_wait3A_51 = tpu.memref_slice %arg6[%dma_wait3A, %dma_wait3A_50] : memref<79x128xi32, #tpu.memory_space<vmem>> -> memref<78x128xi32, #tpu.memory_space<vmem>>
        %dma_wait3A_52 = arith.constant 0 : i32
        %dma_wait3A_53 = tpu.memref_slice %arg3[%run_scoped3A_20, %mul3A_19, %dma_wait3A_52] : memref<2x2500x128xi32, #tpu.memory_space<hbm>> -> memref<1x78x128xi32, #tpu.memory_space<hbm>>
        %dma_wait3A_54 = tpu.memref_squeeze %dma_wait3A_53 : memref<1x78x128xi32, #tpu.memory_space<hbm>> -> memref<78x128xi32, #tpu.memory_space<hbm>>
        %dma_wait3A_55 = arith.constant 0 : i32
        %dma_wait3A_56 = arith.constant 0 : i32
        %dma_wait3A_57 = tpu.memref_slice %arg6[%dma_wait3A_55, %dma_wait3A_56] : memref<79x128xi32, #tpu.memory_space<vmem>> -> memref<78x128xi32, #tpu.memory_space<vmem>>
        %dma_wait3A_58 = arith.constant 0 : i32
        %dma_wait3A_59 = tpu.memref_slice %arg3[%run_scoped3A_20, %mul3A_19, %dma_wait3A_58] : memref<2x2500x128xi32, #tpu.memory_space<hbm>> -> memref<1x78x128xi32, #tpu.memory_space<hbm>>
        %dma_wait3A_60 = tpu.memref_squeeze %dma_wait3A_59 : memref<1x78x128xi32, #tpu.memory_space<hbm>> -> memref<78x128xi32, #tpu.memory_space<hbm>>
        tpu.wait_dma2 semaphore(%run_scoped3A_37 : memref<!tpu.dma_semaphore, #tpu.memory_space<semaphore_mem>>) src(%dma_wait3A_60 : memref<78x128xi32, #tpu.memory_space<hbm>>) dst(%dma_wait3A_57 : memref<78x128xi32, #tpu.memory_space<vmem>>)
        tpu.yield
      }) : () -> ()
      %dma_start3A = arith.constant 0 : i32
      %dma_start3A_21 = arith.constant 0 : i32
      %dma_start3A_22 = tpu.memref_slice %arg5[%dma_start3A, %dma_start3A_21] : memref<79x128xi32, #tpu.memory_space<vmem>> -> memref<1x128xi32, #tpu.memory_space<vmem>>
      %dma_start3A_23 = tpu.memref_squeeze %dma_start3A_22 : memref<1x128xi32, #tpu.memory_space<vmem>> -> memref<128xi32, #tpu.memory_space<vmem>>
      %dma_start3A_24 = arith.constant 0 : i32
      %dma_start3A_25 = arith.constant 0 : i32
      %dma_start3A_26 = tpu.memref_slice %arg2[%dma_start3A_24, %dma_start3A_25] : memref<10000x16xf32, #tpu.memory_space<hbm>> -> memref<10000x16xf32, #tpu.memory_space<hbm>>
      tpu.enqueue_indirect_dma source(%dma_start3A_26 : memref<10000x16xf32, #tpu.memory_space<hbm>>) target(%arg7 : memref<128x16xf32, #tpu.memory_space<vmem>>) offsets(%dma_start3A_23 : memref<128xi32, #tpu.memory_space<vmem>>) semaphore(%arg11 : memref<!tpu.dma_semaphore, #tpu.memory_space<semaphore_mem>>)
      %scan3A_27 = arith.constant 0 : i32
      %scan3A_28 = arith.constant 0 : i32
      %scan3A_29 = arith.constant 39 : i32
      %scan3A_30 = arith.addi %scan3A_28, %scan3A_29 : i32
      %scan3A_31 = arith.constant 1 : i32
      scf.for %scan3A_37 = %scan3A_28 to %scan3A_30 step %scan3A_31  : i32 {
        %mul3A_38 = arith.constant 2 : i32
        %mul3A_39 = arith.muli %mul3A_38, %scan3A_37 : i32
        %add3A = arith.constant 1 : i32
        %add3A_40 = arith.addi %mul3A_39, %add3A : i32
        %dma_start3A_41 = arith.constant 0 : i32
        %dma_start3A_42 = tpu.memref_slice %arg5[%add3A_40, %dma_start3A_41] : memref<79x128xi32, #tpu.memory_space<vmem>> -> memref<1x128xi32, #tpu.memory_space<vmem>>
        %dma_start3A_43 = tpu.memref_squeeze %dma_start3A_42 : memref<1x128xi32, #tpu.memory_space<vmem>> -> memref<128xi32, #tpu.memory_space<vmem>>
        %dma_start3A_44 = arith.constant 0 : i32
        %dma_start3A_45 = arith.constant 0 : i32
        %dma_start3A_46 = tpu.memref_slice %arg2[%dma_start3A_44, %dma_start3A_45] : memref<10000x16xf32, #tpu.memory_space<hbm>> -> memref<10000x16xf32, #tpu.memory_space<hbm>>
        tpu.enqueue_indirect_dma source(%dma_start3A_46 : memref<10000x16xf32, #tpu.memory_space<hbm>>) target(%arg8 : memref<128x16xf32, #tpu.memory_space<vmem>>) offsets(%dma_start3A_43 : memref<128xi32, #tpu.memory_space<vmem>>) semaphore(%arg12 : memref<!tpu.dma_semaphore, #tpu.memory_space<semaphore_mem>>)
        %dma_wait3A = arith.constant 0 : i32
        %dma_wait3A_47 = tpu.memref_slice %arg5[%mul3A_39, %dma_wait3A] : memref<79x128xi32, #tpu.memory_space<vmem>> -> memref<1x128xi32, #tpu.memory_space<vmem>>
        %dma_wait3A_48 = tpu.memref_squeeze %dma_wait3A_47 : memref<1x128xi32, #tpu.memory_space<vmem>> -> memref<128xi32, #tpu.memory_space<vmem>>
        %dma_wait3A_49 = arith.constant 0 : i32
        %dma_wait3A_50 = arith.constant 0 : i32
        %dma_wait3A_51 = tpu.memref_slice %arg2[%dma_wait3A_49, %dma_wait3A_50] : memref<10000x16xf32, #tpu.memory_space<hbm>> -> memref<10000x16xf32, #tpu.memory_space<hbm>>
        tpu.wait_indirect_dma semaphore(%arg11 : memref<!tpu.dma_semaphore, #tpu.memory_space<semaphore_mem>>) src(%dma_wait3A_51 : memref<10000x16xf32, #tpu.memory_space<hbm>>) dst(%arg7 : memref<128x16xf32, #tpu.memory_space<vmem>>)
        "tpu.region"() ({
          %run_scoped3A_69 = tpu.sem_alloc : memref<!tpu.dma_semaphore, #tpu.memory_space<semaphore_mem>>
          %dma_start3A_70 = arith.constant 0 : i32
          %dma_start3A_71 = tpu.memref_slice %arg6[%mul3A_39, %dma_start3A_70] : memref<79x128xi32, #tpu.memory_space<vmem>> -> memref<1x128xi32, #tpu.memory_space<vmem>>
          %dma_start3A_72 = tpu.memref_squeeze %dma_start3A_71 : memref<1x128xi32, #tpu.memory_space<vmem>> -> memref<128xi32, #tpu.memory_space<vmem>>
          %dma_start3A_73 = arith.constant 0 : i32
          %dma_start3A_74 = arith.constant 0 : i32
          %dma_start3A_75 = tpu.memref_slice %arg10[%dma_start3A_73, %dma_start3A_74] : memref<10240x16xf32, #tpu.memory_space<vmem_shared>> -> memref<10240x16xf32, #tpu.memory_space<vmem_shared>>
          tpu.enqueue_indirect_dma source(%arg7 : memref<128x16xf32, #tpu.memory_space<vmem>>) target(%dma_start3A_75 : memref<10240x16xf32, #tpu.memory_space<vmem_shared>>) offsets(%dma_start3A_72 : memref<128xi32, #tpu.memory_space<vmem>>) semaphore(%run_scoped3A_69 : memref<!tpu.dma_semaphore, #tpu.memory_space<semaphore_mem>>) {add = true}
          %dma_wait3A_76 = arith.constant 0 : i32
          %dma_wait3A_77 = tpu.memref_slice %arg6[%mul3A_39, %dma_wait3A_76] : memref<79x128xi32, #tpu.memory_space<vmem>> -> memref<1x128xi32, #tpu.memory_space<vmem>>
          %dma_wait3A_78 = tpu.memref_squeeze %dma_wait3A_77 : memref<1x128xi32, #tpu.memory_space<vmem>> -> memref<128xi32, #tpu.memory_space<vmem>>
          %dma_wait3A_79 = arith.constant 0 : i32
          %dma_wait3A_80 = arith.constant 0 : i32
          %dma_wait3A_81 = tpu.memref_slice %arg10[%dma_wait3A_79, %dma_wait3A_80] : memref<10240x16xf32, #tpu.memory_space<vmem_shared>> -> memref<10240x16xf32, #tpu.memory_space<vmem_shared>>
          tpu.wait_indirect_dma semaphore(%run_scoped3A_69 : memref<!tpu.dma_semaphore, #tpu.memory_space<semaphore_mem>>) src(%arg7 : memref<128x16xf32, #tpu.memory_space<vmem>>) dst(%dma_wait3A_81 : memref<10240x16xf32, #tpu.memory_space<vmem_shared>>)
          tpu.yield
        }) : () -> ()
        %add3A_52 = arith.constant 2 : i32
        %add3A_53 = arith.addi %mul3A_39, %add3A_52 : i32
        %lt3A_54 = arith.constant 78 : i32
        %lt3A_55 = arith.cmpi slt, %add3A_53, %lt3A_54 : i32
        %convert_element_type3A_56 = arith.extui %lt3A_55 : i1 to i32
        %cond3A_57 = arith.constant 0 : i32
        %cond3A_58 = arith.cmpi ne, %convert_element_type3A_56, %cond3A_57 : i32
        scf.if %cond3A_58 {
          %add3A_69 = arith.constant 2 : i32
          %add3A_70 = arith.addi %mul3A_39, %add3A_69 : i32
          %dma_start3A_71 = arith.constant 0 : i32
          %dma_start3A_72 = tpu.memref_slice %arg5[%add3A_70, %dma_start3A_71] : memref<79x128xi32, #tpu.memory_space<vmem>> -> memref<1x128xi32, #tpu.memory_space<vmem>>
          %dma_start3A_73 = tpu.memref_squeeze %dma_start3A_72 : memref<1x128xi32, #tpu.memory_space<vmem>> -> memref<128xi32, #tpu.memory_space<vmem>>
          %dma_start3A_74 = arith.constant 0 : i32
          %dma_start3A_75 = arith.constant 0 : i32
          %dma_start3A_76 = tpu.memref_slice %arg2[%dma_start3A_74, %dma_start3A_75] : memref<10000x16xf32, #tpu.memory_space<hbm>> -> memref<10000x16xf32, #tpu.memory_space<hbm>>
          tpu.enqueue_indirect_dma source(%dma_start3A_76 : memref<10000x16xf32, #tpu.memory_space<hbm>>) target(%arg7 : memref<128x16xf32, #tpu.memory_space<vmem>>) offsets(%dma_start3A_73 : memref<128xi32, #tpu.memory_space<vmem>>) semaphore(%arg11 : memref<!tpu.dma_semaphore, #tpu.memory_space<semaphore_mem>>)
        } else {
        }
        %add3A_59 = arith.constant 1 : i32
        %add3A_60 = arith.addi %mul3A_39, %add3A_59 : i32
        %dma_wait3A_61 = arith.constant 0 : i32
        %dma_wait3A_62 = tpu.memref_slice %arg5[%add3A_60, %dma_wait3A_61] : memref<79x128xi32, #tpu.memory_space<vmem>> -> memref<1x128xi32, #tpu.memory_space<vmem>>
        %dma_wait3A_63 = tpu.memref_squeeze %dma_wait3A_62 : memref<1x128xi32, #tpu.memory_space<vmem>> -> memref<128xi32, #tpu.memory_space<vmem>>
        %dma_wait3A_64 = arith.constant 0 : i32
        %dma_wait3A_65 = arith.constant 0 : i32
        %dma_wait3A_66 = tpu.memref_slice %arg2[%dma_wait3A_64, %dma_wait3A_65] : memref<10000x16xf32, #tpu.memory_space<hbm>> -> memref<10000x16xf32, #tpu.memory_space<hbm>>
        tpu.wait_indirect_dma semaphore(%arg12 : memref<!tpu.dma_semaphore, #tpu.memory_space<semaphore_mem>>) src(%dma_wait3A_66 : memref<10000x16xf32, #tpu.memory_space<hbm>>) dst(%arg8 : memref<128x16xf32, #tpu.memory_space<vmem>>)
        %add3A_67 = arith.constant 1 : i32
        %add3A_68 = arith.addi %mul3A_39, %add3A_67 : i32
        "tpu.region"() ({
          %run_scoped3A_69 = tpu.sem_alloc : memref<!tpu.dma_semaphore, #tpu.memory_space<semaphore_mem>>
          %dma_start3A_70 = arith.constant 0 : i32
          %dma_start3A_71 = tpu.memref_slice %arg6[%add3A_68, %dma_start3A_70] : memref<79x128xi32, #tpu.memory_space<vmem>> -> memref<1x128xi32, #tpu.memory_space<vmem>>
          %dma_start3A_72 = tpu.memref_squeeze %dma_start3A_71 : memref<1x128xi32, #tpu.memory_space<vmem>> -> memref<128xi32, #tpu.memory_space<vmem>>
          %dma_start3A_73 = arith.constant 0 : i32
          %dma_start3A_74 = arith.constant 0 : i32
          %dma_start3A_75 = tpu.memref_slice %arg10[%dma_start3A_73, %dma_start3A_74] : memref<10240x16xf32, #tpu.memory_space<vmem_shared>> -> memref<10240x16xf32, #tpu.memory_space<vmem_shared>>
          tpu.enqueue_indirect_dma source(%arg8 : memref<128x16xf32, #tpu.memory_space<vmem>>) target(%dma_start3A_75 : memref<10240x16xf32, #tpu.memory_space<vmem_shared>>) offsets(%dma_start3A_72 : memref<128xi32, #tpu.memory_space<vmem>>) semaphore(%run_scoped3A_69 : memref<!tpu.dma_semaphore, #tpu.memory_space<semaphore_mem>>) {add = true}
          %dma_wait3A_76 = arith.constant 0 : i32
          %dma_wait3A_77 = tpu.memref_slice %arg6[%add3A_68, %dma_wait3A_76] : memref<79x128xi32, #tpu.memory_space<vmem>> -> memref<1x128xi32, #tpu.memory_space<vmem>>
          %dma_wait3A_78 = tpu.memref_squeeze %dma_wait3A_77 : memref<1x128xi32, #tpu.memory_space<vmem>> -> memref<128xi32, #tpu.memory_space<vmem>>
          %dma_wait3A_79 = arith.constant 0 : i32
          %dma_wait3A_80 = arith.constant 0 : i32
          %dma_wait3A_81 = tpu.memref_slice %arg10[%dma_wait3A_79, %dma_wait3A_80] : memref<10240x16xf32, #tpu.memory_space<vmem_shared>> -> memref<10240x16xf32, #tpu.memory_space<vmem_shared>>
          tpu.wait_indirect_dma semaphore(%run_scoped3A_69 : memref<!tpu.dma_semaphore, #tpu.memory_space<semaphore_mem>>) src(%arg8 : memref<128x16xf32, #tpu.memory_space<vmem>>) dst(%dma_wait3A_81 : memref<10240x16xf32, #tpu.memory_space<vmem_shared>>)
          tpu.yield
        }) : () -> ()
      }
      %scan3A_32 = arith.constant 39 : i32
      %lt3A = arith.constant 4 : i32
      %lt3A_33 = arith.cmpi slt, %arg1, %lt3A : i32
      %convert_element_type3A_34 = arith.extui %lt3A_33 : i1 to i32
      %cond3A_35 = arith.constant 0 : i32
      %cond3A_36 = arith.cmpi ne, %convert_element_type3A_34, %cond3A_35 : i32
      scf.if %cond3A_36 {
        %add3A = arith.constant 2496 : i32
        %add3A_37 = arith.addi %add3A, %arg1 : i32
        %run_scoped3A_38 = arith.constant 0 : i32
        "tpu.region"() ({
          %run_scoped3A_54 = tpu.sem_alloc : memref<!tpu.dma_semaphore, #tpu.memory_space<semaphore_mem>>
          %dma_start3A_55 = arith.constant 0 : i32
          %dma_start3A_56 = arith.constant 0 : i32
          %dma_start3A_57 = tpu.memref_slice %arg5[%dma_start3A_55, %dma_start3A_56] : memref<79x128xi32, #tpu.memory_space<vmem>> -> memref<1x128xi32, #tpu.memory_space<vmem>>
          %dma_start3A_58 = arith.constant 0 : i32
          %dma_start3A_59 = tpu.memref_slice %arg3[%run_scoped3A_38, %add3A_37, %dma_start3A_58] : memref<2x2500x128xi32, #tpu.memory_space<hbm>> -> memref<1x1x128xi32, #tpu.memory_space<hbm>>
          %dma_start3A_60 = tpu.memref_squeeze %dma_start3A_59 : memref<1x1x128xi32, #tpu.memory_space<hbm>> -> memref<1x128xi32, #tpu.memory_space<hbm>>
          %dma_start3A_61 = arith.constant 0 : i32
          %dma_start3A_62 = arith.constant 0 : i32
          %dma_start3A_63 = tpu.memref_slice %arg5[%dma_start3A_61, %dma_start3A_62] : memref<79x128xi32, #tpu.memory_space<vmem>> -> memref<1x128xi32, #tpu.memory_space<vmem>>
          %dma_start3A_64 = arith.constant 0 : i32
          %dma_start3A_65 = tpu.memref_slice %arg3[%run_scoped3A_38, %add3A_37, %dma_start3A_64] : memref<2x2500x128xi32, #tpu.memory_space<hbm>> -> memref<1x1x128xi32, #tpu.memory_space<hbm>>
          %dma_start3A_66 = tpu.memref_squeeze %dma_start3A_65 : memref<1x1x128xi32, #tpu.memory_space<hbm>> -> memref<1x128xi32, #tpu.memory_space<hbm>>
          tpu.enqueue_dma source(%dma_start3A_66 : memref<1x128xi32, #tpu.memory_space<hbm>>) target(%dma_start3A_63 : memref<1x128xi32, #tpu.memory_space<vmem>>) target_semaphore(%run_scoped3A_54 : memref<!tpu.dma_semaphore, #tpu.memory_space<semaphore_mem>>)
          %dma_wait3A_67 = arith.constant 0 : i32
          %dma_wait3A_68 = arith.constant 0 : i32
          %dma_wait3A_69 = tpu.memref_slice %arg5[%dma_wait3A_67, %dma_wait3A_68] : memref<79x128xi32, #tpu.memory_space<vmem>> -> memref<1x128xi32, #tpu.memory_space<vmem>>
          %dma_wait3A_70 = arith.constant 0 : i32
          %dma_wait3A_71 = tpu.memref_slice %arg3[%run_scoped3A_38, %add3A_37, %dma_wait3A_70] : memref<2x2500x128xi32, #tpu.memory_space<hbm>> -> memref<1x1x128xi32, #tpu.memory_space<hbm>>
          %dma_wait3A_72 = tpu.memref_squeeze %dma_wait3A_71 : memref<1x1x128xi32, #tpu.memory_space<hbm>> -> memref<1x128xi32, #tpu.memory_space<hbm>>
          %dma_wait3A_73 = arith.constant 0 : i32
          %dma_wait3A_74 = arith.constant 0 : i32
          %dma_wait3A_75 = tpu.memref_slice %arg5[%dma_wait3A_73, %dma_wait3A_74] : memref<79x128xi32, #tpu.memory_space<vmem>> -> memref<1x128xi32, #tpu.memory_space<vmem>>
          %dma_wait3A_76 = arith.constant 0 : i32
          %dma_wait3A_77 = tpu.memref_slice %arg3[%run_scoped3A_38, %add3A_37, %dma_wait3A_76] : memref<2x2500x128xi32, #tpu.memory_space<hbm>> -> memref<1x1x128xi32, #tpu.memory_space<hbm>>
          %dma_wait3A_78 = tpu.memref_squeeze %dma_wait3A_77 : memref<1x1x128xi32, #tpu.memory_space<hbm>> -> memref<1x128xi32, #tpu.memory_space<hbm>>
          tpu.wait_dma2 semaphore(%run_scoped3A_54 : memref<!tpu.dma_semaphore, #tpu.memory_space<semaphore_mem>>) src(%dma_wait3A_78 : memref<1x128xi32, #tpu.memory_space<hbm>>) dst(%dma_wait3A_75 : memref<1x128xi32, #tpu.memory_space<vmem>>)
          tpu.yield
        }) : () -> ()
        %run_scoped3A_39 = arith.constant 1 : i32
        "tpu.region"() ({
          %run_scoped3A_54 = tpu.sem_alloc : memref<!tpu.dma_semaphore, #tpu.memory_space<semaphore_mem>>
          %dma_start3A_55 = arith.constant 0 : i32
          %dma_start3A_56 = arith.constant 0 : i32
          %dma_start3A_57 = tpu.memref_slice %arg6[%dma_start3A_55, %dma_start3A_56] : memref<79x128xi32, #tpu.memory_space<vmem>> -> memref<1x128xi32, #tpu.memory_space<vmem>>
          %dma_start3A_58 = arith.constant 0 : i32
          %dma_start3A_59 = tpu.memref_slice %arg3[%run_scoped3A_39, %add3A_37, %dma_start3A_58] : memref<2x2500x128xi32, #tpu.memory_space<hbm>> -> memref<1x1x128xi32, #tpu.memory_space<hbm>>
          %dma_start3A_60 = tpu.memref_squeeze %dma_start3A_59 : memref<1x1x128xi32, #tpu.memory_space<hbm>> -> memref<1x128xi32, #tpu.memory_space<hbm>>
          %dma_start3A_61 = arith.constant 0 : i32
          %dma_start3A_62 = arith.constant 0 : i32
          %dma_start3A_63 = tpu.memref_slice %arg6[%dma_start3A_61, %dma_start3A_62] : memref<79x128xi32, #tpu.memory_space<vmem>> -> memref<1x128xi32, #tpu.memory_space<vmem>>
          %dma_start3A_64 = arith.constant 0 : i32
          %dma_start3A_65 = tpu.memref_slice %arg3[%run_scoped3A_39, %add3A_37, %dma_start3A_64] : memref<2x2500x128xi32, #tpu.memory_space<hbm>> -> memref<1x1x128xi32, #tpu.memory_space<hbm>>
          %dma_start3A_66 = tpu.memref_squeeze %dma_start3A_65 : memref<1x1x128xi32, #tpu.memory_space<hbm>> -> memref<1x128xi32, #tpu.memory_space<hbm>>
          tpu.enqueue_dma source(%dma_start3A_66 : memref<1x128xi32, #tpu.memory_space<hbm>>) target(%dma_start3A_63 : memref<1x128xi32, #tpu.memory_space<vmem>>) target_semaphore(%run_scoped3A_54 : memref<!tpu.dma_semaphore, #tpu.memory_space<semaphore_mem>>)
          %dma_wait3A_67 = arith.constant 0 : i32
          %dma_wait3A_68 = arith.constant 0 : i32
          %dma_wait3A_69 = tpu.memref_slice %arg6[%dma_wait3A_67, %dma_wait3A_68] : memref<79x128xi32, #tpu.memory_space<vmem>> -> memref<1x128xi32, #tpu.memory_space<vmem>>
          %dma_wait3A_70 = arith.constant 0 : i32
          %dma_wait3A_71 = tpu.memref_slice %arg3[%run_scoped3A_39, %add3A_37, %dma_wait3A_70] : memref<2x2500x128xi32, #tpu.memory_space<hbm>> -> memref<1x1x128xi32, #tpu.memory_space<hbm>>
          %dma_wait3A_72 = tpu.memref_squeeze %dma_wait3A_71 : memref<1x1x128xi32, #tpu.memory_space<hbm>> -> memref<1x128xi32, #tpu.memory_space<hbm>>
          %dma_wait3A_73 = arith.constant 0 : i32
          %dma_wait3A_74 = arith.constant 0 : i32
          %dma_wait3A_75 = tpu.memref_slice %arg6[%dma_wait3A_73, %dma_wait3A_74] : memref<79x128xi32, #tpu.memory_space<vmem>> -> memref<1x128xi32, #tpu.memory_space<vmem>>
          %dma_wait3A_76 = arith.constant 0 : i32
          %dma_wait3A_77 = tpu.memref_slice %arg3[%run_scoped3A_39, %add3A_37, %dma_wait3A_76] : memref<2x2500x128xi32, #tpu.memory_space<hbm>> -> memref<1x1x128xi32, #tpu.memory_space<hbm>>
          %dma_wait3A_78 = tpu.memref_squeeze %dma_wait3A_77 : memref<1x1x128xi32, #tpu.memory_space<hbm>> -> memref<1x128xi32, #tpu.memory_space<hbm>>
          tpu.wait_dma2 semaphore(%run_scoped3A_54 : memref<!tpu.dma_semaphore, #tpu.memory_space<semaphore_mem>>) src(%dma_wait3A_78 : memref<1x128xi32, #tpu.memory_space<hbm>>) dst(%dma_wait3A_75 : memref<1x128xi32, #tpu.memory_space<vmem>>)
          tpu.yield
        }) : () -> ()
        %dma_start3A_40 = arith.constant 0 : i32
        %dma_start3A_41 = arith.constant 0 : i32
        %dma_start3A_42 = tpu.memref_slice %arg5[%dma_start3A_40, %dma_start3A_41] : memref<79x128xi32, #tpu.memory_space<vmem>> -> memref<1x128xi32, #tpu.memory_space<vmem>>
        %dma_start3A_43 = tpu.memref_squeeze %dma_start3A_42 : memref<1x128xi32, #tpu.memory_space<vmem>> -> memref<128xi32, #tpu.memory_space<vmem>>
        %dma_start3A_44 = arith.constant 0 : i32
        %dma_start3A_45 = arith.constant 0 : i32
        %dma_start3A_46 = tpu.memref_slice %arg2[%dma_start3A_44, %dma_start3A_45] : memref<10000x16xf32, #tpu.memory_space<hbm>> -> memref<10000x16xf32, #tpu.memory_space<hbm>>
        tpu.enqueue_indirect_dma source(%dma_start3A_46 : memref<10000x16xf32, #tpu.memory_space<hbm>>) target(%arg7 : memref<128x16xf32, #tpu.memory_space<vmem>>) offsets(%dma_start3A_43 : memref<128xi32, #tpu.memory_space<vmem>>) semaphore(%arg11 : memref<!tpu.dma_semaphore, #tpu.memory_space<semaphore_mem>>)
        %dma_wait3A = arith.constant 0 : i32
        %dma_wait3A_47 = arith.constant 0 : i32
        %dma_wait3A_48 = tpu.memref_slice %arg5[%dma_wait3A, %dma_wait3A_47] : memref<79x128xi32, #tpu.memory_space<vmem>> -> memref<1x128xi32, #tpu.memory_space<vmem>>
        %dma_wait3A_49 = tpu.memref_squeeze %dma_wait3A_48 : memref<1x128xi32, #tpu.memory_space<vmem>> -> memref<128xi32, #tpu.memory_space<vmem>>
        %dma_wait3A_50 = arith.constant 0 : i32
        %dma_wait3A_51 = arith.constant 0 : i32
        %dma_wait3A_52 = tpu.memref_slice %arg2[%dma_wait3A_50, %dma_wait3A_51] : memref<10000x16xf32, #tpu.memory_space<hbm>> -> memref<10000x16xf32, #tpu.memory_space<hbm>>
        tpu.wait_indirect_dma semaphore(%arg11 : memref<!tpu.dma_semaphore, #tpu.memory_space<semaphore_mem>>) src(%dma_wait3A_52 : memref<10000x16xf32, #tpu.memory_space<hbm>>) dst(%arg7 : memref<128x16xf32, #tpu.memory_space<vmem>>)
        %run_scoped3A_53 = arith.constant 0 : i32
        "tpu.region"() ({
          %run_scoped3A_54 = tpu.sem_alloc : memref<!tpu.dma_semaphore, #tpu.memory_space<semaphore_mem>>
          %dma_start3A_55 = arith.constant 0 : i32
          %dma_start3A_56 = tpu.memref_slice %arg6[%run_scoped3A_53, %dma_start3A_55] : memref<79x128xi32, #tpu.memory_space<vmem>> -> memref<1x128xi32, #tpu.memory_space<vmem>>
          %dma_start3A_57 = tpu.memref_squeeze %dma_start3A_56 : memref<1x128xi32, #tpu.memory_space<vmem>> -> memref<128xi32, #tpu.memory_space<vmem>>
          %dma_start3A_58 = arith.constant 0 : i32
          %dma_start3A_59 = arith.constant 0 : i32
          %dma_start3A_60 = tpu.memref_slice %arg10[%dma_start3A_58, %dma_start3A_59] : memref<10240x16xf32, #tpu.memory_space<vmem_shared>> -> memref<10240x16xf32, #tpu.memory_space<vmem_shared>>
          tpu.enqueue_indirect_dma source(%arg7 : memref<128x16xf32, #tpu.memory_space<vmem>>) target(%dma_start3A_60 : memref<10240x16xf32, #tpu.memory_space<vmem_shared>>) offsets(%dma_start3A_57 : memref<128xi32, #tpu.memory_space<vmem>>) semaphore(%run_scoped3A_54 : memref<!tpu.dma_semaphore, #tpu.memory_space<semaphore_mem>>) {add = true}
          %dma_wait3A_61 = arith.constant 0 : i32
          %dma_wait3A_62 = tpu.memref_slice %arg6[%run_scoped3A_53, %dma_wait3A_61] : memref<79x128xi32, #tpu.memory_space<vmem>> -> memref<1x128xi32, #tpu.memory_space<vmem>>
          %dma_wait3A_63 = tpu.memref_squeeze %dma_wait3A_62 : memref<1x128xi32, #tpu.memory_space<vmem>> -> memref<128xi32, #tpu.memory_space<vmem>>
          %dma_wait3A_64 = arith.constant 0 : i32
          %dma_wait3A_65 = arith.constant 0 : i32
          %dma_wait3A_66 = tpu.memref_slice %arg10[%dma_wait3A_64, %dma_wait3A_65] : memref<10240x16xf32, #tpu.memory_space<vmem_shared>> -> memref<10240x16xf32, #tpu.memory_space<vmem_shared>>
          tpu.wait_indirect_dma semaphore(%run_scoped3A_54 : memref<!tpu.dma_semaphore, #tpu.memory_space<semaphore_mem>>) src(%arg7 : memref<128x16xf32, #tpu.memory_space<vmem>>) dst(%dma_wait3A_66 : memref<10240x16xf32, #tpu.memory_space<vmem_shared>>)
          tpu.yield
        }) : () -> ()
      } else {
      }
    } else {
    }
    %eq3A_8 = arith.constant 1 : i32
    %eq3A_9 = arith.cmpi eq, %arg0, %eq3A_8 : i32
    %convert_element_type3A_10 = arith.extui %eq3A_9 : i1 to i32
    %cond3A_11 = arith.constant 0 : i32
    %cond3A_12 = arith.cmpi ne, %convert_element_type3A_10, %cond3A_11 : i32
    scf.if %cond3A_12 {
      %mul3A_18 = arith.constant 78 : i32
      %mul3A_19 = arith.muli %arg1, %mul3A_18 : i32
      %add3A = arith.constant 1248 : i32
      %add3A_20 = arith.addi %add3A, %mul3A_19 : i32
      %run_scoped3A = arith.constant 0 : i32
      "tpu.region"() ({
        %run_scoped3A_34 = tpu.sem_alloc : memref<!tpu.dma_semaphore, #tpu.memory_space<semaphore_mem>>
        %dma_start3A_35 = arith.constant 0 : i32
        %dma_start3A_36 = arith.constant 0 : i32
        %dma_start3A_37 = tpu.memref_slice %arg5[%dma_start3A_35, %dma_start3A_36] : memref<79x128xi32, #tpu.memory_space<vmem>> -> memref<78x128xi32, #tpu.memory_space<vmem>>
        %dma_start3A_38 = arith.constant 0 : i32
        %dma_start3A_39 = tpu.memref_slice %arg3[%run_scoped3A, %add3A_20, %dma_start3A_38] : memref<2x2500x128xi32, #tpu.memory_space<hbm>> -> memref<1x78x128xi32, #tpu.memory_space<hbm>>
        %dma_start3A_40 = tpu.memref_squeeze %dma_start3A_39 : memref<1x78x128xi32, #tpu.memory_space<hbm>> -> memref<78x128xi32, #tpu.memory_space<hbm>>
        %dma_start3A_41 = arith.constant 0 : i32
        %dma_start3A_42 = arith.constant 0 : i32
        %dma_start3A_43 = tpu.memref_slice %arg5[%dma_start3A_41, %dma_start3A_42] : memref<79x128xi32, #tpu.memory_space<vmem>> -> memref<78x128xi32, #tpu.memory_space<vmem>>
        %dma_start3A_44 = arith.constant 0 : i32
        %dma_start3A_45 = tpu.memref_slice %arg3[%run_scoped3A, %add3A_20, %dma_start3A_44] : memref<2x2500x128xi32, #tpu.memory_space<hbm>> -> memref<1x78x128xi32, #tpu.memory_space<hbm>>
        %dma_start3A_46 = tpu.memref_squeeze %dma_start3A_45 : memref<1x78x128xi32, #tpu.memory_space<hbm>> -> memref<78x128xi32, #tpu.memory_space<hbm>>
        tpu.enqueue_dma source(%dma_start3A_46 : memref<78x128xi32, #tpu.memory_space<hbm>>) target(%dma_start3A_43 : memref<78x128xi32, #tpu.memory_space<vmem>>) target_semaphore(%run_scoped3A_34 : memref<!tpu.dma_semaphore, #tpu.memory_space<semaphore_mem>>)
        %dma_wait3A = arith.constant 0 : i32
        %dma_wait3A_47 = arith.constant 0 : i32
        %dma_wait3A_48 = tpu.memref_slice %arg5[%dma_wait3A, %dma_wait3A_47] : memref<79x128xi32, #tpu.memory_space<vmem>> -> memref<78x128xi32, #tpu.memory_space<vmem>>
        %dma_wait3A_49 = arith.constant 0 : i32
        %dma_wait3A_50 = tpu.memref_slice %arg3[%run_scoped3A, %add3A_20, %dma_wait3A_49] : memref<2x2500x128xi32, #tpu.memory_space<hbm>> -> memref<1x78x128xi32, #tpu.memory_space<hbm>>
        %dma_wait3A_51 = tpu.memref_squeeze %dma_wait3A_50 : memref<1x78x128xi32, #tpu.memory_space<hbm>> -> memref<78x128xi32, #tpu.memory_space<hbm>>
        %dma_wait3A_52 = arith.constant 0 : i32
        %dma_wait3A_53 = arith.constant 0 : i32
        %dma_wait3A_54 = tpu.memref_slice %arg5[%dma_wait3A_52, %dma_wait3A_53] : memref<79x128xi32, #tpu.memory_space<vmem>> -> memref<78x128xi32, #tpu.memory_space<vmem>>
        %dma_wait3A_55 = arith.constant 0 : i32
        %dma_wait3A_56 = tpu.memref_slice %arg3[%run_scoped3A, %add3A_20, %dma_wait3A_55] : memref<2x2500x128xi32, #tpu.memory_space<hbm>> -> memref<1x78x128xi32, #tpu.memory_space<hbm>>
        %dma_wait3A_57 = tpu.memref_squeeze %dma_wait3A_56 : memref<1x78x128xi32, #tpu.memory_space<hbm>> -> memref<78x128xi32, #tpu.memory_space<hbm>>
        tpu.wait_dma2 semaphore(%run_scoped3A_34 : memref<!tpu.dma_semaphore, #tpu.memory_space<semaphore_mem>>) src(%dma_wait3A_57 : memref<78x128xi32, #tpu.memory_space<hbm>>) dst(%dma_wait3A_54 : memref<78x128xi32, #tpu.memory_space<vmem>>)
        tpu.yield
      }) : () -> ()
      %run_scoped3A_21 = arith.constant 1 : i32
      "tpu.region"() ({
        %run_scoped3A_34 = tpu.sem_alloc : memref<!tpu.dma_semaphore, #tpu.memory_space<semaphore_mem>>
        %dma_start3A_35 = arith.constant 0 : i32
        %dma_start3A_36 = arith.constant 0 : i32
        %dma_start3A_37 = tpu.memref_slice %arg6[%dma_start3A_35, %dma_start3A_36] : memref<79x128xi32, #tpu.memory_space<vmem>> -> memref<78x128xi32, #tpu.memory_space<vmem>>
        %dma_start3A_38 = arith.constant 0 : i32
        %dma_start3A_39 = tpu.memref_slice %arg3[%run_scoped3A_21, %add3A_20, %dma_start3A_38] : memref<2x2500x128xi32, #tpu.memory_space<hbm>> -> memref<1x78x128xi32, #tpu.memory_space<hbm>>
        %dma_start3A_40 = tpu.memref_squeeze %dma_start3A_39 : memref<1x78x128xi32, #tpu.memory_space<hbm>> -> memref<78x128xi32, #tpu.memory_space<hbm>>
        %dma_start3A_41 = arith.constant 0 : i32
        %dma_start3A_42 = arith.constant 0 : i32
        %dma_start3A_43 = tpu.memref_slice %arg6[%dma_start3A_41, %dma_start3A_42] : memref<79x128xi32, #tpu.memory_space<vmem>> -> memref<78x128xi32, #tpu.memory_space<vmem>>
        %dma_start3A_44 = arith.constant 0 : i32
        %dma_start3A_45 = tpu.memref_slice %arg3[%run_scoped3A_21, %add3A_20, %dma_start3A_44] : memref<2x2500x128xi32, #tpu.memory_space<hbm>> -> memref<1x78x128xi32, #tpu.memory_space<hbm>>
        %dma_start3A_46 = tpu.memref_squeeze %dma_start3A_45 : memref<1x78x128xi32, #tpu.memory_space<hbm>> -> memref<78x128xi32, #tpu.memory_space<hbm>>
        tpu.enqueue_dma source(%dma_start3A_46 : memref<78x128xi32, #tpu.memory_space<hbm>>) target(%dma_start3A_43 : memref<78x128xi32, #tpu.memory_space<vmem>>) target_semaphore(%run_scoped3A_34 : memref<!tpu.dma_semaphore, #tpu.memory_space<semaphore_mem>>)
        %dma_wait3A = arith.constant 0 : i32
        %dma_wait3A_47 = arith.constant 0 : i32
        %dma_wait3A_48 = tpu.memref_slice %arg6[%dma_wait3A, %dma_wait3A_47] : memref<79x128xi32, #tpu.memory_space<vmem>> -> memref<78x128xi32, #tpu.memory_space<vmem>>
        %dma_wait3A_49 = arith.constant 0 : i32
        %dma_wait3A_50 = tpu.memref_slice %arg3[%run_scoped3A_21, %add3A_20, %dma_wait3A_49] : memref<2x2500x128xi32, #tpu.memory_space<hbm>> -> memref<1x78x128xi32, #tpu.memory_space<hbm>>
        %dma_wait3A_51 = tpu.memref_squeeze %dma_wait3A_50 : memref<1x78x128xi32, #tpu.memory_space<hbm>> -> memref<78x128xi32, #tpu.memory_space<hbm>>
        %dma_wait3A_52 = arith.constant 0 : i32
        %dma_wait3A_53 = arith.constant 0 : i32
        %dma_wait3A_54 = tpu.memref_slice %arg6[%dma_wait3A_52, %dma_wait3A_53] : memref<79x128xi32, #tpu.memory_space<vmem>> -> memref<78x128xi32, #tpu.memory_space<vmem>>
        %dma_wait3A_55 = arith.constant 0 : i32
        %dma_wait3A_56 = tpu.memref_slice %arg3[%run_scoped3A_21, %add3A_20, %dma_wait3A_55] : memref<2x2500x128xi32, #tpu.memory_space<hbm>> -> memref<1x78x128xi32, #tpu.memory_space<hbm>>
        %dma_wait3A_57 = tpu.memref_squeeze %dma_wait3A_56 : memref<1x78x128xi32, #tpu.memory_space<hbm>> -> memref<78x128xi32, #tpu.memory_space<hbm>>
        tpu.wait_dma2 semaphore(%run_scoped3A_34 : memref<!tpu.dma_semaphore, #tpu.memory_space<semaphore_mem>>) src(%dma_wait3A_57 : memref<78x128xi32, #tpu.memory_space<hbm>>) dst(%dma_wait3A_54 : memref<78x128xi32, #tpu.memory_space<vmem>>)
        tpu.yield
      }) : () -> ()
      %dma_start3A = arith.constant 0 : i32
      %dma_start3A_22 = arith.constant 0 : i32
      %dma_start3A_23 = tpu.memref_slice %arg5[%dma_start3A, %dma_start3A_22] : memref<79x128xi32, #tpu.memory_space<vmem>> -> memref<1x128xi32, #tpu.memory_space<vmem>>
      %dma_start3A_24 = tpu.memref_squeeze %dma_start3A_23 : memref<1x128xi32, #tpu.memory_space<vmem>> -> memref<128xi32, #tpu.memory_space<vmem>>
      %dma_start3A_25 = arith.constant 0 : i32
      %dma_start3A_26 = arith.constant 0 : i32
      %dma_start3A_27 = tpu.memref_slice %arg2[%dma_start3A_25, %dma_start3A_26] : memref<10000x16xf32, #tpu.memory_space<hbm>> -> memref<10000x16xf32, #tpu.memory_space<hbm>>
      tpu.enqueue_indirect_dma source(%dma_start3A_27 : memref<10000x16xf32, #tpu.memory_space<hbm>>) target(%arg7 : memref<128x16xf32, #tpu.memory_space<vmem>>) offsets(%dma_start3A_24 : memref<128xi32, #tpu.memory_space<vmem>>) semaphore(%arg11 : memref<!tpu.dma_semaphore, #tpu.memory_space<semaphore_mem>>)
      %scan3A_28 = arith.constant 0 : i32
      %scan3A_29 = arith.constant 0 : i32
      %scan3A_30 = arith.constant 39 : i32
      %scan3A_31 = arith.addi %scan3A_29, %scan3A_30 : i32
      %scan3A_32 = arith.constant 1 : i32
      scf.for %scan3A_34 = %scan3A_29 to %scan3A_31 step %scan3A_32  : i32 {
        %mul3A_35 = arith.constant 2 : i32
        %mul3A_36 = arith.muli %mul3A_35, %scan3A_34 : i32
        %add3A_37 = arith.constant 1 : i32
        %add3A_38 = arith.addi %mul3A_36, %add3A_37 : i32
        %dma_start3A_39 = arith.constant 0 : i32
        %dma_start3A_40 = tpu.memref_slice %arg5[%add3A_38, %dma_start3A_39] : memref<79x128xi32, #tpu.memory_space<vmem>> -> memref<1x128xi32, #tpu.memory_space<vmem>>
        %dma_start3A_41 = tpu.memref_squeeze %dma_start3A_40 : memref<1x128xi32, #tpu.memory_space<vmem>> -> memref<128xi32, #tpu.memory_space<vmem>>
        %dma_start3A_42 = arith.constant 0 : i32
        %dma_start3A_43 = arith.constant 0 : i32
        %dma_start3A_44 = tpu.memref_slice %arg2[%dma_start3A_42, %dma_start3A_43] : memref<10000x16xf32, #tpu.memory_space<hbm>> -> memref<10000x16xf32, #tpu.memory_space<hbm>>
        tpu.enqueue_indirect_dma source(%dma_start3A_44 : memref<10000x16xf32, #tpu.memory_space<hbm>>) target(%arg8 : memref<128x16xf32, #tpu.memory_space<vmem>>) offsets(%dma_start3A_41 : memref<128xi32, #tpu.memory_space<vmem>>) semaphore(%arg12 : memref<!tpu.dma_semaphore, #tpu.memory_space<semaphore_mem>>)
        %dma_wait3A = arith.constant 0 : i32
        %dma_wait3A_45 = tpu.memref_slice %arg5[%mul3A_36, %dma_wait3A] : memref<79x128xi32, #tpu.memory_space<vmem>> -> memref<1x128xi32, #tpu.memory_space<vmem>>
        %dma_wait3A_46 = tpu.memref_squeeze %dma_wait3A_45 : memref<1x128xi32, #tpu.memory_space<vmem>> -> memref<128xi32, #tpu.memory_space<vmem>>
        %dma_wait3A_47 = arith.constant 0 : i32
        %dma_wait3A_48 = arith.constant 0 : i32
        %dma_wait3A_49 = tpu.memref_slice %arg2[%dma_wait3A_47, %dma_wait3A_48] : memref<10000x16xf32, #tpu.memory_space<hbm>> -> memref<10000x16xf32, #tpu.memory_space<hbm>>
        tpu.wait_indirect_dma semaphore(%arg11 : memref<!tpu.dma_semaphore, #tpu.memory_space<semaphore_mem>>) src(%dma_wait3A_49 : memref<10000x16xf32, #tpu.memory_space<hbm>>) dst(%arg7 : memref<128x16xf32, #tpu.memory_space<vmem>>)
        "tpu.region"() ({
          %run_scoped3A_66 = tpu.sem_alloc : memref<!tpu.dma_semaphore, #tpu.memory_space<semaphore_mem>>
          %dma_start3A_67 = arith.constant 0 : i32
          %dma_start3A_68 = tpu.memref_slice %arg6[%mul3A_36, %dma_start3A_67] : memref<79x128xi32, #tpu.memory_space<vmem>> -> memref<1x128xi32, #tpu.memory_space<vmem>>
          %dma_start3A_69 = tpu.memref_squeeze %dma_start3A_68 : memref<1x128xi32, #tpu.memory_space<vmem>> -> memref<128xi32, #tpu.memory_space<vmem>>
          %dma_start3A_70 = arith.constant 0 : i32
          %dma_start3A_71 = arith.constant 0 : i32
          %dma_start3A_72 = tpu.memref_slice %arg10[%dma_start3A_70, %dma_start3A_71] : memref<10240x16xf32, #tpu.memory_space<vmem_shared>> -> memref<10240x16xf32, #tpu.memory_space<vmem_shared>>
          tpu.enqueue_indirect_dma source(%arg7 : memref<128x16xf32, #tpu.memory_space<vmem>>) target(%dma_start3A_72 : memref<10240x16xf32, #tpu.memory_space<vmem_shared>>) offsets(%dma_start3A_69 : memref<128xi32, #tpu.memory_space<vmem>>) semaphore(%run_scoped3A_66 : memref<!tpu.dma_semaphore, #tpu.memory_space<semaphore_mem>>) {add = true}
          %dma_wait3A_73 = arith.constant 0 : i32
          %dma_wait3A_74 = tpu.memref_slice %arg6[%mul3A_36, %dma_wait3A_73] : memref<79x128xi32, #tpu.memory_space<vmem>> -> memref<1x128xi32, #tpu.memory_space<vmem>>
          %dma_wait3A_75 = tpu.memref_squeeze %dma_wait3A_74 : memref<1x128xi32, #tpu.memory_space<vmem>> -> memref<128xi32, #tpu.memory_space<vmem>>
          %dma_wait3A_76 = arith.constant 0 : i32
          %dma_wait3A_77 = arith.constant 0 : i32
          %dma_wait3A_78 = tpu.memref_slice %arg10[%dma_wait3A_76, %dma_wait3A_77] : memref<10240x16xf32, #tpu.memory_space<vmem_shared>> -> memref<10240x16xf32, #tpu.memory_space<vmem_shared>>
          tpu.wait_indirect_dma semaphore(%run_scoped3A_66 : memref<!tpu.dma_semaphore, #tpu.memory_space<semaphore_mem>>) src(%arg7 : memref<128x16xf32, #tpu.memory_space<vmem>>) dst(%dma_wait3A_78 : memref<10240x16xf32, #tpu.memory_space<vmem_shared>>)
          tpu.yield
        }) : () -> ()
        %add3A_50 = arith.constant 2 : i32
        %add3A_51 = arith.addi %mul3A_36, %add3A_50 : i32
        %lt3A = arith.constant 78 : i32
        %lt3A_52 = arith.cmpi slt, %add3A_51, %lt3A : i32
        %convert_element_type3A_53 = arith.extui %lt3A_52 : i1 to i32
        %cond3A_54 = arith.constant 0 : i32
        %cond3A_55 = arith.cmpi ne, %convert_element_type3A_53, %cond3A_54 : i32
        scf.if %cond3A_55 {
          %add3A_66 = arith.constant 2 : i32
          %add3A_67 = arith.addi %mul3A_36, %add3A_66 : i32
          %dma_start3A_68 = arith.constant 0 : i32
          %dma_start3A_69 = tpu.memref_slice %arg5[%add3A_67, %dma_start3A_68] : memref<79x128xi32, #tpu.memory_space<vmem>> -> memref<1x128xi32, #tpu.memory_space<vmem>>
          %dma_start3A_70 = tpu.memref_squeeze %dma_start3A_69 : memref<1x128xi32, #tpu.memory_space<vmem>> -> memref<128xi32, #tpu.memory_space<vmem>>
          %dma_start3A_71 = arith.constant 0 : i32
          %dma_start3A_72 = arith.constant 0 : i32
          %dma_start3A_73 = tpu.memref_slice %arg2[%dma_start3A_71, %dma_start3A_72] : memref<10000x16xf32, #tpu.memory_space<hbm>> -> memref<10000x16xf32, #tpu.memory_space<hbm>>
          tpu.enqueue_indirect_dma source(%dma_start3A_73 : memref<10000x16xf32, #tpu.memory_space<hbm>>) target(%arg7 : memref<128x16xf32, #tpu.memory_space<vmem>>) offsets(%dma_start3A_70 : memref<128xi32, #tpu.memory_space<vmem>>) semaphore(%arg11 : memref<!tpu.dma_semaphore, #tpu.memory_space<semaphore_mem>>)
        } else {
        }
        %add3A_56 = arith.constant 1 : i32
        %add3A_57 = arith.addi %mul3A_36, %add3A_56 : i32
        %dma_wait3A_58 = arith.constant 0 : i32
        %dma_wait3A_59 = tpu.memref_slice %arg5[%add3A_57, %dma_wait3A_58] : memref<79x128xi32, #tpu.memory_space<vmem>> -> memref<1x128xi32, #tpu.memory_space<vmem>>
        %dma_wait3A_60 = tpu.memref_squeeze %dma_wait3A_59 : memref<1x128xi32, #tpu.memory_space<vmem>> -> memref<128xi32, #tpu.memory_space<vmem>>
        %dma_wait3A_61 = arith.constant 0 : i32
        %dma_wait3A_62 = arith.constant 0 : i32
        %dma_wait3A_63 = tpu.memref_slice %arg2[%dma_wait3A_61, %dma_wait3A_62] : memref<10000x16xf32, #tpu.memory_space<hbm>> -> memref<10000x16xf32, #tpu.memory_space<hbm>>
        tpu.wait_indirect_dma semaphore(%arg12 : memref<!tpu.dma_semaphore, #tpu.memory_space<semaphore_mem>>) src(%dma_wait3A_63 : memref<10000x16xf32, #tpu.memory_space<hbm>>) dst(%arg8 : memref<128x16xf32, #tpu.memory_space<vmem>>)
        %add3A_64 = arith.constant 1 : i32
        %add3A_65 = arith.addi %mul3A_36, %add3A_64 : i32
        "tpu.region"() ({
          %run_scoped3A_66 = tpu.sem_alloc : memref<!tpu.dma_semaphore, #tpu.memory_space<semaphore_mem>>
          %dma_start3A_67 = arith.constant 0 : i32
          %dma_start3A_68 = tpu.memref_slice %arg6[%add3A_65, %dma_start3A_67] : memref<79x128xi32, #tpu.memory_space<vmem>> -> memref<1x128xi32, #tpu.memory_space<vmem>>
          %dma_start3A_69 = tpu.memref_squeeze %dma_start3A_68 : memref<1x128xi32, #tpu.memory_space<vmem>> -> memref<128xi32, #tpu.memory_space<vmem>>
          %dma_start3A_70 = arith.constant 0 : i32
          %dma_start3A_71 = arith.constant 0 : i32
          %dma_start3A_72 = tpu.memref_slice %arg10[%dma_start3A_70, %dma_start3A_71] : memref<10240x16xf32, #tpu.memory_space<vmem_shared>> -> memref<10240x16xf32, #tpu.memory_space<vmem_shared>>
          tpu.enqueue_indirect_dma source(%arg8 : memref<128x16xf32, #tpu.memory_space<vmem>>) target(%dma_start3A_72 : memref<10240x16xf32, #tpu.memory_space<vmem_shared>>) offsets(%dma_start3A_69 : memref<128xi32, #tpu.memory_space<vmem>>) semaphore(%run_scoped3A_66 : memref<!tpu.dma_semaphore, #tpu.memory_space<semaphore_mem>>) {add = true}
          %dma_wait3A_73 = arith.constant 0 : i32
          %dma_wait3A_74 = tpu.memref_slice %arg6[%add3A_65, %dma_wait3A_73] : memref<79x128xi32, #tpu.memory_space<vmem>> -> memref<1x128xi32, #tpu.memory_space<vmem>>
          %dma_wait3A_75 = tpu.memref_squeeze %dma_wait3A_74 : memref<1x128xi32, #tpu.memory_space<vmem>> -> memref<128xi32, #tpu.memory_space<vmem>>
          %dma_wait3A_76 = arith.constant 0 : i32
          %dma_wait3A_77 = arith.constant 0 : i32
          %dma_wait3A_78 = tpu.memref_slice %arg10[%dma_wait3A_76, %dma_wait3A_77] : memref<10240x16xf32, #tpu.memory_space<vmem_shared>> -> memref<10240x16xf32, #tpu.memory_space<vmem_shared>>
          tpu.wait_indirect_dma semaphore(%run_scoped3A_66 : memref<!tpu.dma_semaphore, #tpu.memory_space<semaphore_mem>>) src(%arg8 : memref<128x16xf32, #tpu.memory_space<vmem>>) dst(%dma_wait3A_78 : memref<10240x16xf32, #tpu.memory_space<vmem_shared>>)
          tpu.yield
        }) : () -> ()
      }
      %scan3A_33 = arith.constant 39 : i32
    } else {
    }
    %barrier3A_13 = arith.constant 0 : index
    tpu.barrier barrier_id(%barrier3A_13)
    %mul3A_14 = arith.constant 640 : i32
    %mul3A_15 = arith.muli %arg1, %mul3A_14 : i32
    %mul3A_16 = arith.constant 640 : i32
    %mul3A_17 = arith.muli %arg1, %mul3A_16 : i32
    "tpu.region"() ({
      %run_scoped3A = tpu.sem_alloc : memref<!tpu.dma_semaphore, #tpu.memory_space<semaphore_mem>>
      %dma_start3A = arith.constant 0 : i32
      %dma_start3A_18 = tpu.memref_slice %arg4[%arg0, %mul3A_17, %dma_start3A] : memref<2x10240x16xf32, #tpu.memory_space<hbm>> -> memref<1x640x16xf32, #tpu.memory_space<hbm>>
      %dma_start3A_19 = tpu.memref_squeeze %dma_start3A_18 : memref<1x640x16xf32, #tpu.memory_space<hbm>> -> memref<640x16xf32, #tpu.memory_space<hbm>>
      %dma_start3A_20 = arith.constant 0 : i32
      %dma_start3A_21 = tpu.memref_slice %arg10[%mul3A_15, %dma_start3A_20] : memref<10240x16xf32, #tpu.memory_space<vmem_shared>> -> memref<640x16xf32, #tpu.memory_space<vmem_shared>>
      tpu.enqueue_dma source(%dma_start3A_21 : memref<640x16xf32, #tpu.memory_space<vmem_shared>>) target(%dma_start3A_19 : memref<640x16xf32, #tpu.memory_space<hbm>>) target_semaphore(%run_scoped3A : memref<!tpu.dma_semaphore, #tpu.memory_space<semaphore_mem>>)
      %dma_wait3A = arith.constant 0 : i32
      %dma_wait3A_22 = tpu.memref_slice %arg4[%arg0, %mul3A_17, %dma_wait3A] : memref<2x10240x16xf32, #tpu.memory_space<hbm>> -> memref<1x640x16xf32, #tpu.memory_space<hbm>>
      %dma_wait3A_23 = tpu.memref_squeeze %dma_wait3A_22 : memref<1x640x16xf32, #tpu.memory_space<hbm>> -> memref<640x16xf32, #tpu.memory_space<hbm>>
      %dma_wait3A_24 = arith.constant 0 : i32
      %dma_wait3A_25 = tpu.memref_slice %arg10[%mul3A_15, %dma_wait3A_24] : memref<10240x16xf32, #tpu.memory_space<vmem_shared>> -> memref<640x16xf32, #tpu.memory_space<vmem_shared>>
      tpu.wait_dma2 semaphore(%run_scoped3A : memref<!tpu.dma_semaphore, #tpu.memory_space<semaphore_mem>>) src(%dma_wait3A_25 : memref<640x16xf32, #tpu.memory_space<vmem_shared>>) dst(%dma_wait3A_23 : memref<640x16xf32, #tpu.memory_space<hbm>>)
      tpu.yield
    }) : () -> ()
    return
  }
}

#map = affine_map<(d0, d1) -> (0, 0)>
#map1 = affine_map<(d0, d1) -> (0, 0, 0)>
#map2 = affine_map<(d0, d1) -> (0)>
module attributes {stable_mosaic.version = 14 : i64} {
  func.func @_seg2_body(%arg0: i32, %arg1: i32, %arg2: memref<10000x16xf32, #tpu.memory_space<hbm>>, %arg3: memref<2x10240x16xf32, #tpu.memory_space<hbm>>, %arg4: memref<16xf32, #tpu.memory_space<hbm>>, %arg5: memref<2x2500x128xi32, #tpu.memory_space<hbm>>, %arg6: memref<2x10240x16xf32, #tpu.memory_space<hbm>>, %arg7: memref<10000x16xf32, #tpu.memory_space<hbm>>, %arg8: memref<10000x16xf32, #tpu.memory_space<hbm>>, %arg9: memref<79x128xi32, #tpu.memory_space<vmem>>, %arg10: memref<79x128xi32, #tpu.memory_space<vmem>>, %arg11: memref<128x16xf32, #tpu.memory_space<vmem>>, %arg12: memref<128x16xf32, #tpu.memory_space<vmem>>, %arg13: memref<640x16xf32, #tpu.memory_space<vmem>>, %arg14: memref<640x16xf32, #tpu.memory_space<vmem>>, %arg15: memref<640x16xf32, #tpu.memory_space<vmem>>, %arg16: memref<640x16xf32, #tpu.memory_space<vmem>>, %arg17: memref<16xf32, #tpu.memory_space<vmem>>, %arg18: memref<10240x16xf32, #tpu.memory_space<vmem_shared>>, %arg19: memref<!tpu.dma_semaphore, #tpu.memory_space<semaphore_mem>>, %arg20: memref<!tpu.dma_semaphore, #tpu.memory_space<semaphore_mem>>) attributes {dimension_semantics = [#tpu.dimension_semantics<core_parallel>, #tpu.dimension_semantics<subcore_parallel>], iteration_bounds = array<i64: 2, 16>, scalar_prefetch = 0 : i64, scratch_operands = 12 : i64, tpu.core_type = #tpu.core_type<sc_vector_subcore>, window_params = [{transform_indices = #map}, {transform_indices = #map1}, {transform_indices = #map2}, {transform_indices = #map1}, {transform_indices = #map1}, {transform_indices = #map}, {transform_indices = #map}]} {
    %scan3A = arith.constant 0 : i32
    %scan3A_0 = arith.constant 0 : i32
    %scan3A_1 = arith.constant 640 : i32
    %scan3A_2 = arith.addi %scan3A_0, %scan3A_1 : i32
    %scan3A_3 = arith.constant 1 : i32
    scf.for %scan3A_48 = %scan3A_0 to %scan3A_2 step %scan3A_3  : i32 {
      %broadcast_in_dim3A = arith.constant 0.000000e+00 : f32
      %broadcast_in_dim3A_49 = vector.broadcast %broadcast_in_dim3A : f32 to vector<16xf32>
      %swap3A = arith.index_cast %scan3A_48 : i32 to index
      %swap3A_50 = arith.constant 0 : index
      %swap3A_51 = tpu.vector_load %arg13[%swap3A, %swap3A_50] {strides = array<i32>} : memref<640x16xf32, #tpu.memory_space<vmem>>, vector<1x16xf32>,
      %swap3A_52 = vector.shape_cast %swap3A_51 : vector<1x16xf32> to vector<16xf32>
      %swap3A_53 = vector.shape_cast %broadcast_in_dim3A_49 : vector<16xf32> to vector<1x16xf32>
      tpu.vector_store %arg13[%swap3A, %swap3A_50], %swap3A_53 {strides = array<i32>} : memref<640x16xf32, #tpu.memory_space<vmem>>, vector<1x16xf32>,
    }
    %scan3A_4 = arith.constant 640 : i32
    %mul3A = arith.constant 640 : i32
    %mul3A_5 = arith.muli %arg1, %mul3A : i32
    "tpu.region"() ({
      %run_scoped3A = tpu.sem_alloc : memref<!tpu.dma_semaphore, #tpu.memory_space<semaphore_mem>>
      %dma_start3A = arith.constant 0 : i32
      %dma_start3A_48 = tpu.memref_slice %arg18[%mul3A_5, %dma_start3A] : memref<10240x16xf32, #tpu.memory_space<vmem_shared>> -> memref<640x16xf32, #tpu.memory_space<vmem_shared>>
      %dma_start3A_49 = arith.constant 0 : i32
      %dma_start3A_50 = tpu.memref_slice %arg18[%mul3A_5, %dma_start3A_49] : memref<10240x16xf32, #tpu.memory_space<vmem_shared>> -> memref<640x16xf32, #tpu.memory_space<vmem_shared>>
      tpu.enqueue_dma source(%arg13 : memref<640x16xf32, #tpu.memory_space<vmem>>) target(%dma_start3A_50 : memref<640x16xf32, #tpu.memory_space<vmem_shared>>) target_semaphore(%run_scoped3A : memref<!tpu.dma_semaphore, #tpu.memory_space<semaphore_mem>>)
      %dma_wait3A = arith.constant 0 : i32
      %dma_wait3A_51 = tpu.memref_slice %arg18[%mul3A_5, %dma_wait3A] : memref<10240x16xf32, #tpu.memory_space<vmem_shared>> -> memref<640x16xf32, #tpu.memory_space<vmem_shared>>
      %dma_wait3A_52 = arith.constant 0 : i32
      %dma_wait3A_53 = tpu.memref_slice %arg18[%mul3A_5, %dma_wait3A_52] : memref<10240x16xf32, #tpu.memory_space<vmem_shared>> -> memref<640x16xf32, #tpu.memory_space<vmem_shared>>
      tpu.wait_dma2 semaphore(%run_scoped3A : memref<!tpu.dma_semaphore, #tpu.memory_space<semaphore_mem>>) src(%arg13 : memref<640x16xf32, #tpu.memory_space<vmem>>) dst(%dma_wait3A_53 : memref<640x16xf32, #tpu.memory_space<vmem_shared>>)
      tpu.yield
    }) : () -> ()
    %eq3A = arith.constant 0 : i32
    %eq3A_6 = arith.cmpi eq, %arg0, %eq3A : i32
    %lt3A = arith.constant 15 : i32
    %lt3A_7 = arith.cmpi slt, %arg1, %lt3A : i32
    %and3A = arith.andi %eq3A_6, %lt3A_7 : i1
    %convert_element_type3A = arith.extui %and3A : i1 to i32
    %cond3A = arith.constant 0 : i32
    %cond3A_8 = arith.cmpi ne, %convert_element_type3A, %cond3A : i32
    scf.if %cond3A_8 {
      %mul3A_48 = arith.constant 640 : i32
      %mul3A_49 = arith.muli %arg1, %mul3A_48 : i32
      "tpu.region"() ({
        %run_scoped3A_59 = tpu.sem_alloc : memref<!tpu.dma_semaphore, #tpu.memory_space<semaphore_mem>>
        %dma_start3A = arith.constant 0 : i32
        %dma_start3A_60 = arith.constant 0 : i32
        %dma_start3A_61 = tpu.memref_slice %arg14[%dma_start3A, %dma_start3A_60] : memref<640x16xf32, #tpu.memory_space<vmem>> -> memref<640x16xf32, #tpu.memory_space<vmem>>
        %dma_start3A_62 = arith.constant 0 : i32
        %dma_start3A_63 = tpu.memref_slice %arg2[%mul3A_49, %dma_start3A_62] : memref<10000x16xf32, #tpu.memory_space<hbm>> -> memref<640x16xf32, #tpu.memory_space<hbm>>
        %dma_start3A_64 = arith.constant 0 : i32
        %dma_start3A_65 = arith.constant 0 : i32
        %dma_start3A_66 = tpu.memref_slice %arg14[%dma_start3A_64, %dma_start3A_65] : memref<640x16xf32, #tpu.memory_space<vmem>> -> memref<640x16xf32, #tpu.memory_space<vmem>>
        %dma_start3A_67 = arith.constant 0 : i32
        %dma_start3A_68 = tpu.memref_slice %arg2[%mul3A_49, %dma_start3A_67] : memref<10000x16xf32, #tpu.memory_space<hbm>> -> memref<640x16xf32, #tpu.memory_space<hbm>>
        tpu.enqueue_dma source(%dma_start3A_68 : memref<640x16xf32, #tpu.memory_space<hbm>>) target(%dma_start3A_66 : memref<640x16xf32, #tpu.memory_space<vmem>>) target_semaphore(%run_scoped3A_59 : memref<!tpu.dma_semaphore, #tpu.memory_space<semaphore_mem>>)
        %dma_wait3A = arith.constant 0 : i32
        %dma_wait3A_69 = arith.constant 0 : i32
        %dma_wait3A_70 = tpu.memref_slice %arg14[%dma_wait3A, %dma_wait3A_69] : memref<640x16xf32, #tpu.memory_space<vmem>> -> memref<640x16xf32, #tpu.memory_space<vmem>>
        %dma_wait3A_71 = arith.constant 0 : i32
        %dma_wait3A_72 = tpu.memref_slice %arg2[%mul3A_49, %dma_wait3A_71] : memref<10000x16xf32, #tpu.memory_space<hbm>> -> memref<640x16xf32, #tpu.memory_space<hbm>>
        %dma_wait3A_73 = arith.constant 0 : i32
        %dma_wait3A_74 = arith.constant 0 : i32
        %dma_wait3A_75 = tpu.memref_slice %arg14[%dma_wait3A_73, %dma_wait3A_74] : memref<640x16xf32, #tpu.memory_space<vmem>> -> memref<640x16xf32, #tpu.memory_space<vmem>>
        %dma_wait3A_76 = arith.constant 0 : i32
        %dma_wait3A_77 = tpu.memref_slice %arg2[%mul3A_49, %dma_wait3A_76] : memref<10000x16xf32, #tpu.memory_space<hbm>> -> memref<640x16xf32, #tpu.memory_space<hbm>>
        tpu.wait_dma2 semaphore(%run_scoped3A_59 : memref<!tpu.dma_semaphore, #tpu.memory_space<semaphore_mem>>) src(%dma_wait3A_77 : memref<640x16xf32, #tpu.memory_space<hbm>>) dst(%dma_wait3A_75 : memref<640x16xf32, #tpu.memory_space<vmem>>)
        tpu.yield
      }) : () -> ()
      %run_scoped3A = arith.constant 0 : i32
      "tpu.region"() ({
        %run_scoped3A_59 = tpu.sem_alloc : memref<!tpu.dma_semaphore, #tpu.memory_space<semaphore_mem>>
        %dma_start3A = arith.constant 0 : i32
        %dma_start3A_60 = arith.constant 0 : i32
        %dma_start3A_61 = tpu.memref_slice %arg15[%dma_start3A, %dma_start3A_60] : memref<640x16xf32, #tpu.memory_space<vmem>> -> memref<640x16xf32, #tpu.memory_space<vmem>>
        %dma_start3A_62 = arith.constant 0 : i32
        %dma_start3A_63 = tpu.memref_slice %arg3[%run_scoped3A, %mul3A_49, %dma_start3A_62] : memref<2x10240x16xf32, #tpu.memory_space<hbm>> -> memref<1x640x16xf32, #tpu.memory_space<hbm>>
        %dma_start3A_64 = tpu.memref_squeeze %dma_start3A_63 : memref<1x640x16xf32, #tpu.memory_space<hbm>> -> memref<640x16xf32, #tpu.memory_space<hbm>>
        %dma_start3A_65 = arith.constant 0 : i32
        %dma_start3A_66 = arith.constant 0 : i32
        %dma_start3A_67 = tpu.memref_slice %arg15[%dma_start3A_65, %dma_start3A_66] : memref<640x16xf32, #tpu.memory_space<vmem>> -> memref<640x16xf32, #tpu.memory_space<vmem>>
        %dma_start3A_68 = arith.constant 0 : i32
        %dma_start3A_69 = tpu.memref_slice %arg3[%run_scoped3A, %mul3A_49, %dma_start3A_68] : memref<2x10240x16xf32, #tpu.memory_space<hbm>> -> memref<1x640x16xf32, #tpu.memory_space<hbm>>
        %dma_start3A_70 = tpu.memref_squeeze %dma_start3A_69 : memref<1x640x16xf32, #tpu.memory_space<hbm>> -> memref<640x16xf32, #tpu.memory_space<hbm>>
        tpu.enqueue_dma source(%dma_start3A_70 : memref<640x16xf32, #tpu.memory_space<hbm>>) target(%dma_start3A_67 : memref<640x16xf32, #tpu.memory_space<vmem>>) target_semaphore(%run_scoped3A_59 : memref<!tpu.dma_semaphore, #tpu.memory_space<semaphore_mem>>)
        %dma_wait3A = arith.constant 0 : i32
        %dma_wait3A_71 = arith.constant 0 : i32
        %dma_wait3A_72 = tpu.memref_slice %arg15[%dma_wait3A, %dma_wait3A_71] : memref<640x16xf32, #tpu.memory_space<vmem>> -> memref<640x16xf32, #tpu.memory_space<vmem>>
        %dma_wait3A_73 = arith.constant 0 : i32
        %dma_wait3A_74 = tpu.memref_slice %arg3[%run_scoped3A, %mul3A_49, %dma_wait3A_73] : memref<2x10240x16xf32, #tpu.memory_space<hbm>> -> memref<1x640x16xf32, #tpu.memory_space<hbm>>
        %dma_wait3A_75 = tpu.memref_squeeze %dma_wait3A_74 : memref<1x640x16xf32, #tpu.memory_space<hbm>> -> memref<640x16xf32, #tpu.memory_space<hbm>>
        %dma_wait3A_76 = arith.constant 0 : i32
        %dma_wait3A_77 = arith.constant 0 : i32
        %dma_wait3A_78 = tpu.memref_slice %arg15[%dma_wait3A_76, %dma_wait3A_77] : memref<640x16xf32, #tpu.memory_space<vmem>> -> memref<640x16xf32, #tpu.memory_space<vmem>>
        %dma_wait3A_79 = arith.constant 0 : i32
        %dma_wait3A_80 = tpu.memref_slice %arg3[%run_scoped3A, %mul3A_49, %dma_wait3A_79] : memref<2x10240x16xf32, #tpu.memory_space<hbm>> -> memref<1x640x16xf32, #tpu.memory_space<hbm>>
        %dma_wait3A_81 = tpu.memref_squeeze %dma_wait3A_80 : memref<1x640x16xf32, #tpu.memory_space<hbm>> -> memref<640x16xf32, #tpu.memory_space<hbm>>
        tpu.wait_dma2 semaphore(%run_scoped3A_59 : memref<!tpu.dma_semaphore, #tpu.memory_space<semaphore_mem>>) src(%dma_wait3A_81 : memref<640x16xf32, #tpu.memory_space<hbm>>) dst(%dma_wait3A_78 : memref<640x16xf32, #tpu.memory_space<vmem>>)
        tpu.yield
      }) : () -> ()
      %run_scoped3A_50 = arith.constant 1 : i32
      "tpu.region"() ({
        %run_scoped3A_59 = tpu.sem_alloc : memref<!tpu.dma_semaphore, #tpu.memory_space<semaphore_mem>>
        %dma_start3A = arith.constant 0 : i32
        %dma_start3A_60 = arith.constant 0 : i32
        %dma_start3A_61 = tpu.memref_slice %arg16[%dma_start3A, %dma_start3A_60] : memref<640x16xf32, #tpu.memory_space<vmem>> -> memref<640x16xf32, #tpu.memory_space<vmem>>
        %dma_start3A_62 = arith.constant 0 : i32
        %dma_start3A_63 = tpu.memref_slice %arg3[%run_scoped3A_50, %mul3A_49, %dma_start3A_62] : memref<2x10240x16xf32, #tpu.memory_space<hbm>> -> memref<1x640x16xf32, #tpu.memory_space<hbm>>
        %dma_start3A_64 = tpu.memref_squeeze %dma_start3A_63 : memref<1x640x16xf32, #tpu.memory_space<hbm>> -> memref<640x16xf32, #tpu.memory_space<hbm>>
        %dma_start3A_65 = arith.constant 0 : i32
        %dma_start3A_66 = arith.constant 0 : i32
        %dma_start3A_67 = tpu.memref_slice %arg16[%dma_start3A_65, %dma_start3A_66] : memref<640x16xf32, #tpu.memory_space<vmem>> -> memref<640x16xf32, #tpu.memory_space<vmem>>
        %dma_start3A_68 = arith.constant 0 : i32
        %dma_start3A_69 = tpu.memref_slice %arg3[%run_scoped3A_50, %mul3A_49, %dma_start3A_68] : memref<2x10240x16xf32, #tpu.memory_space<hbm>> -> memref<1x640x16xf32, #tpu.memory_space<hbm>>
        %dma_start3A_70 = tpu.memref_squeeze %dma_start3A_69 : memref<1x640x16xf32, #tpu.memory_space<hbm>> -> memref<640x16xf32, #tpu.memory_space<hbm>>
        tpu.enqueue_dma source(%dma_start3A_70 : memref<640x16xf32, #tpu.memory_space<hbm>>) target(%dma_start3A_67 : memref<640x16xf32, #tpu.memory_space<vmem>>) target_semaphore(%run_scoped3A_59 : memref<!tpu.dma_semaphore, #tpu.memory_space<semaphore_mem>>)
        %dma_wait3A = arith.constant 0 : i32
        %dma_wait3A_71 = arith.constant 0 : i32
        %dma_wait3A_72 = tpu.memref_slice %arg16[%dma_wait3A, %dma_wait3A_71] : memref<640x16xf32, #tpu.memory_space<vmem>> -> memref<640x16xf32, #tpu.memory_space<vmem>>
        %dma_wait3A_73 = arith.constant 0 : i32
        %dma_wait3A_74 = tpu.memref_slice %arg3[%run_scoped3A_50, %mul3A_49, %dma_wait3A_73] : memref<2x10240x16xf32, #tpu.memory_space<hbm>> -> memref<1x640x16xf32, #tpu.memory_space<hbm>>
        %dma_wait3A_75 = tpu.memref_squeeze %dma_wait3A_74 : memref<1x640x16xf32, #tpu.memory_space<hbm>> -> memref<640x16xf32, #tpu.memory_space<hbm>>
        %dma_wait3A_76 = arith.constant 0 : i32
        %dma_wait3A_77 = arith.constant 0 : i32
        %dma_wait3A_78 = tpu.memref_slice %arg16[%dma_wait3A_76, %dma_wait3A_77] : memref<640x16xf32, #tpu.memory_space<vmem>> -> memref<640x16xf32, #tpu.memory_space<vmem>>
        %dma_wait3A_79 = arith.constant 0 : i32
        %dma_wait3A_80 = tpu.memref_slice %arg3[%run_scoped3A_50, %mul3A_49, %dma_wait3A_79] : memref<2x10240x16xf32, #tpu.memory_space<hbm>> -> memref<1x640x16xf32, #tpu.memory_space<hbm>>
        %dma_wait3A_81 = tpu.memref_squeeze %dma_wait3A_80 : memref<1x640x16xf32, #tpu.memory_space<hbm>> -> memref<640x16xf32, #tpu.memory_space<hbm>>
        tpu.wait_dma2 semaphore(%run_scoped3A_59 : memref<!tpu.dma_semaphore, #tpu.memory_space<semaphore_mem>>) src(%dma_wait3A_81 : memref<640x16xf32, #tpu.memory_space<hbm>>) dst(%dma_wait3A_78 : memref<640x16xf32, #tpu.memory_space<vmem>>)
        tpu.yield
      }) : () -> ()
      "tpu.region"() ({
        %run_scoped3A_59 = tpu.sem_alloc : memref<!tpu.dma_semaphore, #tpu.memory_space<semaphore_mem>>
        tpu.enqueue_dma source(%arg4 : memref<16xf32, #tpu.memory_space<hbm>>) target(%arg17 : memref<16xf32, #tpu.memory_space<vmem>>) target_semaphore(%run_scoped3A_59 : memref<!tpu.dma_semaphore, #tpu.memory_space<semaphore_mem>>)
        tpu.wait_dma2 semaphore(%run_scoped3A_59 : memref<!tpu.dma_semaphore, #tpu.memory_space<semaphore_mem>>) src(%arg4 : memref<16xf32, #tpu.memory_space<hbm>>) dst(%arg17 : memref<16xf32, #tpu.memory_space<vmem>>)
        tpu.yield
      }) : () -> ()
      %get3A = arith.constant 0 : index
      %get3A_51 = tpu.vector_load %arg17[%get3A] {strides = array<i32>} : memref<16xf32, #tpu.memory_space<vmem>>, vector<16xf32>,
      %get3A_52 = vector.shape_cast %get3A_51 : vector<16xf32> to vector<16xf32>
      %scan3A_53 = arith.constant 0 : i32
      %scan3A_54 = arith.constant 0 : i32
      %scan3A_55 = arith.constant 640 : i32
      %scan3A_56 = arith.addi %scan3A_54, %scan3A_55 : i32
      %scan3A_57 = arith.constant 1 : i32
      scf.for %scan3A_59 = %scan3A_54 to %scan3A_56 step %scan3A_57  : i32 {
        %get3A_60 = arith.index_cast %scan3A_59 : i32 to index
        %get3A_61 = arith.constant 0 : index
        %get3A_62 = tpu.vector_load %arg14[%get3A_60, %get3A_61] {strides = array<i32>} : memref<640x16xf32, #tpu.memory_space<vmem>>, vector<1x16xf32>,
        %get3A_63 = vector.shape_cast %get3A_62 : vector<1x16xf32> to vector<16xf32>
        %get3A_64 = arith.index_cast %scan3A_59 : i32 to index
        %get3A_65 = arith.constant 0 : index
        %get3A_66 = tpu.vector_load %arg15[%get3A_64, %get3A_65] {strides = array<i32>} : memref<640x16xf32, #tpu.memory_space<vmem>>, vector<1x16xf32>,
        %get3A_67 = vector.shape_cast %get3A_66 : vector<1x16xf32> to vector<16xf32>
        %add3A = arith.addf %get3A_63, %get3A_67 : vector<16xf32>
        %get3A_68 = arith.index_cast %scan3A_59 : i32 to index
        %get3A_69 = arith.constant 0 : index
        %get3A_70 = tpu.vector_load %arg16[%get3A_68, %get3A_69] {strides = array<i32>} : memref<640x16xf32, #tpu.memory_space<vmem>>, vector<1x16xf32>,
        %get3A_71 = vector.shape_cast %get3A_70 : vector<1x16xf32> to vector<16xf32>
        %add3A_72 = arith.addf %add3A, %get3A_71 : vector<16xf32>
        %add3A_73 = arith.addf %add3A_72, %get3A_52 : vector<16xf32>
        %max3A = arith.constant 0.000000e+00 : f32
        %max3A_74 = vector.broadcast %max3A : f32 to vector<16xf32>
        %max3A_75 = arith.maximumf %add3A_73, %max3A_74 : vector<16xf32>
        %swap3A = arith.index_cast %scan3A_59 : i32 to index
        %swap3A_76 = arith.constant 0 : index
        %swap3A_77 = tpu.vector_load %arg14[%swap3A, %swap3A_76] {strides = array<i32>} : memref<640x16xf32, #tpu.memory_space<vmem>>, vector<1x16xf32>,
        %swap3A_78 = vector.shape_cast %swap3A_77 : vector<1x16xf32> to vector<16xf32>
        %swap3A_79 = vector.shape_cast %max3A_75 : vector<16xf32> to vector<1x16xf32>
        tpu.vector_store %arg14[%swap3A, %swap3A_76], %swap3A_79 {strides = array<i32>} : memref<640x16xf32, #tpu.memory_space<vmem>>, vector<1x16xf32>,
      }
      %scan3A_58 = arith.constant 640 : i32
      "tpu.region"() ({
        %run_scoped3A_59 = tpu.sem_alloc : memref<!tpu.dma_semaphore, #tpu.memory_space<semaphore_mem>>
        %dma_start3A = arith.constant 0 : i32
        %dma_start3A_60 = arith.constant 0 : i32
        %dma_start3A_61 = tpu.memref_slice %arg14[%dma_start3A, %dma_start3A_60] : memref<640x16xf32, #tpu.memory_space<vmem>> -> memref<640x16xf32, #tpu.memory_space<vmem>>
        %dma_start3A_62 = arith.constant 0 : i32
        %dma_start3A_63 = tpu.memref_slice %arg7[%mul3A_49, %dma_start3A_62] : memref<10000x16xf32, #tpu.memory_space<hbm>> -> memref<640x16xf32, #tpu.memory_space<hbm>>
        %dma_start3A_64 = arith.constant 0 : i32
        %dma_start3A_65 = tpu.memref_slice %arg7[%mul3A_49, %dma_start3A_64] : memref<10000x16xf32, #tpu.memory_space<hbm>> -> memref<640x16xf32, #tpu.memory_space<hbm>>
        %dma_start3A_66 = arith.constant 0 : i32
        %dma_start3A_67 = arith.constant 0 : i32
        %dma_start3A_68 = tpu.memref_slice %arg14[%dma_start3A_66, %dma_start3A_67] : memref<640x16xf32, #tpu.memory_space<vmem>> -> memref<640x16xf32, #tpu.memory_space<vmem>>
        tpu.enqueue_dma source(%dma_start3A_68 : memref<640x16xf32, #tpu.memory_space<vmem>>) target(%dma_start3A_65 : memref<640x16xf32, #tpu.memory_space<hbm>>) target_semaphore(%run_scoped3A_59 : memref<!tpu.dma_semaphore, #tpu.memory_space<semaphore_mem>>)
        %dma_wait3A = arith.constant 0 : i32
        %dma_wait3A_69 = arith.constant 0 : i32
        %dma_wait3A_70 = tpu.memref_slice %arg14[%dma_wait3A, %dma_wait3A_69] : memref<640x16xf32, #tpu.memory_space<vmem>> -> memref<640x16xf32, #tpu.memory_space<vmem>>
        %dma_wait3A_71 = arith.constant 0 : i32
        %dma_wait3A_72 = tpu.memref_slice %arg7[%mul3A_49, %dma_wait3A_71] : memref<10000x16xf32, #tpu.memory_space<hbm>> -> memref<640x16xf32, #tpu.memory_space<hbm>>
        %dma_wait3A_73 = arith.constant 0 : i32
        %dma_wait3A_74 = tpu.memref_slice %arg7[%mul3A_49, %dma_wait3A_73] : memref<10000x16xf32, #tpu.memory_space<hbm>> -> memref<640x16xf32, #tpu.memory_space<hbm>>
        %dma_wait3A_75 = arith.constant 0 : i32
        %dma_wait3A_76 = arith.constant 0 : i32
        %dma_wait3A_77 = tpu.memref_slice %arg14[%dma_wait3A_75, %dma_wait3A_76] : memref<640x16xf32, #tpu.memory_space<vmem>> -> memref<640x16xf32, #tpu.memory_space<vmem>>
        tpu.wait_dma2 semaphore(%run_scoped3A_59 : memref<!tpu.dma_semaphore, #tpu.memory_space<semaphore_mem>>) src(%dma_wait3A_77 : memref<640x16xf32, #tpu.memory_space<vmem>>) dst(%dma_wait3A_74 : memref<640x16xf32, #tpu.memory_space<hbm>>)
        tpu.yield
      }) : () -> ()
    } else {
    }
    %eq3A_9 = arith.constant 0 : i32
    %eq3A_10 = arith.cmpi eq, %arg0, %eq3A_9 : i32
    %eq3A_11 = arith.constant 15 : i32
    %eq3A_12 = arith.cmpi eq, %arg1, %eq3A_11 : i32
    %and3A_13 = arith.andi %eq3A_10, %eq3A_12 : i1
    %convert_element_type3A_14 = arith.extui %and3A_13 : i1 to i32
    %cond3A_15 = arith.constant 0 : i32
    %cond3A_16 = arith.cmpi ne, %convert_element_type3A_14, %cond3A_15 : i32
    scf.if %cond3A_16 {
      %mul3A_48 = arith.constant 640 : i32
      %mul3A_49 = arith.muli %arg1, %mul3A_48 : i32
      "tpu.region"() ({
        %run_scoped3A_59 = tpu.sem_alloc : memref<!tpu.dma_semaphore, #tpu.memory_space<semaphore_mem>>
        %dma_start3A = arith.constant 0 : i32
        %dma_start3A_60 = arith.constant 0 : i32
        %dma_start3A_61 = tpu.memref_slice %arg14[%dma_start3A, %dma_start3A_60] : memref<640x16xf32, #tpu.memory_space<vmem>> -> memref<400x16xf32, #tpu.memory_space<vmem>>
        %dma_start3A_62 = arith.constant 0 : i32
        %dma_start3A_63 = tpu.memref_slice %arg2[%mul3A_49, %dma_start3A_62] : memref<10000x16xf32, #tpu.memory_space<hbm>> -> memref<400x16xf32, #tpu.memory_space<hbm>>
        %dma_start3A_64 = arith.constant 0 : i32
        %dma_start3A_65 = arith.constant 0 : i32
        %dma_start3A_66 = tpu.memref_slice %arg14[%dma_start3A_64, %dma_start3A_65] : memref<640x16xf32, #tpu.memory_space<vmem>> -> memref<400x16xf32, #tpu.memory_space<vmem>>
        %dma_start3A_67 = arith.constant 0 : i32
        %dma_start3A_68 = tpu.memref_slice %arg2[%mul3A_49, %dma_start3A_67] : memref<10000x16xf32, #tpu.memory_space<hbm>> -> memref<400x16xf32, #tpu.memory_space<hbm>>
        tpu.enqueue_dma source(%dma_start3A_68 : memref<400x16xf32, #tpu.memory_space<hbm>>) target(%dma_start3A_66 : memref<400x16xf32, #tpu.memory_space<vmem>>) target_semaphore(%run_scoped3A_59 : memref<!tpu.dma_semaphore, #tpu.memory_space<semaphore_mem>>)
        %dma_wait3A = arith.constant 0 : i32
        %dma_wait3A_69 = arith.constant 0 : i32
        %dma_wait3A_70 = tpu.memref_slice %arg14[%dma_wait3A, %dma_wait3A_69] : memref<640x16xf32, #tpu.memory_space<vmem>> -> memref<400x16xf32, #tpu.memory_space<vmem>>
        %dma_wait3A_71 = arith.constant 0 : i32
        %dma_wait3A_72 = tpu.memref_slice %arg2[%mul3A_49, %dma_wait3A_71] : memref<10000x16xf32, #tpu.memory_space<hbm>> -> memref<400x16xf32, #tpu.memory_space<hbm>>
        %dma_wait3A_73 = arith.constant 0 : i32
        %dma_wait3A_74 = arith.constant 0 : i32
        %dma_wait3A_75 = tpu.memref_slice %arg14[%dma_wait3A_73, %dma_wait3A_74] : memref<640x16xf32, #tpu.memory_space<vmem>> -> memref<400x16xf32, #tpu.memory_space<vmem>>
        %dma_wait3A_76 = arith.constant 0 : i32
        %dma_wait3A_77 = tpu.memref_slice %arg2[%mul3A_49, %dma_wait3A_76] : memref<10000x16xf32, #tpu.memory_space<hbm>> -> memref<400x16xf32, #tpu.memory_space<hbm>>
        tpu.wait_dma2 semaphore(%run_scoped3A_59 : memref<!tpu.dma_semaphore, #tpu.memory_space<semaphore_mem>>) src(%dma_wait3A_77 : memref<400x16xf32, #tpu.memory_space<hbm>>) dst(%dma_wait3A_75 : memref<400x16xf32, #tpu.memory_space<vmem>>)
        tpu.yield
      }) : () -> ()
      %run_scoped3A = arith.constant 0 : i32
      "tpu.region"() ({
        %run_scoped3A_59 = tpu.sem_alloc : memref<!tpu.dma_semaphore, #tpu.memory_space<semaphore_mem>>
        %dma_start3A = arith.constant 0 : i32
        %dma_start3A_60 = arith.constant 0 : i32
        %dma_start3A_61 = tpu.memref_slice %arg15[%dma_start3A, %dma_start3A_60] : memref<640x16xf32, #tpu.memory_space<vmem>> -> memref<400x16xf32, #tpu.memory_space<vmem>>
        %dma_start3A_62 = arith.constant 0 : i32
        %dma_start3A_63 = tpu.memref_slice %arg3[%run_scoped3A, %mul3A_49, %dma_start3A_62] : memref<2x10240x16xf32, #tpu.memory_space<hbm>> -> memref<1x400x16xf32, #tpu.memory_space<hbm>>
        %dma_start3A_64 = tpu.memref_squeeze %dma_start3A_63 : memref<1x400x16xf32, #tpu.memory_space<hbm>> -> memref<400x16xf32, #tpu.memory_space<hbm>>
        %dma_start3A_65 = arith.constant 0 : i32
        %dma_start3A_66 = arith.constant 0 : i32
        %dma_start3A_67 = tpu.memref_slice %arg15[%dma_start3A_65, %dma_start3A_66] : memref<640x16xf32, #tpu.memory_space<vmem>> -> memref<400x16xf32, #tpu.memory_space<vmem>>
        %dma_start3A_68 = arith.constant 0 : i32
        %dma_start3A_69 = tpu.memref_slice %arg3[%run_scoped3A, %mul3A_49, %dma_start3A_68] : memref<2x10240x16xf32, #tpu.memory_space<hbm>> -> memref<1x400x16xf32, #tpu.memory_space<hbm>>
        %dma_start3A_70 = tpu.memref_squeeze %dma_start3A_69 : memref<1x400x16xf32, #tpu.memory_space<hbm>> -> memref<400x16xf32, #tpu.memory_space<hbm>>
        tpu.enqueue_dma source(%dma_start3A_70 : memref<400x16xf32, #tpu.memory_space<hbm>>) target(%dma_start3A_67 : memref<400x16xf32, #tpu.memory_space<vmem>>) target_semaphore(%run_scoped3A_59 : memref<!tpu.dma_semaphore, #tpu.memory_space<semaphore_mem>>)
        %dma_wait3A = arith.constant 0 : i32
        %dma_wait3A_71 = arith.constant 0 : i32
        %dma_wait3A_72 = tpu.memref_slice %arg15[%dma_wait3A, %dma_wait3A_71] : memref<640x16xf32, #tpu.memory_space<vmem>> -> memref<400x16xf32, #tpu.memory_space<vmem>>
        %dma_wait3A_73 = arith.constant 0 : i32
        %dma_wait3A_74 = tpu.memref_slice %arg3[%run_scoped3A, %mul3A_49, %dma_wait3A_73] : memref<2x10240x16xf32, #tpu.memory_space<hbm>> -> memref<1x400x16xf32, #tpu.memory_space<hbm>>
        %dma_wait3A_75 = tpu.memref_squeeze %dma_wait3A_74 : memref<1x400x16xf32, #tpu.memory_space<hbm>> -> memref<400x16xf32, #tpu.memory_space<hbm>>
        %dma_wait3A_76 = arith.constant 0 : i32
        %dma_wait3A_77 = arith.constant 0 : i32
        %dma_wait3A_78 = tpu.memref_slice %arg15[%dma_wait3A_76, %dma_wait3A_77] : memref<640x16xf32, #tpu.memory_space<vmem>> -> memref<400x16xf32, #tpu.memory_space<vmem>>
        %dma_wait3A_79 = arith.constant 0 : i32
        %dma_wait3A_80 = tpu.memref_slice %arg3[%run_scoped3A, %mul3A_49, %dma_wait3A_79] : memref<2x10240x16xf32, #tpu.memory_space<hbm>> -> memref<1x400x16xf32, #tpu.memory_space<hbm>>
        %dma_wait3A_81 = tpu.memref_squeeze %dma_wait3A_80 : memref<1x400x16xf32, #tpu.memory_space<hbm>> -> memref<400x16xf32, #tpu.memory_space<hbm>>
        tpu.wait_dma2 semaphore(%run_scoped3A_59 : memref<!tpu.dma_semaphore, #tpu.memory_space<semaphore_mem>>) src(%dma_wait3A_81 : memref<400x16xf32, #tpu.memory_space<hbm>>) dst(%dma_wait3A_78 : memref<400x16xf32, #tpu.memory_space<vmem>>)
        tpu.yield
      }) : () -> ()
      %run_scoped3A_50 = arith.constant 1 : i32
      "tpu.region"() ({
        %run_scoped3A_59 = tpu.sem_alloc : memref<!tpu.dma_semaphore, #tpu.memory_space<semaphore_mem>>
        %dma_start3A = arith.constant 0 : i32
        %dma_start3A_60 = arith.constant 0 : i32
        %dma_start3A_61 = tpu.memref_slice %arg16[%dma_start3A, %dma_start3A_60] : memref<640x16xf32, #tpu.memory_space<vmem>> -> memref<400x16xf32, #tpu.memory_space<vmem>>
        %dma_start3A_62 = arith.constant 0 : i32
        %dma_start3A_63 = tpu.memref_slice %arg3[%run_scoped3A_50, %mul3A_49, %dma_start3A_62] : memref<2x10240x16xf32, #tpu.memory_space<hbm>> -> memref<1x400x16xf32, #tpu.memory_space<hbm>>
        %dma_start3A_64 = tpu.memref_squeeze %dma_start3A_63 : memref<1x400x16xf32, #tpu.memory_space<hbm>> -> memref<400x16xf32, #tpu.memory_space<hbm>>
        %dma_start3A_65 = arith.constant 0 : i32
        %dma_start3A_66 = arith.constant 0 : i32
        %dma_start3A_67 = tpu.memref_slice %arg16[%dma_start3A_65, %dma_start3A_66] : memref<640x16xf32, #tpu.memory_space<vmem>> -> memref<400x16xf32, #tpu.memory_space<vmem>>
        %dma_start3A_68 = arith.constant 0 : i32
        %dma_start3A_69 = tpu.memref_slice %arg3[%run_scoped3A_50, %mul3A_49, %dma_start3A_68] : memref<2x10240x16xf32, #tpu.memory_space<hbm>> -> memref<1x400x16xf32, #tpu.memory_space<hbm>>
        %dma_start3A_70 = tpu.memref_squeeze %dma_start3A_69 : memref<1x400x16xf32, #tpu.memory_space<hbm>> -> memref<400x16xf32, #tpu.memory_space<hbm>>
        tpu.enqueue_dma source(%dma_start3A_70 : memref<400x16xf32, #tpu.memory_space<hbm>>) target(%dma_start3A_67 : memref<400x16xf32, #tpu.memory_space<vmem>>) target_semaphore(%run_scoped3A_59 : memref<!tpu.dma_semaphore, #tpu.memory_space<semaphore_mem>>)
        %dma_wait3A = arith.constant 0 : i32
        %dma_wait3A_71 = arith.constant 0 : i32
        %dma_wait3A_72 = tpu.memref_slice %arg16[%dma_wait3A, %dma_wait3A_71] : memref<640x16xf32, #tpu.memory_space<vmem>> -> memref<400x16xf32, #tpu.memory_space<vmem>>
        %dma_wait3A_73 = arith.constant 0 : i32
        %dma_wait3A_74 = tpu.memref_slice %arg3[%run_scoped3A_50, %mul3A_49, %dma_wait3A_73] : memref<2x10240x16xf32, #tpu.memory_space<hbm>> -> memref<1x400x16xf32, #tpu.memory_space<hbm>>
        %dma_wait3A_75 = tpu.memref_squeeze %dma_wait3A_74 : memref<1x400x16xf32, #tpu.memory_space<hbm>> -> memref<400x16xf32, #tpu.memory_space<hbm>>
        %dma_wait3A_76 = arith.constant 0 : i32
        %dma_wait3A_77 = arith.constant 0 : i32
        %dma_wait3A_78 = tpu.memref_slice %arg16[%dma_wait3A_76, %dma_wait3A_77] : memref<640x16xf32, #tpu.memory_space<vmem>> -> memref<400x16xf32, #tpu.memory_space<vmem>>
        %dma_wait3A_79 = arith.constant 0 : i32
        %dma_wait3A_80 = tpu.memref_slice %arg3[%run_scoped3A_50, %mul3A_49, %dma_wait3A_79] : memref<2x10240x16xf32, #tpu.memory_space<hbm>> -> memref<1x400x16xf32, #tpu.memory_space<hbm>>
        %dma_wait3A_81 = tpu.memref_squeeze %dma_wait3A_80 : memref<1x400x16xf32, #tpu.memory_space<hbm>> -> memref<400x16xf32, #tpu.memory_space<hbm>>
        tpu.wait_dma2 semaphore(%run_scoped3A_59 : memref<!tpu.dma_semaphore, #tpu.memory_space<semaphore_mem>>) src(%dma_wait3A_81 : memref<400x16xf32, #tpu.memory_space<hbm>>) dst(%dma_wait3A_78 : memref<400x16xf32, #tpu.memory_space<vmem>>)
        tpu.yield
      }) : () -> ()
      "tpu.region"() ({
        %run_scoped3A_59 = tpu.sem_alloc : memref<!tpu.dma_semaphore, #tpu.memory_space<semaphore_mem>>
        tpu.enqueue_dma source(%arg4 : memref<16xf32, #tpu.memory_space<hbm>>) target(%arg17 : memref<16xf32, #tpu.memory_space<vmem>>) target_semaphore(%run_scoped3A_59 : memref<!tpu.dma_semaphore, #tpu.memory_space<semaphore_mem>>)
        tpu.wait_dma2 semaphore(%run_scoped3A_59 : memref<!tpu.dma_semaphore, #tpu.memory_space<semaphore_mem>>) src(%arg4 : memref<16xf32, #tpu.memory_space<hbm>>) dst(%arg17 : memref<16xf32, #tpu.memory_space<vmem>>)
        tpu.yield
      }) : () -> ()
      %get3A = arith.constant 0 : index
      %get3A_51 = tpu.vector_load %arg17[%get3A] {strides = array<i32>} : memref<16xf32, #tpu.memory_space<vmem>>, vector<16xf32>,
      %get3A_52 = vector.shape_cast %get3A_51 : vector<16xf32> to vector<16xf32>
      %scan3A_53 = arith.constant 0 : i32
      %scan3A_54 = arith.constant 0 : i32
      %scan3A_55 = arith.constant 400 : i32
      %scan3A_56 = arith.addi %scan3A_54, %scan3A_55 : i32
      %scan3A_57 = arith.constant 1 : i32
      scf.for %scan3A_59 = %scan3A_54 to %scan3A_56 step %scan3A_57  : i32 {
        %get3A_60 = arith.index_cast %scan3A_59 : i32 to index
        %get3A_61 = arith.constant 0 : index
        %get3A_62 = tpu.vector_load %arg14[%get3A_60, %get3A_61] {strides = array<i32>} : memref<640x16xf32, #tpu.memory_space<vmem>>, vector<1x16xf32>,
        %get3A_63 = vector.shape_cast %get3A_62 : vector<1x16xf32> to vector<16xf32>
        %get3A_64 = arith.index_cast %scan3A_59 : i32 to index
        %get3A_65 = arith.constant 0 : index
        %get3A_66 = tpu.vector_load %arg15[%get3A_64, %get3A_65] {strides = array<i32>} : memref<640x16xf32, #tpu.memory_space<vmem>>, vector<1x16xf32>,
        %get3A_67 = vector.shape_cast %get3A_66 : vector<1x16xf32> to vector<16xf32>
        %add3A = arith.addf %get3A_63, %get3A_67 : vector<16xf32>
        %get3A_68 = arith.index_cast %scan3A_59 : i32 to index
        %get3A_69 = arith.constant 0 : index
        %get3A_70 = tpu.vector_load %arg16[%get3A_68, %get3A_69] {strides = array<i32>} : memref<640x16xf32, #tpu.memory_space<vmem>>, vector<1x16xf32>,
        %get3A_71 = vector.shape_cast %get3A_70 : vector<1x16xf32> to vector<16xf32>
        %add3A_72 = arith.addf %add3A, %get3A_71 : vector<16xf32>
        %add3A_73 = arith.addf %add3A_72, %get3A_52 : vector<16xf32>
        %max3A = arith.constant 0.000000e+00 : f32
        %max3A_74 = vector.broadcast %max3A : f32 to vector<16xf32>
        %max3A_75 = arith.maximumf %add3A_73, %max3A_74 : vector<16xf32>
        %swap3A = arith.index_cast %scan3A_59 : i32 to index
        %swap3A_76 = arith.constant 0 : index
        %swap3A_77 = tpu.vector_load %arg14[%swap3A, %swap3A_76] {strides = array<i32>} : memref<640x16xf32, #tpu.memory_space<vmem>>, vector<1x16xf32>,
        %swap3A_78 = vector.shape_cast %swap3A_77 : vector<1x16xf32> to vector<16xf32>
        %swap3A_79 = vector.shape_cast %max3A_75 : vector<16xf32> to vector<1x16xf32>
        tpu.vector_store %arg14[%swap3A, %swap3A_76], %swap3A_79 {strides = array<i32>} : memref<640x16xf32, #tpu.memory_space<vmem>>, vector<1x16xf32>,
      }
      %scan3A_58 = arith.constant 400 : i32
      "tpu.region"() ({
        %run_scoped3A_59 = tpu.sem_alloc : memref<!tpu.dma_semaphore, #tpu.memory_space<semaphore_mem>>
        %dma_start3A = arith.constant 0 : i32
        %dma_start3A_60 = arith.constant 0 : i32
        %dma_start3A_61 = tpu.memref_slice %arg14[%dma_start3A, %dma_start3A_60] : memref<640x16xf32, #tpu.memory_space<vmem>> -> memref<400x16xf32, #tpu.memory_space<vmem>>
        %dma_start3A_62 = arith.constant 0 : i32
        %dma_start3A_63 = tpu.memref_slice %arg7[%mul3A_49, %dma_start3A_62] : memref<10000x16xf32, #tpu.memory_space<hbm>> -> memref<400x16xf32, #tpu.memory_space<hbm>>
        %dma_start3A_64 = arith.constant 0 : i32
        %dma_start3A_65 = tpu.memref_slice %arg7[%mul3A_49, %dma_start3A_64] : memref<10000x16xf32, #tpu.memory_space<hbm>> -> memref<400x16xf32, #tpu.memory_space<hbm>>
        %dma_start3A_66 = arith.constant 0 : i32
        %dma_start3A_67 = arith.constant 0 : i32
        %dma_start3A_68 = tpu.memref_slice %arg14[%dma_start3A_66, %dma_start3A_67] : memref<640x16xf32, #tpu.memory_space<vmem>> -> memref<400x16xf32, #tpu.memory_space<vmem>>
        tpu.enqueue_dma source(%dma_start3A_68 : memref<400x16xf32, #tpu.memory_space<vmem>>) target(%dma_start3A_65 : memref<400x16xf32, #tpu.memory_space<hbm>>) target_semaphore(%run_scoped3A_59 : memref<!tpu.dma_semaphore, #tpu.memory_space<semaphore_mem>>)
        %dma_wait3A = arith.constant 0 : i32
        %dma_wait3A_69 = arith.constant 0 : i32
        %dma_wait3A_70 = tpu.memref_slice %arg14[%dma_wait3A, %dma_wait3A_69] : memref<640x16xf32, #tpu.memory_space<vmem>> -> memref<400x16xf32, #tpu.memory_space<vmem>>
        %dma_wait3A_71 = arith.constant 0 : i32
        %dma_wait3A_72 = tpu.memref_slice %arg7[%mul3A_49, %dma_wait3A_71] : memref<10000x16xf32, #tpu.memory_space<hbm>> -> memref<400x16xf32, #tpu.memory_space<hbm>>
        %dma_wait3A_73 = arith.constant 0 : i32
        %dma_wait3A_74 = tpu.memref_slice %arg7[%mul3A_49, %dma_wait3A_73] : memref<10000x16xf32, #tpu.memory_space<hbm>> -> memref<400x16xf32, #tpu.memory_space<hbm>>
        %dma_wait3A_75 = arith.constant 0 : i32
        %dma_wait3A_76 = arith.constant 0 : i32
        %dma_wait3A_77 = tpu.memref_slice %arg14[%dma_wait3A_75, %dma_wait3A_76] : memref<640x16xf32, #tpu.memory_space<vmem>> -> memref<400x16xf32, #tpu.memory_space<vmem>>
        tpu.wait_dma2 semaphore(%run_scoped3A_59 : memref<!tpu.dma_semaphore, #tpu.memory_space<semaphore_mem>>) src(%dma_wait3A_77 : memref<400x16xf32, #tpu.memory_space<vmem>>) dst(%dma_wait3A_74 : memref<400x16xf32, #tpu.memory_space<hbm>>)
        tpu.yield
      }) : () -> ()
    } else {
    }
    %eq3A_17 = arith.constant 1 : i32
    %eq3A_18 = arith.cmpi eq, %arg0, %eq3A_17 : i32
    %lt3A_19 = arith.constant 15 : i32
    %lt3A_20 = arith.cmpi slt, %arg1, %lt3A_19 : i32
    %and3A_21 = arith.andi %eq3A_18, %lt3A_20 : i1
    %convert_element_type3A_22 = arith.extui %and3A_21 : i1 to i32
    %cond3A_23 = arith.constant 0 : i32
    %cond3A_24 = arith.cmpi ne, %convert_element_type3A_22, %cond3A_23 : i32
    scf.if %cond3A_24 {
      %mul3A_48 = arith.constant 640 : i32
      %mul3A_49 = arith.muli %arg1, %mul3A_48 : i32
      "tpu.region"() ({
        %run_scoped3A_59 = tpu.sem_alloc : memref<!tpu.dma_semaphore, #tpu.memory_space<semaphore_mem>>
        %dma_start3A = arith.constant 0 : i32
        %dma_start3A_60 = arith.constant 0 : i32
        %dma_start3A_61 = tpu.memref_slice %arg14[%dma_start3A, %dma_start3A_60] : memref<640x16xf32, #tpu.memory_space<vmem>> -> memref<640x16xf32, #tpu.memory_space<vmem>>
        %dma_start3A_62 = arith.constant 0 : i32
        %dma_start3A_63 = tpu.memref_slice %arg2[%mul3A_49, %dma_start3A_62] : memref<10000x16xf32, #tpu.memory_space<hbm>> -> memref<640x16xf32, #tpu.memory_space<hbm>>
        %dma_start3A_64 = arith.constant 0 : i32
        %dma_start3A_65 = arith.constant 0 : i32
        %dma_start3A_66 = tpu.memref_slice %arg14[%dma_start3A_64, %dma_start3A_65] : memref<640x16xf32, #tpu.memory_space<vmem>> -> memref<640x16xf32, #tpu.memory_space<vmem>>
        %dma_start3A_67 = arith.constant 0 : i32
        %dma_start3A_68 = tpu.memref_slice %arg2[%mul3A_49, %dma_start3A_67] : memref<10000x16xf32, #tpu.memory_space<hbm>> -> memref<640x16xf32, #tpu.memory_space<hbm>>
        tpu.enqueue_dma source(%dma_start3A_68 : memref<640x16xf32, #tpu.memory_space<hbm>>) target(%dma_start3A_66 : memref<640x16xf32, #tpu.memory_space<vmem>>) target_semaphore(%run_scoped3A_59 : memref<!tpu.dma_semaphore, #tpu.memory_space<semaphore_mem>>)
        %dma_wait3A = arith.constant 0 : i32
        %dma_wait3A_69 = arith.constant 0 : i32
        %dma_wait3A_70 = tpu.memref_slice %arg14[%dma_wait3A, %dma_wait3A_69] : memref<640x16xf32, #tpu.memory_space<vmem>> -> memref<640x16xf32, #tpu.memory_space<vmem>>
        %dma_wait3A_71 = arith.constant 0 : i32
        %dma_wait3A_72 = tpu.memref_slice %arg2[%mul3A_49, %dma_wait3A_71] : memref<10000x16xf32, #tpu.memory_space<hbm>> -> memref<640x16xf32, #tpu.memory_space<hbm>>
        %dma_wait3A_73 = arith.constant 0 : i32
        %dma_wait3A_74 = arith.constant 0 : i32
        %dma_wait3A_75 = tpu.memref_slice %arg14[%dma_wait3A_73, %dma_wait3A_74] : memref<640x16xf32, #tpu.memory_space<vmem>> -> memref<640x16xf32, #tpu.memory_space<vmem>>
        %dma_wait3A_76 = arith.constant 0 : i32
        %dma_wait3A_77 = tpu.memref_slice %arg2[%mul3A_49, %dma_wait3A_76] : memref<10000x16xf32, #tpu.memory_space<hbm>> -> memref<640x16xf32, #tpu.memory_space<hbm>>
        tpu.wait_dma2 semaphore(%run_scoped3A_59 : memref<!tpu.dma_semaphore, #tpu.memory_space<semaphore_mem>>) src(%dma_wait3A_77 : memref<640x16xf32, #tpu.memory_space<hbm>>) dst(%dma_wait3A_75 : memref<640x16xf32, #tpu.memory_space<vmem>>)
        tpu.yield
      }) : () -> ()
      %run_scoped3A = arith.constant 0 : i32
      "tpu.region"() ({
        %run_scoped3A_59 = tpu.sem_alloc : memref<!tpu.dma_semaphore, #tpu.memory_space<semaphore_mem>>
        %dma_start3A = arith.constant 0 : i32
        %dma_start3A_60 = arith.constant 0 : i32
        %dma_start3A_61 = tpu.memref_slice %arg15[%dma_start3A, %dma_start3A_60] : memref<640x16xf32, #tpu.memory_space<vmem>> -> memref<640x16xf32, #tpu.memory_space<vmem>>
        %dma_start3A_62 = arith.constant 0 : i32
        %dma_start3A_63 = tpu.memref_slice %arg3[%run_scoped3A, %mul3A_49, %dma_start3A_62] : memref<2x10240x16xf32, #tpu.memory_space<hbm>> -> memref<1x640x16xf32, #tpu.memory_space<hbm>>
        %dma_start3A_64 = tpu.memref_squeeze %dma_start3A_63 : memref<1x640x16xf32, #tpu.memory_space<hbm>> -> memref<640x16xf32, #tpu.memory_space<hbm>>
        %dma_start3A_65 = arith.constant 0 : i32
        %dma_start3A_66 = arith.constant 0 : i32
        %dma_start3A_67 = tpu.memref_slice %arg15[%dma_start3A_65, %dma_start3A_66] : memref<640x16xf32, #tpu.memory_space<vmem>> -> memref<640x16xf32, #tpu.memory_space<vmem>>
        %dma_start3A_68 = arith.constant 0 : i32
        %dma_start3A_69 = tpu.memref_slice %arg3[%run_scoped3A, %mul3A_49, %dma_start3A_68] : memref<2x10240x16xf32, #tpu.memory_space<hbm>> -> memref<1x640x16xf32, #tpu.memory_space<hbm>>
        %dma_start3A_70 = tpu.memref_squeeze %dma_start3A_69 : memref<1x640x16xf32, #tpu.memory_space<hbm>> -> memref<640x16xf32, #tpu.memory_space<hbm>>
        tpu.enqueue_dma source(%dma_start3A_70 : memref<640x16xf32, #tpu.memory_space<hbm>>) target(%dma_start3A_67 : memref<640x16xf32, #tpu.memory_space<vmem>>) target_semaphore(%run_scoped3A_59 : memref<!tpu.dma_semaphore, #tpu.memory_space<semaphore_mem>>)
        %dma_wait3A = arith.constant 0 : i32
        %dma_wait3A_71 = arith.constant 0 : i32
        %dma_wait3A_72 = tpu.memref_slice %arg15[%dma_wait3A, %dma_wait3A_71] : memref<640x16xf32, #tpu.memory_space<vmem>> -> memref<640x16xf32, #tpu.memory_space<vmem>>
        %dma_wait3A_73 = arith.constant 0 : i32
        %dma_wait3A_74 = tpu.memref_slice %arg3[%run_scoped3A, %mul3A_49, %dma_wait3A_73] : memref<2x10240x16xf32, #tpu.memory_space<hbm>> -> memref<1x640x16xf32, #tpu.memory_space<hbm>>
        %dma_wait3A_75 = tpu.memref_squeeze %dma_wait3A_74 : memref<1x640x16xf32, #tpu.memory_space<hbm>> -> memref<640x16xf32, #tpu.memory_space<hbm>>
        %dma_wait3A_76 = arith.constant 0 : i32
        %dma_wait3A_77 = arith.constant 0 : i32
        %dma_wait3A_78 = tpu.memref_slice %arg15[%dma_wait3A_76, %dma_wait3A_77] : memref<640x16xf32, #tpu.memory_space<vmem>> -> memref<640x16xf32, #tpu.memory_space<vmem>>
        %dma_wait3A_79 = arith.constant 0 : i32
        %dma_wait3A_80 = tpu.memref_slice %arg3[%run_scoped3A, %mul3A_49, %dma_wait3A_79] : memref<2x10240x16xf32, #tpu.memory_space<hbm>> -> memref<1x640x16xf32, #tpu.memory_space<hbm>>
        %dma_wait3A_81 = tpu.memref_squeeze %dma_wait3A_80 : memref<1x640x16xf32, #tpu.memory_space<hbm>> -> memref<640x16xf32, #tpu.memory_space<hbm>>
        tpu.wait_dma2 semaphore(%run_scoped3A_59 : memref<!tpu.dma_semaphore, #tpu.memory_space<semaphore_mem>>) src(%dma_wait3A_81 : memref<640x16xf32, #tpu.memory_space<hbm>>) dst(%dma_wait3A_78 : memref<640x16xf32, #tpu.memory_space<vmem>>)
        tpu.yield
      }) : () -> ()
      %run_scoped3A_50 = arith.constant 1 : i32
      "tpu.region"() ({
        %run_scoped3A_59 = tpu.sem_alloc : memref<!tpu.dma_semaphore, #tpu.memory_space<semaphore_mem>>
        %dma_start3A = arith.constant 0 : i32
        %dma_start3A_60 = arith.constant 0 : i32
        %dma_start3A_61 = tpu.memref_slice %arg16[%dma_start3A, %dma_start3A_60] : memref<640x16xf32, #tpu.memory_space<vmem>> -> memref<640x16xf32, #tpu.memory_space<vmem>>
        %dma_start3A_62 = arith.constant 0 : i32
        %dma_start3A_63 = tpu.memref_slice %arg3[%run_scoped3A_50, %mul3A_49, %dma_start3A_62] : memref<2x10240x16xf32, #tpu.memory_space<hbm>> -> memref<1x640x16xf32, #tpu.memory_space<hbm>>
        %dma_start3A_64 = tpu.memref_squeeze %dma_start3A_63 : memref<1x640x16xf32, #tpu.memory_space<hbm>> -> memref<640x16xf32, #tpu.memory_space<hbm>>
        %dma_start3A_65 = arith.constant 0 : i32
        %dma_start3A_66 = arith.constant 0 : i32
        %dma_start3A_67 = tpu.memref_slice %arg16[%dma_start3A_65, %dma_start3A_66] : memref<640x16xf32, #tpu.memory_space<vmem>> -> memref<640x16xf32, #tpu.memory_space<vmem>>
        %dma_start3A_68 = arith.constant 0 : i32
        %dma_start3A_69 = tpu.memref_slice %arg3[%run_scoped3A_50, %mul3A_49, %dma_start3A_68] : memref<2x10240x16xf32, #tpu.memory_space<hbm>> -> memref<1x640x16xf32, #tpu.memory_space<hbm>>
        %dma_start3A_70 = tpu.memref_squeeze %dma_start3A_69 : memref<1x640x16xf32, #tpu.memory_space<hbm>> -> memref<640x16xf32, #tpu.memory_space<hbm>>
        tpu.enqueue_dma source(%dma_start3A_70 : memref<640x16xf32, #tpu.memory_space<hbm>>) target(%dma_start3A_67 : memref<640x16xf32, #tpu.memory_space<vmem>>) target_semaphore(%run_scoped3A_59 : memref<!tpu.dma_semaphore, #tpu.memory_space<semaphore_mem>>)
        %dma_wait3A = arith.constant 0 : i32
        %dma_wait3A_71 = arith.constant 0 : i32
        %dma_wait3A_72 = tpu.memref_slice %arg16[%dma_wait3A, %dma_wait3A_71] : memref<640x16xf32, #tpu.memory_space<vmem>> -> memref<640x16xf32, #tpu.memory_space<vmem>>
        %dma_wait3A_73 = arith.constant 0 : i32
        %dma_wait3A_74 = tpu.memref_slice %arg3[%run_scoped3A_50, %mul3A_49, %dma_wait3A_73] : memref<2x10240x16xf32, #tpu.memory_space<hbm>> -> memref<1x640x16xf32, #tpu.memory_space<hbm>>
        %dma_wait3A_75 = tpu.memref_squeeze %dma_wait3A_74 : memref<1x640x16xf32, #tpu.memory_space<hbm>> -> memref<640x16xf32, #tpu.memory_space<hbm>>
        %dma_wait3A_76 = arith.constant 0 : i32
        %dma_wait3A_77 = arith.constant 0 : i32
        %dma_wait3A_78 = tpu.memref_slice %arg16[%dma_wait3A_76, %dma_wait3A_77] : memref<640x16xf32, #tpu.memory_space<vmem>> -> memref<640x16xf32, #tpu.memory_space<vmem>>
        %dma_wait3A_79 = arith.constant 0 : i32
        %dma_wait3A_80 = tpu.memref_slice %arg3[%run_scoped3A_50, %mul3A_49, %dma_wait3A_79] : memref<2x10240x16xf32, #tpu.memory_space<hbm>> -> memref<1x640x16xf32, #tpu.memory_space<hbm>>
        %dma_wait3A_81 = tpu.memref_squeeze %dma_wait3A_80 : memref<1x640x16xf32, #tpu.memory_space<hbm>> -> memref<640x16xf32, #tpu.memory_space<hbm>>
        tpu.wait_dma2 semaphore(%run_scoped3A_59 : memref<!tpu.dma_semaphore, #tpu.memory_space<semaphore_mem>>) src(%dma_wait3A_81 : memref<640x16xf32, #tpu.memory_space<hbm>>) dst(%dma_wait3A_78 : memref<640x16xf32, #tpu.memory_space<vmem>>)
        tpu.yield
      }) : () -> ()
      "tpu.region"() ({
        %run_scoped3A_59 = tpu.sem_alloc : memref<!tpu.dma_semaphore, #tpu.memory_space<semaphore_mem>>
        tpu.enqueue_dma source(%arg4 : memref<16xf32, #tpu.memory_space<hbm>>) target(%arg17 : memref<16xf32, #tpu.memory_space<vmem>>) target_semaphore(%run_scoped3A_59 : memref<!tpu.dma_semaphore, #tpu.memory_space<semaphore_mem>>)
        tpu.wait_dma2 semaphore(%run_scoped3A_59 : memref<!tpu.dma_semaphore, #tpu.memory_space<semaphore_mem>>) src(%arg4 : memref<16xf32, #tpu.memory_space<hbm>>) dst(%arg17 : memref<16xf32, #tpu.memory_space<vmem>>)
        tpu.yield
      }) : () -> ()
      %get3A = arith.constant 0 : index
      %get3A_51 = tpu.vector_load %arg17[%get3A] {strides = array<i32>} : memref<16xf32, #tpu.memory_space<vmem>>, vector<16xf32>,
      %get3A_52 = vector.shape_cast %get3A_51 : vector<16xf32> to vector<16xf32>
      %scan3A_53 = arith.constant 0 : i32
      %scan3A_54 = arith.constant 0 : i32
      %scan3A_55 = arith.constant 640 : i32
      %scan3A_56 = arith.addi %scan3A_54, %scan3A_55 : i32
      %scan3A_57 = arith.constant 1 : i32
      scf.for %scan3A_59 = %scan3A_54 to %scan3A_56 step %scan3A_57  : i32 {
        %get3A_60 = arith.index_cast %scan3A_59 : i32 to index
        %get3A_61 = arith.constant 0 : index
        %get3A_62 = tpu.vector_load %arg14[%get3A_60, %get3A_61] {strides = array<i32>} : memref<640x16xf32, #tpu.memory_space<vmem>>, vector<1x16xf32>,
        %get3A_63 = vector.shape_cast %get3A_62 : vector<1x16xf32> to vector<16xf32>
        %get3A_64 = arith.index_cast %scan3A_59 : i32 to index
        %get3A_65 = arith.constant 0 : index
        %get3A_66 = tpu.vector_load %arg15[%get3A_64, %get3A_65] {strides = array<i32>} : memref<640x16xf32, #tpu.memory_space<vmem>>, vector<1x16xf32>,
        %get3A_67 = vector.shape_cast %get3A_66 : vector<1x16xf32> to vector<16xf32>
        %add3A = arith.addf %get3A_63, %get3A_67 : vector<16xf32>
        %get3A_68 = arith.index_cast %scan3A_59 : i32 to index
        %get3A_69 = arith.constant 0 : index
        %get3A_70 = tpu.vector_load %arg16[%get3A_68, %get3A_69] {strides = array<i32>} : memref<640x16xf32, #tpu.memory_space<vmem>>, vector<1x16xf32>,
        %get3A_71 = vector.shape_cast %get3A_70 : vector<1x16xf32> to vector<16xf32>
        %add3A_72 = arith.addf %add3A, %get3A_71 : vector<16xf32>
        %add3A_73 = arith.addf %add3A_72, %get3A_52 : vector<16xf32>
        %max3A = arith.constant 0.000000e+00 : f32
        %max3A_74 = vector.broadcast %max3A : f32 to vector<16xf32>
        %max3A_75 = arith.maximumf %add3A_73, %max3A_74 : vector<16xf32>
        %swap3A = arith.index_cast %scan3A_59 : i32 to index
        %swap3A_76 = arith.constant 0 : index
        %swap3A_77 = tpu.vector_load %arg14[%swap3A, %swap3A_76] {strides = array<i32>} : memref<640x16xf32, #tpu.memory_space<vmem>>, vector<1x16xf32>,
        %swap3A_78 = vector.shape_cast %swap3A_77 : vector<1x16xf32> to vector<16xf32>
        %swap3A_79 = vector.shape_cast %max3A_75 : vector<16xf32> to vector<1x16xf32>
        tpu.vector_store %arg14[%swap3A, %swap3A_76], %swap3A_79 {strides = array<i32>} : memref<640x16xf32, #tpu.memory_space<vmem>>, vector<1x16xf32>,
      }
      %scan3A_58 = arith.constant 640 : i32
      "tpu.region"() ({
        %run_scoped3A_59 = tpu.sem_alloc : memref<!tpu.dma_semaphore, #tpu.memory_space<semaphore_mem>>
        %dma_start3A = arith.constant 0 : i32
        %dma_start3A_60 = arith.constant 0 : i32
        %dma_start3A_61 = tpu.memref_slice %arg14[%dma_start3A, %dma_start3A_60] : memref<640x16xf32, #tpu.memory_space<vmem>> -> memref<640x16xf32, #tpu.memory_space<vmem>>
        %dma_start3A_62 = arith.constant 0 : i32
        %dma_start3A_63 = tpu.memref_slice %arg8[%mul3A_49, %dma_start3A_62] : memref<10000x16xf32, #tpu.memory_space<hbm>> -> memref<640x16xf32, #tpu.memory_space<hbm>>
        %dma_start3A_64 = arith.constant 0 : i32
        %dma_start3A_65 = tpu.memref_slice %arg8[%mul3A_49, %dma_start3A_64] : memref<10000x16xf32, #tpu.memory_space<hbm>> -> memref<640x16xf32, #tpu.memory_space<hbm>>
        %dma_start3A_66 = arith.constant 0 : i32
        %dma_start3A_67 = arith.constant 0 : i32
        %dma_start3A_68 = tpu.memref_slice %arg14[%dma_start3A_66, %dma_start3A_67] : memref<640x16xf32, #tpu.memory_space<vmem>> -> memref<640x16xf32, #tpu.memory_space<vmem>>
        tpu.enqueue_dma source(%dma_start3A_68 : memref<640x16xf32, #tpu.memory_space<vmem>>) target(%dma_start3A_65 : memref<640x16xf32, #tpu.memory_space<hbm>>) target_semaphore(%run_scoped3A_59 : memref<!tpu.dma_semaphore, #tpu.memory_space<semaphore_mem>>)
        %dma_wait3A = arith.constant 0 : i32
        %dma_wait3A_69 = arith.constant 0 : i32
        %dma_wait3A_70 = tpu.memref_slice %arg14[%dma_wait3A, %dma_wait3A_69] : memref<640x16xf32, #tpu.memory_space<vmem>> -> memref<640x16xf32, #tpu.memory_space<vmem>>
        %dma_wait3A_71 = arith.constant 0 : i32
        %dma_wait3A_72 = tpu.memref_slice %arg8[%mul3A_49, %dma_wait3A_71] : memref<10000x16xf32, #tpu.memory_space<hbm>> -> memref<640x16xf32, #tpu.memory_space<hbm>>
        %dma_wait3A_73 = arith.constant 0 : i32
        %dma_wait3A_74 = tpu.memref_slice %arg8[%mul3A_49, %dma_wait3A_73] : memref<10000x16xf32, #tpu.memory_space<hbm>> -> memref<640x16xf32, #tpu.memory_space<hbm>>
        %dma_wait3A_75 = arith.constant 0 : i32
        %dma_wait3A_76 = arith.constant 0 : i32
        %dma_wait3A_77 = tpu.memref_slice %arg14[%dma_wait3A_75, %dma_wait3A_76] : memref<640x16xf32, #tpu.memory_space<vmem>> -> memref<640x16xf32, #tpu.memory_space<vmem>>
        tpu.wait_dma2 semaphore(%run_scoped3A_59 : memref<!tpu.dma_semaphore, #tpu.memory_space<semaphore_mem>>) src(%dma_wait3A_77 : memref<640x16xf32, #tpu.memory_space<vmem>>) dst(%dma_wait3A_74 : memref<640x16xf32, #tpu.memory_space<hbm>>)
        tpu.yield
      }) : () -> ()
    } else {
    }
    %eq3A_25 = arith.constant 1 : i32
    %eq3A_26 = arith.cmpi eq, %arg0, %eq3A_25 : i32
    %eq3A_27 = arith.constant 15 : i32
    %eq3A_28 = arith.cmpi eq, %arg1, %eq3A_27 : i32
    %and3A_29 = arith.andi %eq3A_26, %eq3A_28 : i1
    %convert_element_type3A_30 = arith.extui %and3A_29 : i1 to i32
    %cond3A_31 = arith.constant 0 : i32
    %cond3A_32 = arith.cmpi ne, %convert_element_type3A_30, %cond3A_31 : i32
    scf.if %cond3A_32 {
      %mul3A_48 = arith.constant 640 : i32
      %mul3A_49 = arith.muli %arg1, %mul3A_48 : i32
      "tpu.region"() ({
        %run_scoped3A_59 = tpu.sem_alloc : memref<!tpu.dma_semaphore, #tpu.memory_space<semaphore_mem>>
        %dma_start3A = arith.constant 0 : i32
        %dma_start3A_60 = arith.constant 0 : i32
        %dma_start3A_61 = tpu.memref_slice %arg14[%dma_start3A, %dma_start3A_60] : memref<640x16xf32, #tpu.memory_space<vmem>> -> memref<400x16xf32, #tpu.memory_space<vmem>>
        %dma_start3A_62 = arith.constant 0 : i32
        %dma_start3A_63 = tpu.memref_slice %arg2[%mul3A_49, %dma_start3A_62] : memref<10000x16xf32, #tpu.memory_space<hbm>> -> memref<400x16xf32, #tpu.memory_space<hbm>>
        %dma_start3A_64 = arith.constant 0 : i32
        %dma_start3A_65 = arith.constant 0 : i32
        %dma_start3A_66 = tpu.memref_slice %arg14[%dma_start3A_64, %dma_start3A_65] : memref<640x16xf32, #tpu.memory_space<vmem>> -> memref<400x16xf32, #tpu.memory_space<vmem>>
        %dma_start3A_67 = arith.constant 0 : i32
        %dma_start3A_68 = tpu.memref_slice %arg2[%mul3A_49, %dma_start3A_67] : memref<10000x16xf32, #tpu.memory_space<hbm>> -> memref<400x16xf32, #tpu.memory_space<hbm>>
        tpu.enqueue_dma source(%dma_start3A_68 : memref<400x16xf32, #tpu.memory_space<hbm>>) target(%dma_start3A_66 : memref<400x16xf32, #tpu.memory_space<vmem>>) target_semaphore(%run_scoped3A_59 : memref<!tpu.dma_semaphore, #tpu.memory_space<semaphore_mem>>)
        %dma_wait3A = arith.constant 0 : i32
        %dma_wait3A_69 = arith.constant 0 : i32
        %dma_wait3A_70 = tpu.memref_slice %arg14[%dma_wait3A, %dma_wait3A_69] : memref<640x16xf32, #tpu.memory_space<vmem>> -> memref<400x16xf32, #tpu.memory_space<vmem>>
        %dma_wait3A_71 = arith.constant 0 : i32
        %dma_wait3A_72 = tpu.memref_slice %arg2[%mul3A_49, %dma_wait3A_71] : memref<10000x16xf32, #tpu.memory_space<hbm>> -> memref<400x16xf32, #tpu.memory_space<hbm>>
        %dma_wait3A_73 = arith.constant 0 : i32
        %dma_wait3A_74 = arith.constant 0 : i32
        %dma_wait3A_75 = tpu.memref_slice %arg14[%dma_wait3A_73, %dma_wait3A_74] : memref<640x16xf32, #tpu.memory_space<vmem>> -> memref<400x16xf32, #tpu.memory_space<vmem>>
        %dma_wait3A_76 = arith.constant 0 : i32
        %dma_wait3A_77 = tpu.memref_slice %arg2[%mul3A_49, %dma_wait3A_76] : memref<10000x16xf32, #tpu.memory_space<hbm>> -> memref<400x16xf32, #tpu.memory_space<hbm>>
        tpu.wait_dma2 semaphore(%run_scoped3A_59 : memref<!tpu.dma_semaphore, #tpu.memory_space<semaphore_mem>>) src(%dma_wait3A_77 : memref<400x16xf32, #tpu.memory_space<hbm>>) dst(%dma_wait3A_75 : memref<400x16xf32, #tpu.memory_space<vmem>>)
        tpu.yield
      }) : () -> ()
      %run_scoped3A = arith.constant 0 : i32
      "tpu.region"() ({
        %run_scoped3A_59 = tpu.sem_alloc : memref<!tpu.dma_semaphore, #tpu.memory_space<semaphore_mem>>
        %dma_start3A = arith.constant 0 : i32
        %dma_start3A_60 = arith.constant 0 : i32
        %dma_start3A_61 = tpu.memref_slice %arg15[%dma_start3A, %dma_start3A_60] : memref<640x16xf32, #tpu.memory_space<vmem>> -> memref<400x16xf32, #tpu.memory_space<vmem>>
        %dma_start3A_62 = arith.constant 0 : i32
        %dma_start3A_63 = tpu.memref_slice %arg3[%run_scoped3A, %mul3A_49, %dma_start3A_62] : memref<2x10240x16xf32, #tpu.memory_space<hbm>> -> memref<1x400x16xf32, #tpu.memory_space<hbm>>
        %dma_start3A_64 = tpu.memref_squeeze %dma_start3A_63 : memref<1x400x16xf32, #tpu.memory_space<hbm>> -> memref<400x16xf32, #tpu.memory_space<hbm>>
        %dma_start3A_65 = arith.constant 0 : i32
        %dma_start3A_66 = arith.constant 0 : i32
        %dma_start3A_67 = tpu.memref_slice %arg15[%dma_start3A_65, %dma_start3A_66] : memref<640x16xf32, #tpu.memory_space<vmem>> -> memref<400x16xf32, #tpu.memory_space<vmem>>
        %dma_start3A_68 = arith.constant 0 : i32
        %dma_start3A_69 = tpu.memref_slice %arg3[%run_scoped3A, %mul3A_49, %dma_start3A_68] : memref<2x10240x16xf32, #tpu.memory_space<hbm>> -> memref<1x400x16xf32, #tpu.memory_space<hbm>>
        %dma_start3A_70 = tpu.memref_squeeze %dma_start3A_69 : memref<1x400x16xf32, #tpu.memory_space<hbm>> -> memref<400x16xf32, #tpu.memory_space<hbm>>
        tpu.enqueue_dma source(%dma_start3A_70 : memref<400x16xf32, #tpu.memory_space<hbm>>) target(%dma_start3A_67 : memref<400x16xf32, #tpu.memory_space<vmem>>) target_semaphore(%run_scoped3A_59 : memref<!tpu.dma_semaphore, #tpu.memory_space<semaphore_mem>>)
        %dma_wait3A = arith.constant 0 : i32
        %dma_wait3A_71 = arith.constant 0 : i32
        %dma_wait3A_72 = tpu.memref_slice %arg15[%dma_wait3A, %dma_wait3A_71] : memref<640x16xf32, #tpu.memory_space<vmem>> -> memref<400x16xf32, #tpu.memory_space<vmem>>
        %dma_wait3A_73 = arith.constant 0 : i32
        %dma_wait3A_74 = tpu.memref_slice %arg3[%run_scoped3A, %mul3A_49, %dma_wait3A_73] : memref<2x10240x16xf32, #tpu.memory_space<hbm>> -> memref<1x400x16xf32, #tpu.memory_space<hbm>>
        %dma_wait3A_75 = tpu.memref_squeeze %dma_wait3A_74 : memref<1x400x16xf32, #tpu.memory_space<hbm>> -> memref<400x16xf32, #tpu.memory_space<hbm>>
        %dma_wait3A_76 = arith.constant 0 : i32
        %dma_wait3A_77 = arith.constant 0 : i32
        %dma_wait3A_78 = tpu.memref_slice %arg15[%dma_wait3A_76, %dma_wait3A_77] : memref<640x16xf32, #tpu.memory_space<vmem>> -> memref<400x16xf32, #tpu.memory_space<vmem>>
        %dma_wait3A_79 = arith.constant 0 : i32
        %dma_wait3A_80 = tpu.memref_slice %arg3[%run_scoped3A, %mul3A_49, %dma_wait3A_79] : memref<2x10240x16xf32, #tpu.memory_space<hbm>> -> memref<1x400x16xf32, #tpu.memory_space<hbm>>
        %dma_wait3A_81 = tpu.memref_squeeze %dma_wait3A_80 : memref<1x400x16xf32, #tpu.memory_space<hbm>> -> memref<400x16xf32, #tpu.memory_space<hbm>>
        tpu.wait_dma2 semaphore(%run_scoped3A_59 : memref<!tpu.dma_semaphore, #tpu.memory_space<semaphore_mem>>) src(%dma_wait3A_81 : memref<400x16xf32, #tpu.memory_space<hbm>>) dst(%dma_wait3A_78 : memref<400x16xf32, #tpu.memory_space<vmem>>)
        tpu.yield
      }) : () -> ()
      %run_scoped3A_50 = arith.constant 1 : i32
      "tpu.region"() ({
        %run_scoped3A_59 = tpu.sem_alloc : memref<!tpu.dma_semaphore, #tpu.memory_space<semaphore_mem>>
        %dma_start3A = arith.constant 0 : i32
        %dma_start3A_60 = arith.constant 0 : i32
        %dma_start3A_61 = tpu.memref_slice %arg16[%dma_start3A, %dma_start3A_60] : memref<640x16xf32, #tpu.memory_space<vmem>> -> memref<400x16xf32, #tpu.memory_space<vmem>>
        %dma_start3A_62 = arith.constant 0 : i32
        %dma_start3A_63 = tpu.memref_slice %arg3[%run_scoped3A_50, %mul3A_49, %dma_start3A_62] : memref<2x10240x16xf32, #tpu.memory_space<hbm>> -> memref<1x400x16xf32, #tpu.memory_space<hbm>>
        %dma_start3A_64 = tpu.memref_squeeze %dma_start3A_63 : memref<1x400x16xf32, #tpu.memory_space<hbm>> -> memref<400x16xf32, #tpu.memory_space<hbm>>
        %dma_start3A_65 = arith.constant 0 : i32
        %dma_start3A_66 = arith.constant 0 : i32
        %dma_start3A_67 = tpu.memref_slice %arg16[%dma_start3A_65, %dma_start3A_66] : memref<640x16xf32, #tpu.memory_space<vmem>> -> memref<400x16xf32, #tpu.memory_space<vmem>>
        %dma_start3A_68 = arith.constant 0 : i32
        %dma_start3A_69 = tpu.memref_slice %arg3[%run_scoped3A_50, %mul3A_49, %dma_start3A_68] : memref<2x10240x16xf32, #tpu.memory_space<hbm>> -> memref<1x400x16xf32, #tpu.memory_space<hbm>>
        %dma_start3A_70 = tpu.memref_squeeze %dma_start3A_69 : memref<1x400x16xf32, #tpu.memory_space<hbm>> -> memref<400x16xf32, #tpu.memory_space<hbm>>
        tpu.enqueue_dma source(%dma_start3A_70 : memref<400x16xf32, #tpu.memory_space<hbm>>) target(%dma_start3A_67 : memref<400x16xf32, #tpu.memory_space<vmem>>) target_semaphore(%run_scoped3A_59 : memref<!tpu.dma_semaphore, #tpu.memory_space<semaphore_mem>>)
        %dma_wait3A = arith.constant 0 : i32
        %dma_wait3A_71 = arith.constant 0 : i32
        %dma_wait3A_72 = tpu.memref_slice %arg16[%dma_wait3A, %dma_wait3A_71] : memref<640x16xf32, #tpu.memory_space<vmem>> -> memref<400x16xf32, #tpu.memory_space<vmem>>
        %dma_wait3A_73 = arith.constant 0 : i32
        %dma_wait3A_74 = tpu.memref_slice %arg3[%run_scoped3A_50, %mul3A_49, %dma_wait3A_73] : memref<2x10240x16xf32, #tpu.memory_space<hbm>> -> memref<1x400x16xf32, #tpu.memory_space<hbm>>
        %dma_wait3A_75 = tpu.memref_squeeze %dma_wait3A_74 : memref<1x400x16xf32, #tpu.memory_space<hbm>> -> memref<400x16xf32, #tpu.memory_space<hbm>>
        %dma_wait3A_76 = arith.constant 0 : i32
        %dma_wait3A_77 = arith.constant 0 : i32
        %dma_wait3A_78 = tpu.memref_slice %arg16[%dma_wait3A_76, %dma_wait3A_77] : memref<640x16xf32, #tpu.memory_space<vmem>> -> memref<400x16xf32, #tpu.memory_space<vmem>>
        %dma_wait3A_79 = arith.constant 0 : i32
        %dma_wait3A_80 = tpu.memref_slice %arg3[%run_scoped3A_50, %mul3A_49, %dma_wait3A_79] : memref<2x10240x16xf32, #tpu.memory_space<hbm>> -> memref<1x400x16xf32, #tpu.memory_space<hbm>>
        %dma_wait3A_81 = tpu.memref_squeeze %dma_wait3A_80 : memref<1x400x16xf32, #tpu.memory_space<hbm>> -> memref<400x16xf32, #tpu.memory_space<hbm>>
        tpu.wait_dma2 semaphore(%run_scoped3A_59 : memref<!tpu.dma_semaphore, #tpu.memory_space<semaphore_mem>>) src(%dma_wait3A_81 : memref<400x16xf32, #tpu.memory_space<hbm>>) dst(%dma_wait3A_78 : memref<400x16xf32, #tpu.memory_space<vmem>>)
        tpu.yield
      }) : () -> ()
      "tpu.region"() ({
        %run_scoped3A_59 = tpu.sem_alloc : memref<!tpu.dma_semaphore, #tpu.memory_space<semaphore_mem>>
        tpu.enqueue_dma source(%arg4 : memref<16xf32, #tpu.memory_space<hbm>>) target(%arg17 : memref<16xf32, #tpu.memory_space<vmem>>) target_semaphore(%run_scoped3A_59 : memref<!tpu.dma_semaphore, #tpu.memory_space<semaphore_mem>>)
        tpu.wait_dma2 semaphore(%run_scoped3A_59 : memref<!tpu.dma_semaphore, #tpu.memory_space<semaphore_mem>>) src(%arg4 : memref<16xf32, #tpu.memory_space<hbm>>) dst(%arg17 : memref<16xf32, #tpu.memory_space<vmem>>)
        tpu.yield
      }) : () -> ()
      %get3A = arith.constant 0 : index
      %get3A_51 = tpu.vector_load %arg17[%get3A] {strides = array<i32>} : memref<16xf32, #tpu.memory_space<vmem>>, vector<16xf32>,
      %get3A_52 = vector.shape_cast %get3A_51 : vector<16xf32> to vector<16xf32>
      %scan3A_53 = arith.constant 0 : i32
      %scan3A_54 = arith.constant 0 : i32
      %scan3A_55 = arith.constant 400 : i32
      %scan3A_56 = arith.addi %scan3A_54, %scan3A_55 : i32
      %scan3A_57 = arith.constant 1 : i32
      scf.for %scan3A_59 = %scan3A_54 to %scan3A_56 step %scan3A_57  : i32 {
        %get3A_60 = arith.index_cast %scan3A_59 : i32 to index
        %get3A_61 = arith.constant 0 : index
        %get3A_62 = tpu.vector_load %arg14[%get3A_60, %get3A_61] {strides = array<i32>} : memref<640x16xf32, #tpu.memory_space<vmem>>, vector<1x16xf32>,
        %get3A_63 = vector.shape_cast %get3A_62 : vector<1x16xf32> to vector<16xf32>
        %get3A_64 = arith.index_cast %scan3A_59 : i32 to index
        %get3A_65 = arith.constant 0 : index
        %get3A_66 = tpu.vector_load %arg15[%get3A_64, %get3A_65] {strides = array<i32>} : memref<640x16xf32, #tpu.memory_space<vmem>>, vector<1x16xf32>,
        %get3A_67 = vector.shape_cast %get3A_66 : vector<1x16xf32> to vector<16xf32>
        %add3A = arith.addf %get3A_63, %get3A_67 : vector<16xf32>
        %get3A_68 = arith.index_cast %scan3A_59 : i32 to index
        %get3A_69 = arith.constant 0 : index
        %get3A_70 = tpu.vector_load %arg16[%get3A_68, %get3A_69] {strides = array<i32>} : memref<640x16xf32, #tpu.memory_space<vmem>>, vector<1x16xf32>,
        %get3A_71 = vector.shape_cast %get3A_70 : vector<1x16xf32> to vector<16xf32>
        %add3A_72 = arith.addf %add3A, %get3A_71 : vector<16xf32>
        %add3A_73 = arith.addf %add3A_72, %get3A_52 : vector<16xf32>
        %max3A = arith.constant 0.000000e+00 : f32
        %max3A_74 = vector.broadcast %max3A : f32 to vector<16xf32>
        %max3A_75 = arith.maximumf %add3A_73, %max3A_74 : vector<16xf32>
        %swap3A = arith.index_cast %scan3A_59 : i32 to index
        %swap3A_76 = arith.constant 0 : index
        %swap3A_77 = tpu.vector_load %arg14[%swap3A, %swap3A_76] {strides = array<i32>} : memref<640x16xf32, #tpu.memory_space<vmem>>, vector<1x16xf32>,
        %swap3A_78 = vector.shape_cast %swap3A_77 : vector<1x16xf32> to vector<16xf32>
        %swap3A_79 = vector.shape_cast %max3A_75 : vector<16xf32> to vector<1x16xf32>
        tpu.vector_store %arg14[%swap3A, %swap3A_76], %swap3A_79 {strides = array<i32>} : memref<640x16xf32, #tpu.memory_space<vmem>>, vector<1x16xf32>,
      }
      %scan3A_58 = arith.constant 400 : i32
      "tpu.region"() ({
        %run_scoped3A_59 = tpu.sem_alloc : memref<!tpu.dma_semaphore, #tpu.memory_space<semaphore_mem>>
        %dma_start3A = arith.constant 0 : i32
        %dma_start3A_60 = arith.constant 0 : i32
        %dma_start3A_61 = tpu.memref_slice %arg14[%dma_start3A, %dma_start3A_60] : memref<640x16xf32, #tpu.memory_space<vmem>> -> memref<400x16xf32, #tpu.memory_space<vmem>>
        %dma_start3A_62 = arith.constant 0 : i32
        %dma_start3A_63 = tpu.memref_slice %arg8[%mul3A_49, %dma_start3A_62] : memref<10000x16xf32, #tpu.memory_space<hbm>> -> memref<400x16xf32, #tpu.memory_space<hbm>>
        %dma_start3A_64 = arith.constant 0 : i32
        %dma_start3A_65 = tpu.memref_slice %arg8[%mul3A_49, %dma_start3A_64] : memref<10000x16xf32, #tpu.memory_space<hbm>> -> memref<400x16xf32, #tpu.memory_space<hbm>>
        %dma_start3A_66 = arith.constant 0 : i32
        %dma_start3A_67 = arith.constant 0 : i32
        %dma_start3A_68 = tpu.memref_slice %arg14[%dma_start3A_66, %dma_start3A_67] : memref<640x16xf32, #tpu.memory_space<vmem>> -> memref<400x16xf32, #tpu.memory_space<vmem>>
        tpu.enqueue_dma source(%dma_start3A_68 : memref<400x16xf32, #tpu.memory_space<vmem>>) target(%dma_start3A_65 : memref<400x16xf32, #tpu.memory_space<hbm>>) target_semaphore(%run_scoped3A_59 : memref<!tpu.dma_semaphore, #tpu.memory_space<semaphore_mem>>)
        %dma_wait3A = arith.constant 0 : i32
        %dma_wait3A_69 = arith.constant 0 : i32
        %dma_wait3A_70 = tpu.memref_slice %arg14[%dma_wait3A, %dma_wait3A_69] : memref<640x16xf32, #tpu.memory_space<vmem>> -> memref<400x16xf32, #tpu.memory_space<vmem>>
        %dma_wait3A_71 = arith.constant 0 : i32
        %dma_wait3A_72 = tpu.memref_slice %arg8[%mul3A_49, %dma_wait3A_71] : memref<10000x16xf32, #tpu.memory_space<hbm>> -> memref<400x16xf32, #tpu.memory_space<hbm>>
        %dma_wait3A_73 = arith.constant 0 : i32
        %dma_wait3A_74 = tpu.memref_slice %arg8[%mul3A_49, %dma_wait3A_73] : memref<10000x16xf32, #tpu.memory_space<hbm>> -> memref<400x16xf32, #tpu.memory_space<hbm>>
        %dma_wait3A_75 = arith.constant 0 : i32
        %dma_wait3A_76 = arith.constant 0 : i32
        %dma_wait3A_77 = tpu.memref_slice %arg14[%dma_wait3A_75, %dma_wait3A_76] : memref<640x16xf32, #tpu.memory_space<vmem>> -> memref<400x16xf32, #tpu.memory_space<vmem>>
        tpu.wait_dma2 semaphore(%run_scoped3A_59 : memref<!tpu.dma_semaphore, #tpu.memory_space<semaphore_mem>>) src(%dma_wait3A_77 : memref<400x16xf32, #tpu.memory_space<vmem>>) dst(%dma_wait3A_74 : memref<400x16xf32, #tpu.memory_space<hbm>>)
        tpu.yield
      }) : () -> ()
    } else {
    }
    %barrier3A = arith.constant 0 : index
    tpu.barrier barrier_id(%barrier3A)
    %eq3A_33 = arith.constant 0 : i32
    %eq3A_34 = arith.cmpi eq, %arg0, %eq3A_33 : i32
    %convert_element_type3A_35 = arith.extui %eq3A_34 : i1 to i32
    %cond3A_36 = arith.constant 0 : i32
    %cond3A_37 = arith.cmpi ne, %convert_element_type3A_35, %cond3A_36 : i32
    scf.if %cond3A_37 {
      %mul3A_48 = arith.constant 78 : i32
      %mul3A_49 = arith.muli %arg1, %mul3A_48 : i32
      %run_scoped3A = arith.constant 0 : i32
      "tpu.region"() ({
        %run_scoped3A_68 = tpu.sem_alloc : memref<!tpu.dma_semaphore, #tpu.memory_space<semaphore_mem>>
        %dma_start3A_69 = arith.constant 0 : i32
        %dma_start3A_70 = arith.constant 0 : i32
        %dma_start3A_71 = tpu.memref_slice %arg9[%dma_start3A_69, %dma_start3A_70] : memref<79x128xi32, #tpu.memory_space<vmem>> -> memref<78x128xi32, #tpu.memory_space<vmem>>
        %dma_start3A_72 = arith.constant 0 : i32
        %dma_start3A_73 = tpu.memref_slice %arg5[%run_scoped3A, %mul3A_49, %dma_start3A_72] : memref<2x2500x128xi32, #tpu.memory_space<hbm>> -> memref<1x78x128xi32, #tpu.memory_space<hbm>>
        %dma_start3A_74 = tpu.memref_squeeze %dma_start3A_73 : memref<1x78x128xi32, #tpu.memory_space<hbm>> -> memref<78x128xi32, #tpu.memory_space<hbm>>
        %dma_start3A_75 = arith.constant 0 : i32
        %dma_start3A_76 = arith.constant 0 : i32
        %dma_start3A_77 = tpu.memref_slice %arg9[%dma_start3A_75, %dma_start3A_76] : memref<79x128xi32, #tpu.memory_space<vmem>> -> memref<78x128xi32, #tpu.memory_space<vmem>>
        %dma_start3A_78 = arith.constant 0 : i32
        %dma_start3A_79 = tpu.memref_slice %arg5[%run_scoped3A, %mul3A_49, %dma_start3A_78] : memref<2x2500x128xi32, #tpu.memory_space<hbm>> -> memref<1x78x128xi32, #tpu.memory_space<hbm>>
        %dma_start3A_80 = tpu.memref_squeeze %dma_start3A_79 : memref<1x78x128xi32, #tpu.memory_space<hbm>> -> memref<78x128xi32, #tpu.memory_space<hbm>>
        tpu.enqueue_dma source(%dma_start3A_80 : memref<78x128xi32, #tpu.memory_space<hbm>>) target(%dma_start3A_77 : memref<78x128xi32, #tpu.memory_space<vmem>>) target_semaphore(%run_scoped3A_68 : memref<!tpu.dma_semaphore, #tpu.memory_space<semaphore_mem>>)
        %dma_wait3A = arith.constant 0 : i32
        %dma_wait3A_81 = arith.constant 0 : i32
        %dma_wait3A_82 = tpu.memref_slice %arg9[%dma_wait3A, %dma_wait3A_81] : memref<79x128xi32, #tpu.memory_space<vmem>> -> memref<78x128xi32, #tpu.memory_space<vmem>>
        %dma_wait3A_83 = arith.constant 0 : i32
        %dma_wait3A_84 = tpu.memref_slice %arg5[%run_scoped3A, %mul3A_49, %dma_wait3A_83] : memref<2x2500x128xi32, #tpu.memory_space<hbm>> -> memref<1x78x128xi32, #tpu.memory_space<hbm>>
        %dma_wait3A_85 = tpu.memref_squeeze %dma_wait3A_84 : memref<1x78x128xi32, #tpu.memory_space<hbm>> -> memref<78x128xi32, #tpu.memory_space<hbm>>
        %dma_wait3A_86 = arith.constant 0 : i32
        %dma_wait3A_87 = arith.constant 0 : i32
        %dma_wait3A_88 = tpu.memref_slice %arg9[%dma_wait3A_86, %dma_wait3A_87] : memref<79x128xi32, #tpu.memory_space<vmem>> -> memref<78x128xi32, #tpu.memory_space<vmem>>
        %dma_wait3A_89 = arith.constant 0 : i32
        %dma_wait3A_90 = tpu.memref_slice %arg5[%run_scoped3A, %mul3A_49, %dma_wait3A_89] : memref<2x2500x128xi32, #tpu.memory_space<hbm>> -> memref<1x78x128xi32, #tpu.memory_space<hbm>>
        %dma_wait3A_91 = tpu.memref_squeeze %dma_wait3A_90 : memref<1x78x128xi32, #tpu.memory_space<hbm>> -> memref<78x128xi32, #tpu.memory_space<hbm>>
        tpu.wait_dma2 semaphore(%run_scoped3A_68 : memref<!tpu.dma_semaphore, #tpu.memory_space<semaphore_mem>>) src(%dma_wait3A_91 : memref<78x128xi32, #tpu.memory_space<hbm>>) dst(%dma_wait3A_88 : memref<78x128xi32, #tpu.memory_space<vmem>>)
        tpu.yield
      }) : () -> ()
      %run_scoped3A_50 = arith.constant 1 : i32
      "tpu.region"() ({
        %run_scoped3A_68 = tpu.sem_alloc : memref<!tpu.dma_semaphore, #tpu.memory_space<semaphore_mem>>
        %dma_start3A_69 = arith.constant 0 : i32
        %dma_start3A_70 = arith.constant 0 : i32
        %dma_start3A_71 = tpu.memref_slice %arg10[%dma_start3A_69, %dma_start3A_70] : memref<79x128xi32, #tpu.memory_space<vmem>> -> memref<78x128xi32, #tpu.memory_space<vmem>>
        %dma_start3A_72 = arith.constant 0 : i32
        %dma_start3A_73 = tpu.memref_slice %arg5[%run_scoped3A_50, %mul3A_49, %dma_start3A_72] : memref<2x2500x128xi32, #tpu.memory_space<hbm>> -> memref<1x78x128xi32, #tpu.memory_space<hbm>>
        %dma_start3A_74 = tpu.memref_squeeze %dma_start3A_73 : memref<1x78x128xi32, #tpu.memory_space<hbm>> -> memref<78x128xi32, #tpu.memory_space<hbm>>
        %dma_start3A_75 = arith.constant 0 : i32
        %dma_start3A_76 = arith.constant 0 : i32
        %dma_start3A_77 = tpu.memref_slice %arg10[%dma_start3A_75, %dma_start3A_76] : memref<79x128xi32, #tpu.memory_space<vmem>> -> memref<78x128xi32, #tpu.memory_space<vmem>>
        %dma_start3A_78 = arith.constant 0 : i32
        %dma_start3A_79 = tpu.memref_slice %arg5[%run_scoped3A_50, %mul3A_49, %dma_start3A_78] : memref<2x2500x128xi32, #tpu.memory_space<hbm>> -> memref<1x78x128xi32, #tpu.memory_space<hbm>>
        %dma_start3A_80 = tpu.memref_squeeze %dma_start3A_79 : memref<1x78x128xi32, #tpu.memory_space<hbm>> -> memref<78x128xi32, #tpu.memory_space<hbm>>
        tpu.enqueue_dma source(%dma_start3A_80 : memref<78x128xi32, #tpu.memory_space<hbm>>) target(%dma_start3A_77 : memref<78x128xi32, #tpu.memory_space<vmem>>) target_semaphore(%run_scoped3A_68 : memref<!tpu.dma_semaphore, #tpu.memory_space<semaphore_mem>>)
        %dma_wait3A = arith.constant 0 : i32
        %dma_wait3A_81 = arith.constant 0 : i32
        %dma_wait3A_82 = tpu.memref_slice %arg10[%dma_wait3A, %dma_wait3A_81] : memref<79x128xi32, #tpu.memory_space<vmem>> -> memref<78x128xi32, #tpu.memory_space<vmem>>
        %dma_wait3A_83 = arith.constant 0 : i32
        %dma_wait3A_84 = tpu.memref_slice %arg5[%run_scoped3A_50, %mul3A_49, %dma_wait3A_83] : memref<2x2500x128xi32, #tpu.memory_space<hbm>> -> memref<1x78x128xi32, #tpu.memory_space<hbm>>
        %dma_wait3A_85 = tpu.memref_squeeze %dma_wait3A_84 : memref<1x78x128xi32, #tpu.memory_space<hbm>> -> memref<78x128xi32, #tpu.memory_space<hbm>>
        %dma_wait3A_86 = arith.constant 0 : i32
        %dma_wait3A_87 = arith.constant 0 : i32
        %dma_wait3A_88 = tpu.memref_slice %arg10[%dma_wait3A_86, %dma_wait3A_87] : memref<79x128xi32, #tpu.memory_space<vmem>> -> memref<78x128xi32, #tpu.memory_space<vmem>>
        %dma_wait3A_89 = arith.constant 0 : i32
        %dma_wait3A_90 = tpu.memref_slice %arg5[%run_scoped3A_50, %mul3A_49, %dma_wait3A_89] : memref<2x2500x128xi32, #tpu.memory_space<hbm>> -> memref<1x78x128xi32, #tpu.memory_space<hbm>>
        %dma_wait3A_91 = tpu.memref_squeeze %dma_wait3A_90 : memref<1x78x128xi32, #tpu.memory_space<hbm>> -> memref<78x128xi32, #tpu.memory_space<hbm>>
        tpu.wait_dma2 semaphore(%run_scoped3A_68 : memref<!tpu.dma_semaphore, #tpu.memory_space<semaphore_mem>>) src(%dma_wait3A_91 : memref<78x128xi32, #tpu.memory_space<hbm>>) dst(%dma_wait3A_88 : memref<78x128xi32, #tpu.memory_space<vmem>>)
        tpu.yield
      }) : () -> ()
      %dma_start3A = arith.constant 0 : i32
      %dma_start3A_51 = arith.constant 0 : i32
      %dma_start3A_52 = tpu.memref_slice %arg9[%dma_start3A, %dma_start3A_51] : memref<79x128xi32, #tpu.memory_space<vmem>> -> memref<1x128xi32, #tpu.memory_space<vmem>>
      %dma_start3A_53 = tpu.memref_squeeze %dma_start3A_52 : memref<1x128xi32, #tpu.memory_space<vmem>> -> memref<128xi32, #tpu.memory_space<vmem>>
      %dma_start3A_54 = arith.constant 0 : i32
      %dma_start3A_55 = arith.constant 0 : i32
      %dma_start3A_56 = tpu.memref_slice %arg7[%dma_start3A_54, %dma_start3A_55] : memref<10000x16xf32, #tpu.memory_space<hbm>> -> memref<10000x16xf32, #tpu.memory_space<hbm>>
      tpu.enqueue_indirect_dma source(%dma_start3A_56 : memref<10000x16xf32, #tpu.memory_space<hbm>>) target(%arg11 : memref<128x16xf32, #tpu.memory_space<vmem>>) offsets(%dma_start3A_53 : memref<128xi32, #tpu.memory_space<vmem>>) semaphore(%arg19 : memref<!tpu.dma_semaphore, #tpu.memory_space<semaphore_mem>>)
      %scan3A_57 = arith.constant 0 : i32
      %scan3A_58 = arith.constant 0 : i32
      %scan3A_59 = arith.constant 39 : i32
      %scan3A_60 = arith.addi %scan3A_58, %scan3A_59 : i32
      %scan3A_61 = arith.constant 1 : i32
      scf.for %scan3A_68 = %scan3A_58 to %scan3A_60 step %scan3A_61  : i32 {
        %mul3A_69 = arith.constant 2 : i32
        %mul3A_70 = arith.muli %mul3A_69, %scan3A_68 : i32
        %add3A = arith.constant 1 : i32
        %add3A_71 = arith.addi %mul3A_70, %add3A : i32
        %dma_start3A_72 = arith.constant 0 : i32
        %dma_start3A_73 = tpu.memref_slice %arg9[%add3A_71, %dma_start3A_72] : memref<79x128xi32, #tpu.memory_space<vmem>> -> memref<1x128xi32, #tpu.memory_space<vmem>>
        %dma_start3A_74 = tpu.memref_squeeze %dma_start3A_73 : memref<1x128xi32, #tpu.memory_space<vmem>> -> memref<128xi32, #tpu.memory_space<vmem>>
        %dma_start3A_75 = arith.constant 0 : i32
        %dma_start3A_76 = arith.constant 0 : i32
        %dma_start3A_77 = tpu.memref_slice %arg7[%dma_start3A_75, %dma_start3A_76] : memref<10000x16xf32, #tpu.memory_space<hbm>> -> memref<10000x16xf32, #tpu.memory_space<hbm>>
        tpu.enqueue_indirect_dma source(%dma_start3A_77 : memref<10000x16xf32, #tpu.memory_space<hbm>>) target(%arg12 : memref<128x16xf32, #tpu.memory_space<vmem>>) offsets(%dma_start3A_74 : memref<128xi32, #tpu.memory_space<vmem>>) semaphore(%arg20 : memref<!tpu.dma_semaphore, #tpu.memory_space<semaphore_mem>>)
        %dma_wait3A = arith.constant 0 : i32
        %dma_wait3A_78 = tpu.memref_slice %arg9[%mul3A_70, %dma_wait3A] : memref<79x128xi32, #tpu.memory_space<vmem>> -> memref<1x128xi32, #tpu.memory_space<vmem>>
        %dma_wait3A_79 = tpu.memref_squeeze %dma_wait3A_78 : memref<1x128xi32, #tpu.memory_space<vmem>> -> memref<128xi32, #tpu.memory_space<vmem>>
        %dma_wait3A_80 = arith.constant 0 : i32
        %dma_wait3A_81 = arith.constant 0 : i32
        %dma_wait3A_82 = tpu.memref_slice %arg7[%dma_wait3A_80, %dma_wait3A_81] : memref<10000x16xf32, #tpu.memory_space<hbm>> -> memref<10000x16xf32, #tpu.memory_space<hbm>>
        tpu.wait_indirect_dma semaphore(%arg19 : memref<!tpu.dma_semaphore, #tpu.memory_space<semaphore_mem>>) src(%dma_wait3A_82 : memref<10000x16xf32, #tpu.memory_space<hbm>>) dst(%arg11 : memref<128x16xf32, #tpu.memory_space<vmem>>)
        "tpu.region"() ({
          %run_scoped3A_100 = tpu.sem_alloc : memref<!tpu.dma_semaphore, #tpu.memory_space<semaphore_mem>>
          %dma_start3A_101 = arith.constant 0 : i32
          %dma_start3A_102 = tpu.memref_slice %arg10[%mul3A_70, %dma_start3A_101] : memref<79x128xi32, #tpu.memory_space<vmem>> -> memref<1x128xi32, #tpu.memory_space<vmem>>
          %dma_start3A_103 = tpu.memref_squeeze %dma_start3A_102 : memref<1x128xi32, #tpu.memory_space<vmem>> -> memref<128xi32, #tpu.memory_space<vmem>>
          %dma_start3A_104 = arith.constant 0 : i32
          %dma_start3A_105 = arith.constant 0 : i32
          %dma_start3A_106 = tpu.memref_slice %arg18[%dma_start3A_104, %dma_start3A_105] : memref<10240x16xf32, #tpu.memory_space<vmem_shared>> -> memref<10240x16xf32, #tpu.memory_space<vmem_shared>>
          tpu.enqueue_indirect_dma source(%arg11 : memref<128x16xf32, #tpu.memory_space<vmem>>) target(%dma_start3A_106 : memref<10240x16xf32, #tpu.memory_space<vmem_shared>>) offsets(%dma_start3A_103 : memref<128xi32, #tpu.memory_space<vmem>>) semaphore(%run_scoped3A_100 : memref<!tpu.dma_semaphore, #tpu.memory_space<semaphore_mem>>) {add = true}
          %dma_wait3A_107 = arith.constant 0 : i32
          %dma_wait3A_108 = tpu.memref_slice %arg10[%mul3A_70, %dma_wait3A_107] : memref<79x128xi32, #tpu.memory_space<vmem>> -> memref<1x128xi32, #tpu.memory_space<vmem>>
          %dma_wait3A_109 = tpu.memref_squeeze %dma_wait3A_108 : memref<1x128xi32, #tpu.memory_space<vmem>> -> memref<128xi32, #tpu.memory_space<vmem>>
          %dma_wait3A_110 = arith.constant 0 : i32
          %dma_wait3A_111 = arith.constant 0 : i32
          %dma_wait3A_112 = tpu.memref_slice %arg18[%dma_wait3A_110, %dma_wait3A_111] : memref<10240x16xf32, #tpu.memory_space<vmem_shared>> -> memref<10240x16xf32, #tpu.memory_space<vmem_shared>>
          tpu.wait_indirect_dma semaphore(%run_scoped3A_100 : memref<!tpu.dma_semaphore, #tpu.memory_space<semaphore_mem>>) src(%arg11 : memref<128x16xf32, #tpu.memory_space<vmem>>) dst(%dma_wait3A_112 : memref<10240x16xf32, #tpu.memory_space<vmem_shared>>)
          tpu.yield
        }) : () -> ()
        %add3A_83 = arith.constant 2 : i32
        %add3A_84 = arith.addi %mul3A_70, %add3A_83 : i32
        %lt3A_85 = arith.constant 78 : i32
        %lt3A_86 = arith.cmpi slt, %add3A_84, %lt3A_85 : i32
        %convert_element_type3A_87 = arith.extui %lt3A_86 : i1 to i32
        %cond3A_88 = arith.constant 0 : i32
        %cond3A_89 = arith.cmpi ne, %convert_element_type3A_87, %cond3A_88 : i32
        scf.if %cond3A_89 {
          %add3A_100 = arith.constant 2 : i32
          %add3A_101 = arith.addi %mul3A_70, %add3A_100 : i32
          %dma_start3A_102 = arith.constant 0 : i32
          %dma_start3A_103 = tpu.memref_slice %arg9[%add3A_101, %dma_start3A_102] : memref<79x128xi32, #tpu.memory_space<vmem>> -> memref<1x128xi32, #tpu.memory_space<vmem>>
          %dma_start3A_104 = tpu.memref_squeeze %dma_start3A_103 : memref<1x128xi32, #tpu.memory_space<vmem>> -> memref<128xi32, #tpu.memory_space<vmem>>
          %dma_start3A_105 = arith.constant 0 : i32
          %dma_start3A_106 = arith.constant 0 : i32
          %dma_start3A_107 = tpu.memref_slice %arg7[%dma_start3A_105, %dma_start3A_106] : memref<10000x16xf32, #tpu.memory_space<hbm>> -> memref<10000x16xf32, #tpu.memory_space<hbm>>
          tpu.enqueue_indirect_dma source(%dma_start3A_107 : memref<10000x16xf32, #tpu.memory_space<hbm>>) target(%arg11 : memref<128x16xf32, #tpu.memory_space<vmem>>) offsets(%dma_start3A_104 : memref<128xi32, #tpu.memory_space<vmem>>) semaphore(%arg19 : memref<!tpu.dma_semaphore, #tpu.memory_space<semaphore_mem>>)
        } else {
        }
        %add3A_90 = arith.constant 1 : i32
        %add3A_91 = arith.addi %mul3A_70, %add3A_90 : i32
        %dma_wait3A_92 = arith.constant 0 : i32
        %dma_wait3A_93 = tpu.memref_slice %arg9[%add3A_91, %dma_wait3A_92] : memref<79x128xi32, #tpu.memory_space<vmem>> -> memref<1x128xi32, #tpu.memory_space<vmem>>
        %dma_wait3A_94 = tpu.memref_squeeze %dma_wait3A_93 : memref<1x128xi32, #tpu.memory_space<vmem>> -> memref<128xi32, #tpu.memory_space<vmem>>
        %dma_wait3A_95 = arith.constant 0 : i32
        %dma_wait3A_96 = arith.constant 0 : i32
        %dma_wait3A_97 = tpu.memref_slice %arg7[%dma_wait3A_95, %dma_wait3A_96] : memref<10000x16xf32, #tpu.memory_space<hbm>> -> memref<10000x16xf32, #tpu.memory_space<hbm>>
        tpu.wait_indirect_dma semaphore(%arg20 : memref<!tpu.dma_semaphore, #tpu.memory_space<semaphore_mem>>) src(%dma_wait3A_97 : memref<10000x16xf32, #tpu.memory_space<hbm>>) dst(%arg12 : memref<128x16xf32, #tpu.memory_space<vmem>>)
        %add3A_98 = arith.constant 1 : i32
        %add3A_99 = arith.addi %mul3A_70, %add3A_98 : i32
        "tpu.region"() ({
          %run_scoped3A_100 = tpu.sem_alloc : memref<!tpu.dma_semaphore, #tpu.memory_space<semaphore_mem>>
          %dma_start3A_101 = arith.constant 0 : i32
          %dma_start3A_102 = tpu.memref_slice %arg10[%add3A_99, %dma_start3A_101] : memref<79x128xi32, #tpu.memory_space<vmem>> -> memref<1x128xi32, #tpu.memory_space<vmem>>
          %dma_start3A_103 = tpu.memref_squeeze %dma_start3A_102 : memref<1x128xi32, #tpu.memory_space<vmem>> -> memref<128xi32, #tpu.memory_space<vmem>>
          %dma_start3A_104 = arith.constant 0 : i32
          %dma_start3A_105 = arith.constant 0 : i32
          %dma_start3A_106 = tpu.memref_slice %arg18[%dma_start3A_104, %dma_start3A_105] : memref<10240x16xf32, #tpu.memory_space<vmem_shared>> -> memref<10240x16xf32, #tpu.memory_space<vmem_shared>>
          tpu.enqueue_indirect_dma source(%arg12 : memref<128x16xf32, #tpu.memory_space<vmem>>) target(%dma_start3A_106 : memref<10240x16xf32, #tpu.memory_space<vmem_shared>>) offsets(%dma_start3A_103 : memref<128xi32, #tpu.memory_space<vmem>>) semaphore(%run_scoped3A_100 : memref<!tpu.dma_semaphore, #tpu.memory_space<semaphore_mem>>) {add = true}
          %dma_wait3A_107 = arith.constant 0 : i32
          %dma_wait3A_108 = tpu.memref_slice %arg10[%add3A_99, %dma_wait3A_107] : memref<79x128xi32, #tpu.memory_space<vmem>> -> memref<1x128xi32, #tpu.memory_space<vmem>>
          %dma_wait3A_109 = tpu.memref_squeeze %dma_wait3A_108 : memref<1x128xi32, #tpu.memory_space<vmem>> -> memref<128xi32, #tpu.memory_space<vmem>>
          %dma_wait3A_110 = arith.constant 0 : i32
          %dma_wait3A_111 = arith.constant 0 : i32
          %dma_wait3A_112 = tpu.memref_slice %arg18[%dma_wait3A_110, %dma_wait3A_111] : memref<10240x16xf32, #tpu.memory_space<vmem_shared>> -> memref<10240x16xf32, #tpu.memory_space<vmem_shared>>
          tpu.wait_indirect_dma semaphore(%run_scoped3A_100 : memref<!tpu.dma_semaphore, #tpu.memory_space<semaphore_mem>>) src(%arg12 : memref<128x16xf32, #tpu.memory_space<vmem>>) dst(%dma_wait3A_112 : memref<10240x16xf32, #tpu.memory_space<vmem_shared>>)
          tpu.yield
        }) : () -> ()
      }
      %scan3A_62 = arith.constant 39 : i32
      %lt3A_63 = arith.constant 4 : i32
      %lt3A_64 = arith.cmpi slt, %arg1, %lt3A_63 : i32
      %convert_element_type3A_65 = arith.extui %lt3A_64 : i1 to i32
      %cond3A_66 = arith.constant 0 : i32
      %cond3A_67 = arith.cmpi ne, %convert_element_type3A_65, %cond3A_66 : i32
      scf.if %cond3A_67 {
        %add3A = arith.constant 2496 : i32
        %add3A_68 = arith.addi %add3A, %arg1 : i32
        %run_scoped3A_69 = arith.constant 0 : i32
        "tpu.region"() ({
          %run_scoped3A_85 = tpu.sem_alloc : memref<!tpu.dma_semaphore, #tpu.memory_space<semaphore_mem>>
          %dma_start3A_86 = arith.constant 0 : i32
          %dma_start3A_87 = arith.constant 0 : i32
          %dma_start3A_88 = tpu.memref_slice %arg9[%dma_start3A_86, %dma_start3A_87] : memref<79x128xi32, #tpu.memory_space<vmem>> -> memref<1x128xi32, #tpu.memory_space<vmem>>
          %dma_start3A_89 = arith.constant 0 : i32
          %dma_start3A_90 = tpu.memref_slice %arg5[%run_scoped3A_69, %add3A_68, %dma_start3A_89] : memref<2x2500x128xi32, #tpu.memory_space<hbm>> -> memref<1x1x128xi32, #tpu.memory_space<hbm>>
          %dma_start3A_91 = tpu.memref_squeeze %dma_start3A_90 : memref<1x1x128xi32, #tpu.memory_space<hbm>> -> memref<1x128xi32, #tpu.memory_space<hbm>>
          %dma_start3A_92 = arith.constant 0 : i32
          %dma_start3A_93 = arith.constant 0 : i32
          %dma_start3A_94 = tpu.memref_slice %arg9[%dma_start3A_92, %dma_start3A_93] : memref<79x128xi32, #tpu.memory_space<vmem>> -> memref<1x128xi32, #tpu.memory_space<vmem>>
          %dma_start3A_95 = arith.constant 0 : i32
          %dma_start3A_96 = tpu.memref_slice %arg5[%run_scoped3A_69, %add3A_68, %dma_start3A_95] : memref<2x2500x128xi32, #tpu.memory_space<hbm>> -> memref<1x1x128xi32, #tpu.memory_space<hbm>>
          %dma_start3A_97 = tpu.memref_squeeze %dma_start3A_96 : memref<1x1x128xi32, #tpu.memory_space<hbm>> -> memref<1x128xi32, #tpu.memory_space<hbm>>
          tpu.enqueue_dma source(%dma_start3A_97 : memref<1x128xi32, #tpu.memory_space<hbm>>) target(%dma_start3A_94 : memref<1x128xi32, #tpu.memory_space<vmem>>) target_semaphore(%run_scoped3A_85 : memref<!tpu.dma_semaphore, #tpu.memory_space<semaphore_mem>>)
          %dma_wait3A_98 = arith.constant 0 : i32
          %dma_wait3A_99 = arith.constant 0 : i32
          %dma_wait3A_100 = tpu.memref_slice %arg9[%dma_wait3A_98, %dma_wait3A_99] : memref<79x128xi32, #tpu.memory_space<vmem>> -> memref<1x128xi32, #tpu.memory_space<vmem>>
          %dma_wait3A_101 = arith.constant 0 : i32
          %dma_wait3A_102 = tpu.memref_slice %arg5[%run_scoped3A_69, %add3A_68, %dma_wait3A_101] : memref<2x2500x128xi32, #tpu.memory_space<hbm>> -> memref<1x1x128xi32, #tpu.memory_space<hbm>>
          %dma_wait3A_103 = tpu.memref_squeeze %dma_wait3A_102 : memref<1x1x128xi32, #tpu.memory_space<hbm>> -> memref<1x128xi32, #tpu.memory_space<hbm>>
          %dma_wait3A_104 = arith.constant 0 : i32
          %dma_wait3A_105 = arith.constant 0 : i32
          %dma_wait3A_106 = tpu.memref_slice %arg9[%dma_wait3A_104, %dma_wait3A_105] : memref<79x128xi32, #tpu.memory_space<vmem>> -> memref<1x128xi32, #tpu.memory_space<vmem>>
          %dma_wait3A_107 = arith.constant 0 : i32
          %dma_wait3A_108 = tpu.memref_slice %arg5[%run_scoped3A_69, %add3A_68, %dma_wait3A_107] : memref<2x2500x128xi32, #tpu.memory_space<hbm>> -> memref<1x1x128xi32, #tpu.memory_space<hbm>>
          %dma_wait3A_109 = tpu.memref_squeeze %dma_wait3A_108 : memref<1x1x128xi32, #tpu.memory_space<hbm>> -> memref<1x128xi32, #tpu.memory_space<hbm>>
          tpu.wait_dma2 semaphore(%run_scoped3A_85 : memref<!tpu.dma_semaphore, #tpu.memory_space<semaphore_mem>>) src(%dma_wait3A_109 : memref<1x128xi32, #tpu.memory_space<hbm>>) dst(%dma_wait3A_106 : memref<1x128xi32, #tpu.memory_space<vmem>>)
          tpu.yield
        }) : () -> ()
        %run_scoped3A_70 = arith.constant 1 : i32
        "tpu.region"() ({
          %run_scoped3A_85 = tpu.sem_alloc : memref<!tpu.dma_semaphore, #tpu.memory_space<semaphore_mem>>
          %dma_start3A_86 = arith.constant 0 : i32
          %dma_start3A_87 = arith.constant 0 : i32
          %dma_start3A_88 = tpu.memref_slice %arg10[%dma_start3A_86, %dma_start3A_87] : memref<79x128xi32, #tpu.memory_space<vmem>> -> memref<1x128xi32, #tpu.memory_space<vmem>>
          %dma_start3A_89 = arith.constant 0 : i32
          %dma_start3A_90 = tpu.memref_slice %arg5[%run_scoped3A_70, %add3A_68, %dma_start3A_89] : memref<2x2500x128xi32, #tpu.memory_space<hbm>> -> memref<1x1x128xi32, #tpu.memory_space<hbm>>
          %dma_start3A_91 = tpu.memref_squeeze %dma_start3A_90 : memref<1x1x128xi32, #tpu.memory_space<hbm>> -> memref<1x128xi32, #tpu.memory_space<hbm>>
          %dma_start3A_92 = arith.constant 0 : i32
          %dma_start3A_93 = arith.constant 0 : i32
          %dma_start3A_94 = tpu.memref_slice %arg10[%dma_start3A_92, %dma_start3A_93] : memref<79x128xi32, #tpu.memory_space<vmem>> -> memref<1x128xi32, #tpu.memory_space<vmem>>
          %dma_start3A_95 = arith.constant 0 : i32
          %dma_start3A_96 = tpu.memref_slice %arg5[%run_scoped3A_70, %add3A_68, %dma_start3A_95] : memref<2x2500x128xi32, #tpu.memory_space<hbm>> -> memref<1x1x128xi32, #tpu.memory_space<hbm>>
          %dma_start3A_97 = tpu.memref_squeeze %dma_start3A_96 : memref<1x1x128xi32, #tpu.memory_space<hbm>> -> memref<1x128xi32, #tpu.memory_space<hbm>>
          tpu.enqueue_dma source(%dma_start3A_97 : memref<1x128xi32, #tpu.memory_space<hbm>>) target(%dma_start3A_94 : memref<1x128xi32, #tpu.memory_space<vmem>>) target_semaphore(%run_scoped3A_85 : memref<!tpu.dma_semaphore, #tpu.memory_space<semaphore_mem>>)
          %dma_wait3A_98 = arith.constant 0 : i32
          %dma_wait3A_99 = arith.constant 0 : i32
          %dma_wait3A_100 = tpu.memref_slice %arg10[%dma_wait3A_98, %dma_wait3A_99] : memref<79x128xi32, #tpu.memory_space<vmem>> -> memref<1x128xi32, #tpu.memory_space<vmem>>
          %dma_wait3A_101 = arith.constant 0 : i32
          %dma_wait3A_102 = tpu.memref_slice %arg5[%run_scoped3A_70, %add3A_68, %dma_wait3A_101] : memref<2x2500x128xi32, #tpu.memory_space<hbm>> -> memref<1x1x128xi32, #tpu.memory_space<hbm>>
          %dma_wait3A_103 = tpu.memref_squeeze %dma_wait3A_102 : memref<1x1x128xi32, #tpu.memory_space<hbm>> -> memref<1x128xi32, #tpu.memory_space<hbm>>
          %dma_wait3A_104 = arith.constant 0 : i32
          %dma_wait3A_105 = arith.constant 0 : i32
          %dma_wait3A_106 = tpu.memref_slice %arg10[%dma_wait3A_104, %dma_wait3A_105] : memref<79x128xi32, #tpu.memory_space<vmem>> -> memref<1x128xi32, #tpu.memory_space<vmem>>
          %dma_wait3A_107 = arith.constant 0 : i32
          %dma_wait3A_108 = tpu.memref_slice %arg5[%run_scoped3A_70, %add3A_68, %dma_wait3A_107] : memref<2x2500x128xi32, #tpu.memory_space<hbm>> -> memref<1x1x128xi32, #tpu.memory_space<hbm>>
          %dma_wait3A_109 = tpu.memref_squeeze %dma_wait3A_108 : memref<1x1x128xi32, #tpu.memory_space<hbm>> -> memref<1x128xi32, #tpu.memory_space<hbm>>
          tpu.wait_dma2 semaphore(%run_scoped3A_85 : memref<!tpu.dma_semaphore, #tpu.memory_space<semaphore_mem>>) src(%dma_wait3A_109 : memref<1x128xi32, #tpu.memory_space<hbm>>) dst(%dma_wait3A_106 : memref<1x128xi32, #tpu.memory_space<vmem>>)
          tpu.yield
        }) : () -> ()
        %dma_start3A_71 = arith.constant 0 : i32
        %dma_start3A_72 = arith.constant 0 : i32
        %dma_start3A_73 = tpu.memref_slice %arg9[%dma_start3A_71, %dma_start3A_72] : memref<79x128xi32, #tpu.memory_space<vmem>> -> memref<1x128xi32, #tpu.memory_space<vmem>>
        %dma_start3A_74 = tpu.memref_squeeze %dma_start3A_73 : memref<1x128xi32, #tpu.memory_space<vmem>> -> memref<128xi32, #tpu.memory_space<vmem>>
        %dma_start3A_75 = arith.constant 0 : i32
        %dma_start3A_76 = arith.constant 0 : i32
        %dma_start3A_77 = tpu.memref_slice %arg7[%dma_start3A_75, %dma_start3A_76] : memref<10000x16xf32, #tpu.memory_space<hbm>> -> memref<10000x16xf32, #tpu.memory_space<hbm>>
        tpu.enqueue_indirect_dma source(%dma_start3A_77 : memref<10000x16xf32, #tpu.memory_space<hbm>>) target(%arg11 : memref<128x16xf32, #tpu.memory_space<vmem>>) offsets(%dma_start3A_74 : memref<128xi32, #tpu.memory_space<vmem>>) semaphore(%arg19 : memref<!tpu.dma_semaphore, #tpu.memory_space<semaphore_mem>>)
        %dma_wait3A = arith.constant 0 : i32
        %dma_wait3A_78 = arith.constant 0 : i32
        %dma_wait3A_79 = tpu.memref_slice %arg9[%dma_wait3A, %dma_wait3A_78] : memref<79x128xi32, #tpu.memory_space<vmem>> -> memref<1x128xi32, #tpu.memory_space<vmem>>
        %dma_wait3A_80 = tpu.memref_squeeze %dma_wait3A_79 : memref<1x128xi32, #tpu.memory_space<vmem>> -> memref<128xi32, #tpu.memory_space<vmem>>
        %dma_wait3A_81 = arith.constant 0 : i32
        %dma_wait3A_82 = arith.constant 0 : i32
        %dma_wait3A_83 = tpu.memref_slice %arg7[%dma_wait3A_81, %dma_wait3A_82] : memref<10000x16xf32, #tpu.memory_space<hbm>> -> memref<10000x16xf32, #tpu.memory_space<hbm>>
        tpu.wait_indirect_dma semaphore(%arg19 : memref<!tpu.dma_semaphore, #tpu.memory_space<semaphore_mem>>) src(%dma_wait3A_83 : memref<10000x16xf32, #tpu.memory_space<hbm>>) dst(%arg11 : memref<128x16xf32, #tpu.memory_space<vmem>>)
        %run_scoped3A_84 = arith.constant 0 : i32
        "tpu.region"() ({
          %run_scoped3A_85 = tpu.sem_alloc : memref<!tpu.dma_semaphore, #tpu.memory_space<semaphore_mem>>
          %dma_start3A_86 = arith.constant 0 : i32
          %dma_start3A_87 = tpu.memref_slice %arg10[%run_scoped3A_84, %dma_start3A_86] : memref<79x128xi32, #tpu.memory_space<vmem>> -> memref<1x128xi32, #tpu.memory_space<vmem>>
          %dma_start3A_88 = tpu.memref_squeeze %dma_start3A_87 : memref<1x128xi32, #tpu.memory_space<vmem>> -> memref<128xi32, #tpu.memory_space<vmem>>
          %dma_start3A_89 = arith.constant 0 : i32
          %dma_start3A_90 = arith.constant 0 : i32
          %dma_start3A_91 = tpu.memref_slice %arg18[%dma_start3A_89, %dma_start3A_90] : memref<10240x16xf32, #tpu.memory_space<vmem_shared>> -> memref<10240x16xf32, #tpu.memory_space<vmem_shared>>
          tpu.enqueue_indirect_dma source(%arg11 : memref<128x16xf32, #tpu.memory_space<vmem>>) target(%dma_start3A_91 : memref<10240x16xf32, #tpu.memory_space<vmem_shared>>) offsets(%dma_start3A_88 : memref<128xi32, #tpu.memory_space<vmem>>) semaphore(%run_scoped3A_85 : memref<!tpu.dma_semaphore, #tpu.memory_space<semaphore_mem>>) {add = true}
          %dma_wait3A_92 = arith.constant 0 : i32
          %dma_wait3A_93 = tpu.memref_slice %arg10[%run_scoped3A_84, %dma_wait3A_92] : memref<79x128xi32, #tpu.memory_space<vmem>> -> memref<1x128xi32, #tpu.memory_space<vmem>>
          %dma_wait3A_94 = tpu.memref_squeeze %dma_wait3A_93 : memref<1x128xi32, #tpu.memory_space<vmem>> -> memref<128xi32, #tpu.memory_space<vmem>>
          %dma_wait3A_95 = arith.constant 0 : i32
          %dma_wait3A_96 = arith.constant 0 : i32
          %dma_wait3A_97 = tpu.memref_slice %arg18[%dma_wait3A_95, %dma_wait3A_96] : memref<10240x16xf32, #tpu.memory_space<vmem_shared>> -> memref<10240x16xf32, #tpu.memory_space<vmem_shared>>
          tpu.wait_indirect_dma semaphore(%run_scoped3A_85 : memref<!tpu.dma_semaphore, #tpu.memory_space<semaphore_mem>>) src(%arg11 : memref<128x16xf32, #tpu.memory_space<vmem>>) dst(%dma_wait3A_97 : memref<10240x16xf32, #tpu.memory_space<vmem_shared>>)
          tpu.yield
        }) : () -> ()
      } else {
      }
    } else {
    }
    %eq3A_38 = arith.constant 1 : i32
    %eq3A_39 = arith.cmpi eq, %arg0, %eq3A_38 : i32
    %convert_element_type3A_40 = arith.extui %eq3A_39 : i1 to i32
    %cond3A_41 = arith.constant 0 : i32
    %cond3A_42 = arith.cmpi ne, %convert_element_type3A_40, %cond3A_41 : i32
    scf.if %cond3A_42 {
      %mul3A_48 = arith.constant 78 : i32
      %mul3A_49 = arith.muli %arg1, %mul3A_48 : i32
      %add3A = arith.constant 1248 : i32
      %add3A_50 = arith.addi %add3A, %mul3A_49 : i32
      %run_scoped3A = arith.constant 0 : i32
      "tpu.region"() ({
        %run_scoped3A_64 = tpu.sem_alloc : memref<!tpu.dma_semaphore, #tpu.memory_space<semaphore_mem>>
        %dma_start3A_65 = arith.constant 0 : i32
        %dma_start3A_66 = arith.constant 0 : i32
        %dma_start3A_67 = tpu.memref_slice %arg9[%dma_start3A_65, %dma_start3A_66] : memref<79x128xi32, #tpu.memory_space<vmem>> -> memref<78x128xi32, #tpu.memory_space<vmem>>
        %dma_start3A_68 = arith.constant 0 : i32
        %dma_start3A_69 = tpu.memref_slice %arg5[%run_scoped3A, %add3A_50, %dma_start3A_68] : memref<2x2500x128xi32, #tpu.memory_space<hbm>> -> memref<1x78x128xi32, #tpu.memory_space<hbm>>
        %dma_start3A_70 = tpu.memref_squeeze %dma_start3A_69 : memref<1x78x128xi32, #tpu.memory_space<hbm>> -> memref<78x128xi32, #tpu.memory_space<hbm>>
        %dma_start3A_71 = arith.constant 0 : i32
        %dma_start3A_72 = arith.constant 0 : i32
        %dma_start3A_73 = tpu.memref_slice %arg9[%dma_start3A_71, %dma_start3A_72] : memref<79x128xi32, #tpu.memory_space<vmem>> -> memref<78x128xi32, #tpu.memory_space<vmem>>
        %dma_start3A_74 = arith.constant 0 : i32
        %dma_start3A_75 = tpu.memref_slice %arg5[%run_scoped3A, %add3A_50, %dma_start3A_74] : memref<2x2500x128xi32, #tpu.memory_space<hbm>> -> memref<1x78x128xi32, #tpu.memory_space<hbm>>
        %dma_start3A_76 = tpu.memref_squeeze %dma_start3A_75 : memref<1x78x128xi32, #tpu.memory_space<hbm>> -> memref<78x128xi32, #tpu.memory_space<hbm>>
        tpu.enqueue_dma source(%dma_start3A_76 : memref<78x128xi32, #tpu.memory_space<hbm>>) target(%dma_start3A_73 : memref<78x128xi32, #tpu.memory_space<vmem>>) target_semaphore(%run_scoped3A_64 : memref<!tpu.dma_semaphore, #tpu.memory_space<semaphore_mem>>)
        %dma_wait3A = arith.constant 0 : i32
        %dma_wait3A_77 = arith.constant 0 : i32
        %dma_wait3A_78 = tpu.memref_slice %arg9[%dma_wait3A, %dma_wait3A_77] : memref<79x128xi32, #tpu.memory_space<vmem>> -> memref<78x128xi32, #tpu.memory_space<vmem>>
        %dma_wait3A_79 = arith.constant 0 : i32
        %dma_wait3A_80 = tpu.memref_slice %arg5[%run_scoped3A, %add3A_50, %dma_wait3A_79] : memref<2x2500x128xi32, #tpu.memory_space<hbm>> -> memref<1x78x128xi32, #tpu.memory_space<hbm>>
        %dma_wait3A_81 = tpu.memref_squeeze %dma_wait3A_80 : memref<1x78x128xi32, #tpu.memory_space<hbm>> -> memref<78x128xi32, #tpu.memory_space<hbm>>
        %dma_wait3A_82 = arith.constant 0 : i32
        %dma_wait3A_83 = arith.constant 0 : i32
        %dma_wait3A_84 = tpu.memref_slice %arg9[%dma_wait3A_82, %dma_wait3A_83] : memref<79x128xi32, #tpu.memory_space<vmem>> -> memref<78x128xi32, #tpu.memory_space<vmem>>
        %dma_wait3A_85 = arith.constant 0 : i32
        %dma_wait3A_86 = tpu.memref_slice %arg5[%run_scoped3A, %add3A_50, %dma_wait3A_85] : memref<2x2500x128xi32, #tpu.memory_space<hbm>> -> memref<1x78x128xi32, #tpu.memory_space<hbm>>
        %dma_wait3A_87 = tpu.memref_squeeze %dma_wait3A_86 : memref<1x78x128xi32, #tpu.memory_space<hbm>> -> memref<78x128xi32, #tpu.memory_space<hbm>>
        tpu.wait_dma2 semaphore(%run_scoped3A_64 : memref<!tpu.dma_semaphore, #tpu.memory_space<semaphore_mem>>) src(%dma_wait3A_87 : memref<78x128xi32, #tpu.memory_space<hbm>>) dst(%dma_wait3A_84 : memref<78x128xi32, #tpu.memory_space<vmem>>)
        tpu.yield
      }) : () -> ()
      %run_scoped3A_51 = arith.constant 1 : i32
      "tpu.region"() ({
        %run_scoped3A_64 = tpu.sem_alloc : memref<!tpu.dma_semaphore, #tpu.memory_space<semaphore_mem>>
        %dma_start3A_65 = arith.constant 0 : i32
        %dma_start3A_66 = arith.constant 0 : i32
        %dma_start3A_67 = tpu.memref_slice %arg10[%dma_start3A_65, %dma_start3A_66] : memref<79x128xi32, #tpu.memory_space<vmem>> -> memref<78x128xi32, #tpu.memory_space<vmem>>
        %dma_start3A_68 = arith.constant 0 : i32
        %dma_start3A_69 = tpu.memref_slice %arg5[%run_scoped3A_51, %add3A_50, %dma_start3A_68] : memref<2x2500x128xi32, #tpu.memory_space<hbm>> -> memref<1x78x128xi32, #tpu.memory_space<hbm>>
        %dma_start3A_70 = tpu.memref_squeeze %dma_start3A_69 : memref<1x78x128xi32, #tpu.memory_space<hbm>> -> memref<78x128xi32, #tpu.memory_space<hbm>>
        %dma_start3A_71 = arith.constant 0 : i32
        %dma_start3A_72 = arith.constant 0 : i32
        %dma_start3A_73 = tpu.memref_slice %arg10[%dma_start3A_71, %dma_start3A_72] : memref<79x128xi32, #tpu.memory_space<vmem>> -> memref<78x128xi32, #tpu.memory_space<vmem>>
        %dma_start3A_74 = arith.constant 0 : i32
        %dma_start3A_75 = tpu.memref_slice %arg5[%run_scoped3A_51, %add3A_50, %dma_start3A_74] : memref<2x2500x128xi32, #tpu.memory_space<hbm>> -> memref<1x78x128xi32, #tpu.memory_space<hbm>>
        %dma_start3A_76 = tpu.memref_squeeze %dma_start3A_75 : memref<1x78x128xi32, #tpu.memory_space<hbm>> -> memref<78x128xi32, #tpu.memory_space<hbm>>
        tpu.enqueue_dma source(%dma_start3A_76 : memref<78x128xi32, #tpu.memory_space<hbm>>) target(%dma_start3A_73 : memref<78x128xi32, #tpu.memory_space<vmem>>) target_semaphore(%run_scoped3A_64 : memref<!tpu.dma_semaphore, #tpu.memory_space<semaphore_mem>>)
        %dma_wait3A = arith.constant 0 : i32
        %dma_wait3A_77 = arith.constant 0 : i32
        %dma_wait3A_78 = tpu.memref_slice %arg10[%dma_wait3A, %dma_wait3A_77] : memref<79x128xi32, #tpu.memory_space<vmem>> -> memref<78x128xi32, #tpu.memory_space<vmem>>
        %dma_wait3A_79 = arith.constant 0 : i32
        %dma_wait3A_80 = tpu.memref_slice %arg5[%run_scoped3A_51, %add3A_50, %dma_wait3A_79] : memref<2x2500x128xi32, #tpu.memory_space<hbm>> -> memref<1x78x128xi32, #tpu.memory_space<hbm>>
        %dma_wait3A_81 = tpu.memref_squeeze %dma_wait3A_80 : memref<1x78x128xi32, #tpu.memory_space<hbm>> -> memref<78x128xi32, #tpu.memory_space<hbm>>
        %dma_wait3A_82 = arith.constant 0 : i32
        %dma_wait3A_83 = arith.constant 0 : i32
        %dma_wait3A_84 = tpu.memref_slice %arg10[%dma_wait3A_82, %dma_wait3A_83] : memref<79x128xi32, #tpu.memory_space<vmem>> -> memref<78x128xi32, #tpu.memory_space<vmem>>
        %dma_wait3A_85 = arith.constant 0 : i32
        %dma_wait3A_86 = tpu.memref_slice %arg5[%run_scoped3A_51, %add3A_50, %dma_wait3A_85] : memref<2x2500x128xi32, #tpu.memory_space<hbm>> -> memref<1x78x128xi32, #tpu.memory_space<hbm>>
        %dma_wait3A_87 = tpu.memref_squeeze %dma_wait3A_86 : memref<1x78x128xi32, #tpu.memory_space<hbm>> -> memref<78x128xi32, #tpu.memory_space<hbm>>
        tpu.wait_dma2 semaphore(%run_scoped3A_64 : memref<!tpu.dma_semaphore, #tpu.memory_space<semaphore_mem>>) src(%dma_wait3A_87 : memref<78x128xi32, #tpu.memory_space<hbm>>) dst(%dma_wait3A_84 : memref<78x128xi32, #tpu.memory_space<vmem>>)
        tpu.yield
      }) : () -> ()
      %dma_start3A = arith.constant 0 : i32
      %dma_start3A_52 = arith.constant 0 : i32
      %dma_start3A_53 = tpu.memref_slice %arg9[%dma_start3A, %dma_start3A_52] : memref<79x128xi32, #tpu.memory_space<vmem>> -> memref<1x128xi32, #tpu.memory_space<vmem>>
      %dma_start3A_54 = tpu.memref_squeeze %dma_start3A_53 : memref<1x128xi32, #tpu.memory_space<vmem>> -> memref<128xi32, #tpu.memory_space<vmem>>
      %dma_start3A_55 = arith.constant 0 : i32
      %dma_start3A_56 = arith.constant 0 : i32
      %dma_start3A_57 = tpu.memref_slice %arg8[%dma_start3A_55, %dma_start3A_56] : memref<10000x16xf32, #tpu.memory_space<hbm>> -> memref<10000x16xf32, #tpu.memory_space<hbm>>
      tpu.enqueue_indirect_dma source(%dma_start3A_57 : memref<10000x16xf32, #tpu.memory_space<hbm>>) target(%arg11 : memref<128x16xf32, #tpu.memory_space<vmem>>) offsets(%dma_start3A_54 : memref<128xi32, #tpu.memory_space<vmem>>) semaphore(%arg19 : memref<!tpu.dma_semaphore, #tpu.memory_space<semaphore_mem>>)
      %scan3A_58 = arith.constant 0 : i32
      %scan3A_59 = arith.constant 0 : i32
      %scan3A_60 = arith.constant 39 : i32
      %scan3A_61 = arith.addi %scan3A_59, %scan3A_60 : i32
      %scan3A_62 = arith.constant 1 : i32
      scf.for %scan3A_64 = %scan3A_59 to %scan3A_61 step %scan3A_62  : i32 {
        %mul3A_65 = arith.constant 2 : i32
        %mul3A_66 = arith.muli %mul3A_65, %scan3A_64 : i32
        %add3A_67 = arith.constant 1 : i32
        %add3A_68 = arith.addi %mul3A_66, %add3A_67 : i32
        %dma_start3A_69 = arith.constant 0 : i32
        %dma_start3A_70 = tpu.memref_slice %arg9[%add3A_68, %dma_start3A_69] : memref<79x128xi32, #tpu.memory_space<vmem>> -> memref<1x128xi32, #tpu.memory_space<vmem>>
        %dma_start3A_71 = tpu.memref_squeeze %dma_start3A_70 : memref<1x128xi32, #tpu.memory_space<vmem>> -> memref<128xi32, #tpu.memory_space<vmem>>
        %dma_start3A_72 = arith.constant 0 : i32
        %dma_start3A_73 = arith.constant 0 : i32
        %dma_start3A_74 = tpu.memref_slice %arg8[%dma_start3A_72, %dma_start3A_73] : memref<10000x16xf32, #tpu.memory_space<hbm>> -> memref<10000x16xf32, #tpu.memory_space<hbm>>
        tpu.enqueue_indirect_dma source(%dma_start3A_74 : memref<10000x16xf32, #tpu.memory_space<hbm>>) target(%arg12 : memref<128x16xf32, #tpu.memory_space<vmem>>) offsets(%dma_start3A_71 : memref<128xi32, #tpu.memory_space<vmem>>) semaphore(%arg20 : memref<!tpu.dma_semaphore, #tpu.memory_space<semaphore_mem>>)
        %dma_wait3A = arith.constant 0 : i32
        %dma_wait3A_75 = tpu.memref_slice %arg9[%mul3A_66, %dma_wait3A] : memref<79x128xi32, #tpu.memory_space<vmem>> -> memref<1x128xi32, #tpu.memory_space<vmem>>
        %dma_wait3A_76 = tpu.memref_squeeze %dma_wait3A_75 : memref<1x128xi32, #tpu.memory_space<vmem>> -> memref<128xi32, #tpu.memory_space<vmem>>
        %dma_wait3A_77 = arith.constant 0 : i32
        %dma_wait3A_78 = arith.constant 0 : i32
        %dma_wait3A_79 = tpu.memref_slice %arg8[%dma_wait3A_77, %dma_wait3A_78] : memref<10000x16xf32, #tpu.memory_space<hbm>> -> memref<10000x16xf32, #tpu.memory_space<hbm>>
        tpu.wait_indirect_dma semaphore(%arg19 : memref<!tpu.dma_semaphore, #tpu.memory_space<semaphore_mem>>) src(%dma_wait3A_79 : memref<10000x16xf32, #tpu.memory_space<hbm>>) dst(%arg11 : memref<128x16xf32, #tpu.memory_space<vmem>>)
        "tpu.region"() ({
          %run_scoped3A_97 = tpu.sem_alloc : memref<!tpu.dma_semaphore, #tpu.memory_space<semaphore_mem>>
          %dma_start3A_98 = arith.constant 0 : i32
          %dma_start3A_99 = tpu.memref_slice %arg10[%mul3A_66, %dma_start3A_98] : memref<79x128xi32, #tpu.memory_space<vmem>> -> memref<1x128xi32, #tpu.memory_space<vmem>>
          %dma_start3A_100 = tpu.memref_squeeze %dma_start3A_99 : memref<1x128xi32, #tpu.memory_space<vmem>> -> memref<128xi32, #tpu.memory_space<vmem>>
          %dma_start3A_101 = arith.constant 0 : i32
          %dma_start3A_102 = arith.constant 0 : i32
          %dma_start3A_103 = tpu.memref_slice %arg18[%dma_start3A_101, %dma_start3A_102] : memref<10240x16xf32, #tpu.memory_space<vmem_shared>> -> memref<10240x16xf32, #tpu.memory_space<vmem_shared>>
          tpu.enqueue_indirect_dma source(%arg11 : memref<128x16xf32, #tpu.memory_space<vmem>>) target(%dma_start3A_103 : memref<10240x16xf32, #tpu.memory_space<vmem_shared>>) offsets(%dma_start3A_100 : memref<128xi32, #tpu.memory_space<vmem>>) semaphore(%run_scoped3A_97 : memref<!tpu.dma_semaphore, #tpu.memory_space<semaphore_mem>>) {add = true}
          %dma_wait3A_104 = arith.constant 0 : i32
          %dma_wait3A_105 = tpu.memref_slice %arg10[%mul3A_66, %dma_wait3A_104] : memref<79x128xi32, #tpu.memory_space<vmem>> -> memref<1x128xi32, #tpu.memory_space<vmem>>
          %dma_wait3A_106 = tpu.memref_squeeze %dma_wait3A_105 : memref<1x128xi32, #tpu.memory_space<vmem>> -> memref<128xi32, #tpu.memory_space<vmem>>
          %dma_wait3A_107 = arith.constant 0 : i32
          %dma_wait3A_108 = arith.constant 0 : i32
          %dma_wait3A_109 = tpu.memref_slice %arg18[%dma_wait3A_107, %dma_wait3A_108] : memref<10240x16xf32, #tpu.memory_space<vmem_shared>> -> memref<10240x16xf32, #tpu.memory_space<vmem_shared>>
          tpu.wait_indirect_dma semaphore(%run_scoped3A_97 : memref<!tpu.dma_semaphore, #tpu.memory_space<semaphore_mem>>) src(%arg11 : memref<128x16xf32, #tpu.memory_space<vmem>>) dst(%dma_wait3A_109 : memref<10240x16xf32, #tpu.memory_space<vmem_shared>>)
          tpu.yield
        }) : () -> ()
        %add3A_80 = arith.constant 2 : i32
        %add3A_81 = arith.addi %mul3A_66, %add3A_80 : i32
        %lt3A_82 = arith.constant 78 : i32
        %lt3A_83 = arith.cmpi slt, %add3A_81, %lt3A_82 : i32
        %convert_element_type3A_84 = arith.extui %lt3A_83 : i1 to i32
        %cond3A_85 = arith.constant 0 : i32
        %cond3A_86 = arith.cmpi ne, %convert_element_type3A_84, %cond3A_85 : i32
        scf.if %cond3A_86 {
          %add3A_97 = arith.constant 2 : i32
          %add3A_98 = arith.addi %mul3A_66, %add3A_97 : i32
          %dma_start3A_99 = arith.constant 0 : i32
          %dma_start3A_100 = tpu.memref_slice %arg9[%add3A_98, %dma_start3A_99] : memref<79x128xi32, #tpu.memory_space<vmem>> -> memref<1x128xi32, #tpu.memory_space<vmem>>
          %dma_start3A_101 = tpu.memref_squeeze %dma_start3A_100 : memref<1x128xi32, #tpu.memory_space<vmem>> -> memref<128xi32, #tpu.memory_space<vmem>>
          %dma_start3A_102 = arith.constant 0 : i32
          %dma_start3A_103 = arith.constant 0 : i32
          %dma_start3A_104 = tpu.memref_slice %arg8[%dma_start3A_102, %dma_start3A_103] : memref<10000x16xf32, #tpu.memory_space<hbm>> -> memref<10000x16xf32, #tpu.memory_space<hbm>>
          tpu.enqueue_indirect_dma source(%dma_start3A_104 : memref<10000x16xf32, #tpu.memory_space<hbm>>) target(%arg11 : memref<128x16xf32, #tpu.memory_space<vmem>>) offsets(%dma_start3A_101 : memref<128xi32, #tpu.memory_space<vmem>>) semaphore(%arg19 : memref<!tpu.dma_semaphore, #tpu.memory_space<semaphore_mem>>)
        } else {
        }
        %add3A_87 = arith.constant 1 : i32
        %add3A_88 = arith.addi %mul3A_66, %add3A_87 : i32
        %dma_wait3A_89 = arith.constant 0 : i32
        %dma_wait3A_90 = tpu.memref_slice %arg9[%add3A_88, %dma_wait3A_89] : memref<79x128xi32, #tpu.memory_space<vmem>> -> memref<1x128xi32, #tpu.memory_space<vmem>>
        %dma_wait3A_91 = tpu.memref_squeeze %dma_wait3A_90 : memref<1x128xi32, #tpu.memory_space<vmem>> -> memref<128xi32, #tpu.memory_space<vmem>>
        %dma_wait3A_92 = arith.constant 0 : i32
        %dma_wait3A_93 = arith.constant 0 : i32
        %dma_wait3A_94 = tpu.memref_slice %arg8[%dma_wait3A_92, %dma_wait3A_93] : memref<10000x16xf32, #tpu.memory_space<hbm>> -> memref<10000x16xf32, #tpu.memory_space<hbm>>
        tpu.wait_indirect_dma semaphore(%arg20 : memref<!tpu.dma_semaphore, #tpu.memory_space<semaphore_mem>>) src(%dma_wait3A_94 : memref<10000x16xf32, #tpu.memory_space<hbm>>) dst(%arg12 : memref<128x16xf32, #tpu.memory_space<vmem>>)
        %add3A_95 = arith.constant 1 : i32
        %add3A_96 = arith.addi %mul3A_66, %add3A_95 : i32
        "tpu.region"() ({
          %run_scoped3A_97 = tpu.sem_alloc : memref<!tpu.dma_semaphore, #tpu.memory_space<semaphore_mem>>
          %dma_start3A_98 = arith.constant 0 : i32
          %dma_start3A_99 = tpu.memref_slice %arg10[%add3A_96, %dma_start3A_98] : memref<79x128xi32, #tpu.memory_space<vmem>> -> memref<1x128xi32, #tpu.memory_space<vmem>>
          %dma_start3A_100 = tpu.memref_squeeze %dma_start3A_99 : memref<1x128xi32, #tpu.memory_space<vmem>> -> memref<128xi32, #tpu.memory_space<vmem>>
          %dma_start3A_101 = arith.constant 0 : i32
          %dma_start3A_102 = arith.constant 0 : i32
          %dma_start3A_103 = tpu.memref_slice %arg18[%dma_start3A_101, %dma_start3A_102] : memref<10240x16xf32, #tpu.memory_space<vmem_shared>> -> memref<10240x16xf32, #tpu.memory_space<vmem_shared>>
          tpu.enqueue_indirect_dma source(%arg12 : memref<128x16xf32, #tpu.memory_space<vmem>>) target(%dma_start3A_103 : memref<10240x16xf32, #tpu.memory_space<vmem_shared>>) offsets(%dma_start3A_100 : memref<128xi32, #tpu.memory_space<vmem>>) semaphore(%run_scoped3A_97 : memref<!tpu.dma_semaphore, #tpu.memory_space<semaphore_mem>>) {add = true}
          %dma_wait3A_104 = arith.constant 0 : i32
          %dma_wait3A_105 = tpu.memref_slice %arg10[%add3A_96, %dma_wait3A_104] : memref<79x128xi32, #tpu.memory_space<vmem>> -> memref<1x128xi32, #tpu.memory_space<vmem>>
          %dma_wait3A_106 = tpu.memref_squeeze %dma_wait3A_105 : memref<1x128xi32, #tpu.memory_space<vmem>> -> memref<128xi32, #tpu.memory_space<vmem>>
          %dma_wait3A_107 = arith.constant 0 : i32
          %dma_wait3A_108 = arith.constant 0 : i32
          %dma_wait3A_109 = tpu.memref_slice %arg18[%dma_wait3A_107, %dma_wait3A_108] : memref<10240x16xf32, #tpu.memory_space<vmem_shared>> -> memref<10240x16xf32, #tpu.memory_space<vmem_shared>>
          tpu.wait_indirect_dma semaphore(%run_scoped3A_97 : memref<!tpu.dma_semaphore, #tpu.memory_space<semaphore_mem>>) src(%arg12 : memref<128x16xf32, #tpu.memory_space<vmem>>) dst(%dma_wait3A_109 : memref<10240x16xf32, #tpu.memory_space<vmem_shared>>)
          tpu.yield
        }) : () -> ()
      }
      %scan3A_63 = arith.constant 39 : i32
    } else {
    }
    %barrier3A_43 = arith.constant 0 : index
    tpu.barrier barrier_id(%barrier3A_43)
    %mul3A_44 = arith.constant 640 : i32
    %mul3A_45 = arith.muli %arg1, %mul3A_44 : i32
    %mul3A_46 = arith.constant 640 : i32
    %mul3A_47 = arith.muli %arg1, %mul3A_46 : i32
    "tpu.region"() ({
      %run_scoped3A = tpu.sem_alloc : memref<!tpu.dma_semaphore, #tpu.memory_space<semaphore_mem>>
      %dma_start3A = arith.constant 0 : i32
      %dma_start3A_48 = tpu.memref_slice %arg6[%arg0, %mul3A_47, %dma_start3A] : memref<2x10240x16xf32, #tpu.memory_space<hbm>> -> memref<1x640x16xf32, #tpu.memory_space<hbm>>
      %dma_start3A_49 = tpu.memref_squeeze %dma_start3A_48 : memref<1x640x16xf32, #tpu.memory_space<hbm>> -> memref<640x16xf32, #tpu.memory_space<hbm>>
      %dma_start3A_50 = arith.constant 0 : i32
      %dma_start3A_51 = tpu.memref_slice %arg18[%mul3A_45, %dma_start3A_50] : memref<10240x16xf32, #tpu.memory_space<vmem_shared>> -> memref<640x16xf32, #tpu.memory_space<vmem_shared>>
      tpu.enqueue_dma source(%dma_start3A_51 : memref<640x16xf32, #tpu.memory_space<vmem_shared>>) target(%dma_start3A_49 : memref<640x16xf32, #tpu.memory_space<hbm>>) target_semaphore(%run_scoped3A : memref<!tpu.dma_semaphore, #tpu.memory_space<semaphore_mem>>)
      %dma_wait3A = arith.constant 0 : i32
      %dma_wait3A_52 = tpu.memref_slice %arg6[%arg0, %mul3A_47, %dma_wait3A] : memref<2x10240x16xf32, #tpu.memory_space<hbm>> -> memref<1x640x16xf32, #tpu.memory_space<hbm>>
      %dma_wait3A_53 = tpu.memref_squeeze %dma_wait3A_52 : memref<1x640x16xf32, #tpu.memory_space<hbm>> -> memref<640x16xf32, #tpu.memory_space<hbm>>
      %dma_wait3A_54 = arith.constant 0 : i32
      %dma_wait3A_55 = tpu.memref_slice %arg18[%mul3A_45, %dma_wait3A_54] : memref<10240x16xf32, #tpu.memory_space<vmem_shared>> -> memref<640x16xf32, #tpu.memory_space<vmem_shared>>
      tpu.wait_dma2 semaphore(%run_scoped3A : memref<!tpu.dma_semaphore, #tpu.memory_space<semaphore_mem>>) src(%dma_wait3A_55 : memref<640x16xf32, #tpu.memory_space<vmem_shared>>) dst(%dma_wait3A_53 : memref<640x16xf32, #tpu.memory_space<hbm>>)
      tpu.yield
    }) : () -> ()
    return
  }
}

module attributes {stable_mosaic.version = 14 : i64} {
  func.func @_lin1_body(%arg0: memref<10000x128xf32, #tpu.memory_space<vmem>>, %arg1: memref<128x16xf32, #tpu.memory_space<vmem>>, %arg2: memref<10000x16xf32, #tpu.memory_space<vmem>>) attributes {dimension_semantics = [], scalar_prefetch = 0 : i64, scratch_operands = 0 : i64, tpu.core_type = #tpu.core_type<tc>} {
    %get3A = arith.constant 0 : index
    %get3A_0 = arith.constant 0 : index
    %get3A_1 = vector.load %arg0[%get3A, %get3A_0] : memref<10000x128xf32, #tpu.memory_space<vmem>>, vector<10000x128xf32>
    %get3A_2 = arith.constant 0 : index
    %get3A_3 = arith.constant 0 : index
    %get3A_4 = vector.load %arg1[%get3A_2, %get3A_3] : memref<128x16xf32, #tpu.memory_space<vmem>>, vector<128x16xf32>
    %dot_general3A = arith.constant dense<0.000000e+00> : vector<10000x16xf32>
    %dot_general3A_5 = tpu.matmul %get3A_1, %get3A_4, %dot_general3A {dimension_numbers = #tpu.dot_dimension_numbers<[1], [0], [0], [1], [0, 0, 1, 1], [], []>, precision = #tpu.contract_precision<fp32>, transpose_lhs_hint = false} : vector<10000x128xf32>, vector<128x16xf32>, vector<10000x16xf32> -> vector<10000x16xf32>
    %swap3A = arith.constant 0 : index
    %swap3A_6 = arith.constant 0 : index
    %swap3A_7 = vector.load %arg2[%swap3A, %swap3A_6] : memref<10000x16xf32, #tpu.memory_space<vmem>>, vector<10000x16xf32>
    tpu.vector_store %arg2[%swap3A, %swap3A_6], %dot_general3A_5 {strides = array<i32>} : memref<10000x16xf32, #tpu.memory_space<vmem>>, vector<10000x16xf32>,
    return
  }
}

module attributes {stable_mosaic.version = 14 : i64} {
  func.func @_out_body(%arg0: i32, %arg1: memref<1000x16xf32, #tpu.memory_space<vmem>>, %arg2: memref<2x1000x16xf32, #tpu.memory_space<vmem>>, %arg3: memref<16x40xf32, #tpu.memory_space<vmem>>, %arg4: memref<1x40xf32, #tpu.memory_space<vmem>>, %arg5: memref<1000x40xf32, #tpu.memory_space<vmem>>) attributes {dimension_semantics = [#tpu.dimension_semantics<arbitrary>], iteration_bounds = array<i64: 10>, scalar_prefetch = 0 : i64, scratch_operands = 0 : i64, tpu.core_type = #tpu.core_type<tc>, window_params = [{transform_indices = @transform_0, window_bounds = array<i64: 1000, 16>}, {transform_indices = @transform_1, window_bounds = array<i64: 2, 1000, 16>}, {pipeline_mode = #tpu.pipeline_mode<synchronous>, transform_indices = @transform_2, window_bounds = array<i64: 16, 40>}, {pipeline_mode = #tpu.pipeline_mode<synchronous>, transform_indices = @transform_3, window_bounds = array<i64: 1, 40>}, {transform_indices = @transform_4, window_bounds = array<i64: 1000, 40>}]} {
    %get3A = arith.constant 0 : index
    %get3A_0 = arith.constant 0 : index
    %get3A_1 = vector.load %arg1[%get3A, %get3A_0] : memref<1000x16xf32, #tpu.memory_space<vmem>>, vector<1000x16xf32>
    %get3A_2 = arith.constant 0 : index
    %get3A_3 = arith.constant 0 : index
    %get3A_4 = arith.constant 0 : index
    %get3A_5 = vector.load %arg2[%get3A_2, %get3A_3, %get3A_4] : memref<2x1000x16xf32, #tpu.memory_space<vmem>>, vector<1x1000x16xf32>
    %get3A_6 = vector.shape_cast %get3A_5 : vector<1x1000x16xf32> to vector<1000x16xf32>
    %add3A = arith.addf %get3A_1, %get3A_6 : vector<1000x16xf32>
    %get3A_7 = arith.constant 1 : index
    %get3A_8 = arith.constant 0 : index
    %get3A_9 = arith.constant 0 : index
    %get3A_10 = vector.load %arg2[%get3A_7, %get3A_8, %get3A_9] : memref<2x1000x16xf32, #tpu.memory_space<vmem>>, vector<1x1000x16xf32>
    %get3A_11 = vector.shape_cast %get3A_10 : vector<1x1000x16xf32> to vector<1000x16xf32>
    %add3A_12 = arith.addf %add3A, %get3A_11 : vector<1000x16xf32>
    %get3A_13 = arith.constant 0 : index
    %get3A_14 = arith.constant 0 : index
    %get3A_15 = vector.load %arg3[%get3A_13, %get3A_14] : memref<16x40xf32, #tpu.memory_space<vmem>>, vector<16x40xf32>
    %dot_general3A = arith.constant dense<0.000000e+00> : vector<1000x40xf32>
    %dot_general3A_16 = tpu.matmul %add3A_12, %get3A_15, %dot_general3A {dimension_numbers = #tpu.dot_dimension_numbers<[1], [0], [0], [1], [0, 0, 1, 1], [], []>, precision = #tpu.contract_precision<fp32>, transpose_lhs_hint = false} : vector<1000x16xf32>, vector<16x40xf32>, vector<1000x40xf32> -> vector<1000x40xf32>
    %get3A_17 = arith.constant 0 : index
    %get3A_18 = arith.constant 0 : index
    %get3A_19 = vector.load %arg4[%get3A_17, %get3A_18] : memref<1x40xf32, #tpu.memory_space<vmem>>, vector<1x40xf32>
    %add3A_20 = vector.broadcast %get3A_19 : vector<1x40xf32> to vector<1000x40xf32>
    %add3A_21 = arith.addf %dot_general3A_16, %add3A_20 : vector<1000x40xf32>
    %max3A = arith.constant 0.000000e+00 : f32
    %max3A_22 = vector.broadcast %max3A : f32 to vector<1000x40xf32>
    %max3A_23 = arith.maximumf %add3A_21, %max3A_22 : vector<1000x40xf32>
    %reduce_max3A = arith.constant dense<0xFF800000> : vector<1000xf32>
    %reduce_max3A_24 = vector.multi_reduction <maximumf>, %max3A_23, %reduce_max3A [1] : vector<1000x40xf32> to vector<1000xf32>
    %broadcast_in_dim3A = vector.shape_cast %reduce_max3A_24 : vector<1000xf32> to vector<1000x1xf32>
    %sub3A = vector.broadcast %broadcast_in_dim3A : vector<1000x1xf32> to vector<1000x40xf32>
    %sub3A_25 = arith.subf %max3A_23, %sub3A : vector<1000x40xf32>
    %exp3A = math.exp %sub3A_25 : vector<1000x40xf32>
    %reduce_sum3A = arith.constant dense<0.000000e+00> : vector<1000xf32>
    %reduce_sum3A_26 = vector.multi_reduction <add>, %exp3A, %reduce_sum3A [1] : vector<1000x40xf32> to vector<1000xf32>
    %broadcast_in_dim3A_27 = vector.shape_cast %reduce_sum3A_26 : vector<1000xf32> to vector<1000x1xf32>
    %log3A = math.log %broadcast_in_dim3A_27 : vector<1000x1xf32>
    %sub3A_28 = vector.broadcast %log3A : vector<1000x1xf32> to vector<1000x40xf32>
    %sub3A_29 = arith.subf %sub3A_25, %sub3A_28 : vector<1000x40xf32>
    %swap3A = arith.constant 0 : index
    %swap3A_30 = arith.constant 0 : index
    %swap3A_31 = vector.load %arg5[%swap3A, %swap3A_30] : memref<1000x40xf32, #tpu.memory_space<vmem>>, vector<1000x40xf32>
    tpu.vector_store %arg5[%swap3A, %swap3A_30], %sub3A_29 {strides = array<i32>} : memref<1000x40xf32, #tpu.memory_space<vmem>>, vector<1000x40xf32>,
    return
  }
  func.func @transform_0(%arg0: i32) -> (i32, i32) {
    %c0_i32 = arith.constant 0 : i32
    %c0_i32_0 = arith.constant 0 : i32
    return %arg0, %c0_i32 : i32, i32
  }
  func.func @transform_1(%arg0: i32) -> (i32, i32, i32) {
    %c0_i32 = arith.constant 0 : i32
    %c0_i32_0 = arith.constant 0 : i32
    %c0_i32_1 = arith.constant 0 : i32
    return %c0_i32, %arg0, %c0_i32_0 : i32, i32, i32
  }
  func.func @transform_2(%arg0: i32) -> (i32, i32) {
    %c0_i32 = arith.constant 0 : i32
    %c0_i32_0 = arith.constant 0 : i32
    %c0_i32_1 = arith.constant 0 : i32
    return %c0_i32, %c0_i32_0 : i32, i32
  }
  func.func @transform_3(%arg0: i32) -> (i32, i32) {
    %c0_i32 = arith.constant 0 : i32
    %c0_i32_0 = arith.constant 0 : i32
    %c0_i32_1 = arith.constant 0 : i32
    return %c0_i32, %c0_i32_0 : i32, i32
  }
  func.func @transform_4(%arg0: i32) -> (i32, i32) {
    %c0_i32 = arith.constant 0 : i32
    %c0_i32_0 = arith.constant 0 : i32
    return %arg0, %c0_i32 : i32, i32
  }
}

</mosaic_0001>

<sc_bundles>
// kernel: kernel.6.cloned.1.call-start
scs
__scs_entry_jumppad:
0x0: {  	(pc) =	sbr.rel $0x88, $3  }
0x1: {  	(tag) =	ssettag $0x0;
	lr =	simm.s32 $0x1  }
0x2: {  	[smem:$0x3F9B] =	sst lr;
	_ =	strace $0xD0000000  }
0x3: {  	_ = 	snop  }
0x4: {  	_ = 	snop  }
0x5: {  	_ = 	snop  }
0x6: {  	_ = 	snop  }
0x7: {  	_ = 	snop  }
__scs_overlays_trampoline_lowered:
0x8: {  	[smem:$0x3FAA] =	sst s0  }
0x9: {  	[smem:$0x3FAB] =	sst s1  }
0xa: {  	[smem:$0x3FAC] =	sst s2  }
0xb: {  	[smem:$0x3FAD] =	sst s3  }
0xc: {  	[smem:$0x3FAE] =	sst s4  }
0xd: {  	[smem:$0x3FAF] =	sst s5  }
0xe: {  	[smem:$0x3FB0] =	sst s6  }
0xf: {  	[smem:$0x3FB1] =	sst s7  }
0x10: {  	[smem:$0x3FB2] =	sst s8  }
0x11: {  	[smem:$0x3FB3] =	sst s9;
	s0 =	simm.s32 @!p0 $0x0  }
0x12: {  	s1 =	sld [smem:$0x3F99];
	s0 =	simm.s32 @p0 $0x1  }
0x13: {  	[smem:$0x3FB4] =	sst s0;
	s0 =	simm.s32 @!p1 $0x0  }
0x14: {  	s2 =	sld [smem:$0x3F98];
	s0 =	simm.s32 @p1 $0x1  }
0x15: {  	[smem:$0x3FB5] =	sst s0;
	s0 =	simm.s32 @!p2 $0x0  }
0x16: {  	s3 =	sld [smem:$0x3FDB];
	s0 =	simm.s32 @p2 $0x1  }
0x17: {  	s4 =	simm.s32 $0x1BF5;
	[smem:$0x3FB7] =	sst s0  }
0x18: {  	s0 =	sld [smem:$0x3F9A];
	_ =	swait.ge [sflag:s4], $0x0  }
0x19: {  	s7 =	sld [smem:$0x3F9B]  }
0x1a: {  	s8 =	sadd.s32 $0xFFFFE003, lr  }
0x1b: {  	s9 =	sadd.s32 $0xFFFFFEF7, lr;
	s5 =	simm.s32 $0xFFFFFFFF;
	p2 =	slt.u32 s8, $0xFFFFF086  }
0x1c: {  	p1 =	slt.u32 s9, $0xF7A;
	s5 =	simm.s32 @!p2 $0x0  }
0x1d: {  	s5 =	simm.s32 @p1 $0x1;
	p0 =	seq.s32 s7, s2  }
0x1e: {  	s7 =	smul.u32 @!p0 $0xF7A, s2;
	p2 =	seq.s32 @!p0 s5, $0x0  }
0x1f: {  	s9 =	smul.u32 $0xF7A, s1;
	s8 =	simm.s32 @!p0 $0x1BF5;
	p2 =	por !p2, p0  }
0x20: {  	[sflag:s8] =	ssyncset.s32 @!p0 $0xFFFFF086;
	s6 =	sadd.s32 @!p0 s3, s7;
	s7 =	simm.s32 @!p0 $0x108  }
0x21: {  	s3 =	sadd.s32 s3, s9;
	s6 =	sadd.s32 @!p0 $0x88, s6;
	s7 =	simm.s32 @p2 $0x1082  }
0x22: {  	[simem:s7], [sflag:s8] =	dma.local @!p0 [hbm:s6], $0xF7A  }
0x23: {  	s9 =	sor.u32 $0xD0000000, s2;
	s6 =	simm.s32 $0x108;
	_ =	swait.ge @!p0 [sflag:s8], $0x0  }
0x24: {  	s3 =	sadd.s32 $0x88, s3;
	s6 =	simm.s32 @!p1 $0x1082;
	[sflag:s4] =	ssyncset.s32 $0xFFFFF086  }
0x25: {  	[simem:s6], [sflag:s4] =	dma.local [hbm:s3], $0xF7A  }
0x26: {  	[smem:$0x3F9B] =	sst s1;
	(tag) =	ssettag s2;
	_ =	strace s9  }
0x27: {  	s1 =	sld [smem:$0x3FAB]  }
0x28: {  	s2 =	sld [smem:$0x3FAC]  }
0x29: {  	s4 =	sld [smem:$0x3FAE]  }
0x2a: {  	p0 =	seq.s32 s5, $0x0;
	s5 =	sld [smem:$0x3FAF]  }
0x2b: {  	s6 =	sld [smem:$0x3FB0]  }
0x2c: {  	s7 =	sld [smem:$0x3FB1]  }
0x2d: {  	s3 =	simm.s32 $0x108;
	s8 =	sld [smem:$0x3FB2]  }
0x2e: {  	s3 =	simm.s32 @!p0 $0x1082;
	s9 =	sld [smem:$0x3FB3]  }
0x2f: {  	lr =	sadd.s32 s0, s3;
	s0 =	sld [smem:$0x3FAA]  }
0x30: {  	s3 =	sld [smem:$0x3FAD]  }
0x31: {  	[smem:$0x3FB6] =	sst s10  }
0x32: {  	s10 =	sld [smem:$0x3FB4];
	_ =	sdelay $0x3  }
0x33: {  	p0 =	seq.s32 s10, $0x1;
	s10 =	sld [smem:$0x3FB6];
	_ =	sdelay $0x3  }
0x34: {  	[smem:$0x3FB6] =	sst s10  }
0x35: {  	s10 =	sld [smem:$0x3FB5];
	_ =	sdelay $0x3  }
0x36: {  	p1 =	seq.s32 s10, $0x1;
	s10 =	sld [smem:$0x3FB6];
	_ =	sdelay $0x3  }
0x37: {  	[smem:$0x3FB6] =	sst s10  }
0x38: {  	s10 =	sld [smem:$0x3FB7]  }
0x39: {  	_ = 	snop;
	(pc) =	sbr.ind lr, $3  }
0x3a: {  	_ = 	snop  }
0x3b: {  	_ = 	snop  }
0x3c: {  	p2 =	seq.s32 s10, $0x1;
	s10 =	sld [smem:$0x3FB6]  }
0x3d: {  	_ =	shalt  }
0x3e: {  	_ =	shalt  }
0x3f: {  	_ =	shalt  }
0x40: {  	_ =	shalt  }
0x41: {  	_ =	shalt  }
0x42: {  	_ =	shalt  }
0x43: {  	_ =	shalt  }
0x44: {  	_ =	shalt  }
0x45: {  	_ =	shalt  }
0x46: {  	_ =	shalt  }
0x47: {  	_ =	shalt  }
0x48: {  	_ =	shalt  }
0x49: {  	_ =	shalt  }
0x4a: {  	_ =	shalt  }
0x4b: {  	_ =	shalt  }
0x4c: {  	_ =	shalt  }
0x4d: {  	_ =	shalt  }
0x4e: {  	_ =	shalt  }
0x4f: {  	_ =	shalt  }
0x50: {  	_ =	shalt  }
0x51: {  	_ =	shalt  }
0x52: {  	_ =	shalt  }
0x53: {  	_ =	shalt  }
0x54: {  	_ =	shalt  }
0x55: {  	_ =	shalt  }
0x56: {  	_ =	shalt  }
0x57: {  	_ =	shalt  }
0x58: {  	_ =	shalt  }
0x59: {  	_ =	shalt  }
0x5a: {  	_ =	shalt  }
0x5b: {  	_ =	shalt  }
0x5c: {  	_ =	shalt  }
0x5d: {  	_ =	shalt  }
0x5e: {  	_ =	shalt  }
0x5f: {  	_ =	shalt  }
0x60: {  	_ =	shalt  }
0x61: {  	_ =	shalt  }
0x62: {  	_ =	shalt  }
0x63: {  	_ =	shalt  }
0x64: {  	_ =	shalt  }
0x65: {  	_ =	shalt  }
0x66: {  	_ =	shalt  }
0x67: {  	_ =	shalt  }
0x68: {  	_ =	shalt  }
0x69: {  	_ =	shalt  }
0x6a: {  	_ =	shalt  }
0x6b: {  	_ =	shalt  }
0x6c: {  	_ =	shalt  }
0x6d: {  	_ =	shalt  }
0x6e: {  	_ =	shalt  }
0x6f: {  	_ =	shalt  }
0x70: {  	_ =	shalt  }
0x71: {  	_ =	shalt  }
0x72: {  	_ =	shalt  }
0x73: {  	_ =	shalt  }
0x74: {  	_ =	shalt  }
0x75: {  	_ =	shalt  }
0x76: {  	_ =	shalt  }
0x77: {  	_ =	shalt  }
0x78: {  	_ =	shalt  }
0x79: {  	_ =	shalt  }
0x7a: {  	_ =	shalt  }
0x7b: {  	_ =	shalt  }
0x7c: {  	_ =	shalt  }
0x7d: {  	_ =	shalt  }
0x7e: {  	_ =	shalt  }
0x7f: {  	_ =	shalt  }
0x80: {  	_ =	shalt  }
0x81: {  	_ =	shalt  }
0x82: {  	_ =	shalt  }
0x83: {  	_ =	shalt  }
0x84: {  	_ =	shalt  }
0x85: {  	_ =	shalt  }
0x86: {  	_ =	shalt  }
0x87: {  	_ =	shalt  }
.Lfunc_end0:
.L_simem_size_0:
called_computation_lowered:
.L_overlay_start_0:
0x88: {  	s2 =	sld [smem:$0x3FD9]  }
0x89: {  	s3 =	sld [smem:$0x3FFE];
	_ =	sdelay $0x1  }
0x8a: {  	s1 =	srdreg.scid  }
0x8b: {  	s0 =	sand.u32 $0x1, s1  }
0x8c: {  	s16 =	sshll.u32 s0, $0xA;
	s2 =	sadd.s32 s3, s2  }
0x8d: {  	s2 =	sadd.s32 s2, s16  }
0x8e: {  	[smem:$0x3FC2] =	sst s2  }
0x8f: {  	_ = 	snop  }
0x90: {  	(tm) =	ssettm $0x1  }
0x91: {  	s17 =	sld [smem:$0x3FFB];
	_ =	sdelay $0x3  }
0x92: {  	_ =	strace s17  }
0x93: {  	s2 =	sld [smem:$0x3FFC];
	_ =	sdelay $0x3  }
0x94: {  	_ =	strace s2  }
0x95: {  	s2 =	sld [smem:$0x3FFD];
	_ =	sdelay $0x3  }
0x96: {  	_ =	strace s2  }
0x97: {  	_ =	strace $0x8FFFFFFF  }
0x98: {  	s18 =	sld [smem:$0x3FDB];
	_ =	sdelay $0x1  }
0x99: {  	s19 =	simm.s32 $_scs_section_size  }
0x9a: {  	s4 =	simm.s32 $_size__tile_overlayer_lowered;
	s5 =	simm.s32 $_tile_overlayer_lowered  }
0x9b: {  	s22 =	simm.s32 $0x1BFF;
	s21 =	sshll.u32 s5, $0x1;
	s2 =	sadd.s32 s19, s18  }
0x9c: {  	s6 =	simm.s32 $0x0;
	s20 =	sshll.u32 s4, $0x1;
	s4 =	sadd.s32 s21, s2  }
0x9d: {  	[timem:s6], [sflag:s22] =	dma.local [hbm:s4], s20  }
0x9e: {  	_ =	swait.ge [sflag:s22], s20  }
0x9f: {  	s3 =	ssub.s32 $0x0, s20;
	[sflag:s22] =	ssyncset.done $0x0  }
0xa0: {  	[sflag:s22] =	ssyncadd.s32 s3;
	_ =	sdelay $0x1  }
0xa1: {  	s23 =	simm.s32 $0x1B8B  }
0xa2: {  	_ =	swait.ge [sflag:s23], $0x1  }
0xa3: {  	[sflag:s23] =	ssyncset.done $0x0  }
0xa4: {  	s25 =	simm.s32 $0x1B8E;
	s24 =	sld [smem:$0x3FFE];
	[sflag:s23] =	ssyncadd.s32 $0xFFFFFFFF  }
0xa5: {  	s26 =	simm.s32 $execute0_lowered;
	[smem:$0x3FD2] =	sst s25  }
0xa6: {  	s4 =	sshll.u32 s26, $0x1;
	_ =	strace $0x80000046;
	[dreg:$0x1] =	wrdreg $0xFFFFFFFF  }
0xa7: {  	s28 =	simm.s32 $_size_execute0_lowered;
	s2 =	sadd.s32 s2, s4;
	[dreg:$0x0] =	wrdreg $0x0  }
0xa8: {  	s4 =	sshll.u32 s28, $0x1;
	[dreg:$0x2] =	wrdreg s2  }
0xa9: {  	[dreg:$0x3] =	wrdreg s4  }
0xaa: {  	[dreg:$0x4] =	wrdreg $0xC0  }
0xab: {  	_ =	task [dreg:s6], $0x5FFFF  }
0xac: {  	[dreg:$0x1] =	wrdreg $0xFFFFFFFF  }
0xad: {  	[dreg:$0x0] =	wrdreg $0x60  }
0xae: {  	[dreg:$0x2] =	wrdreg s24  }
0xaf: {  	[dreg:$0x3] =	wrdreg $0x87000  }
0xb0: {  	[dreg:$0x4] =	wrdreg $0x9  }
0xb1: {  	_ =	task.clear_ibuf [dreg:s6], $0x5FFFF;
	_ =	strace $0x90000046  }
0xb2: {  	s29 =	simm.s32 $0x9;
	_ =	strace $0x80000048  }
0xb3: {  	_ =	swait.ge [sflag:s29], $0x1  }
0xb4: {  	[sflag:s29] =	ssyncadd.s32 $0xFFFFFFFF  }
0xb5: {  	_ =	strace $0x90000048  }
0xb6: {  	_ =	sfence  }
0xb7: {  	s30 =	sld [smem:$0x0];
	_ =	sdelay $0x2  }
0xb8: {  	s31 =	sshll.u32 s1, $0xD;
	s1 =	sshrl.u32 s1, $0x2  }
0xb9: {  	s3 =	sand.u32 $0x4000, s31;
	s1 =	sadd.s32 s1, s30  }
0xba: {  	s0 =	sor.u32 s3, s0;
	s1 =	sshll.u32 s1, $0x11  }
0xbb: {  	s0 =	sor.u32 s1, s0  }
0xbc: {  	s0 =	sadd.s32 $0x8F2B, s0  }
0xbd: {  	[sflag:s0] =	ssyncadd.remote.s32 $0x1  }
0xbe: {  	_ =	sfence.sel $0xFFFF  }
0xbf: {  	[dreg:$0x0] =	wrdreg $0xFFFFFFFF;
	(pc) =	sbr.abs _section_cstart, $3  }
0xc0: {  	[dreg:$0x1] =	wrdreg $0xFFFFFFFF  }
0xc1: {  	_ =	task.clear_ibuf [dreg:s6], $0x2FFFF;
	_ =	strace $0x9FFFFFFF  }
0xc2: {  	(tm) =	ssettm $0x7FFFFFFF  }
0xc3: {  	_ =	shalt  }
tec
execute0_lowered:
.L_overlay_start_1:
0x0: {  	(tag) =	ssettag $0x1  }
0x1: {  	s5 =	rddreg [dreg:$0x0];
	s1 =	srdreg.scid  }
0x2: {  	s0 =	stileid.u32;
	s2 =	rddreg [dreg:$0x1];
	s3 =	simm.s32 $0x0  }
0x3: {  	s14 =	simm.s32 $0x5F00;
	s15 =	simm.s32 $0x3;
	s16 =	simm.s32 $0x2780  }
0x4: {  	s17 =	simm.s32 $0x80;
	s18 =	simm.s32 $0x4F00;
	s19 =	simm.s32 $0x5700  }
0x5: {  	s20 =	simm.s32 $0x1;
	s21 =	simm.s32 $0x2;
	s22 =	simm.s32 $0x2680  }
0x6: {  	s23 =	simm.s32 $0x4D80;
	s24 =	simm.s32 $0x4E00;
	s25 =	simm.s32 $0x0  }
0x7: {  	s7 =	sand.u32 $0x1, s1;
	s6 =	smul.u32 $0x2800, s0;
	s1 =	rddreg [dreg:$0x2]  }
0x8: {  	[smem:$0x7FF] =	sst s3;
	s4 =	sadd.s32 $0x14E00, s5;
	s10 =	smul.u32 $0x2700, s0  }
0x9: {  	s11 =	sadd.s32 $0x1400, s5;
	s31 =	sshll.u32 s0, $0x4;
	p1 =	sgt.u32 s0, $0x3  }
0xa: {  	s8 =	smul.u32 $0x28000, s7;
	_ =	strace $0x80000047;
	s9 =	ssub.s32 $0x2, s7  }
0xb: {  	p0 =	seq.s32 s7, $0x1;
	s29 =	sshrl.u32 s9, $0x1;
	s30 =	sshrl.u32 s10, $0x3  }
.Ltmp0:
0xc: {  	s8 =	sadd.s32 s6, s8;
	s13 =	ssub.s32 s9, s29;
	(pc) =	sbr.rel .LBB2_1-.Ltmp0, $4  }
0xd: {  	s9 =	sadd.s32 s31, s11;
	s8 =	sshrl.u32 s8, $0x3;
	s13 =	smax.u32 s13, $0x1  }
0xe: {  	s12 =	sadd.s32 s8, s5;
	s5 =	sadd.s32 s6, s2;
	s6 =	sadd.s32 s11, s30  }
0xf: {  	s8 =	sadd.s32 $0x9C00, s9;
	s9 =	sadd.s32 $0x13840, s9;
	s7 =	sadd.s32 $0x9C40, s6  }
0x10: {  	v0 =	vimm.f32 $0.0e+00;
	s10 =	sadd.s32 $0x4E00, s6;
	s11 =	sadd.s32 $0xEA40, s6;
	s12 =	sadd.s32 $0x19E00, s12  }
.LBB2_11:
0x11: {  	_ =	swait.ge [sflag:s15], $0x800  }
0x12: {  	[sflag:s15] =	ssyncset.done $0x0  }
0x13: {  	[sflag:s15] =	ssyncadd.s32 $0xFFFFF800  }
.LBB2_12:
0x14: {  	s25 =	sadd.s32 $0x1, s25  }
0x15: {  	s26 =	sshll.u32 s0, $0x6;
	[bflag:$0x0] =	sbarrier.arrive $0xFFFF;
	p2 =	sne.s32 s25, s13  }
.Ltmp1:
0x16: {  	s28 =	sshrl.u32 s5, $0x3;
	s26 =	sor.u32 $0x1C03, s26;
	(pc) =	sbr.rel @!p2 .LBB2_13-.Ltmp1, $4  }
0x17: {  	[hbm:s12], [sflag:s26] =	dma.local [spmem:s28], $0x500  }
0x18: {  	_ =	swait.ge [sflag:s15], $0x500  }
0x19: {  	[sflag:s15] =	ssyncset.done $0x0  }
0x1a: {  	[sflag:s15] =	ssyncadd.s32 $0xFFFFFB00  }
.LBB2_1:
0x1b: {  	s26 =	simm.s32 $0x40;
	s28 =	simm.s32 $0x0  }
.LBB2_2:
0x1c: {  	p2 =	sne.s32 s26, $0x9FC0;
	[tilespmem:s28+$0x5F00] =	vst v0;
	s28 =	smov.u32 s26;
	s26 =	sadd.s32 $0x40, s26  }
.Ltmp2:
0x1d: {  	(pc) =	sbr.rel @p2 .LBB2_2-.Ltmp2, $2  }
0x1e: {  	_ =	sdelay $0x2  }
0x1f: {  	s28 =	sshra.s32 s28, $0x2  }
0x20: {  	[tilespmem:s28+$0x5F00] =	vst v0  }
0x21: {  	[spmem:s5] =	stream.linear.scatter [tilespmem:s14], [sflag:$0x3], $0x2800, $0x38;
	[tilespmem:$0xAF00] =	vst v63  }
.Ltmp3:
0x22: {  	_ =	swait.ge [sflag:s15], $0x2800;
	(pc) =	sbr.rel @!p0 .LBB2_4-.Ltmp3, $4  }
0x23: {  	[sflag:s15] =	ssyncset.done $0x0  }
0x24: {  	[sflag:s15] =	ssyncadd.s32 $0xFFFFD800  }
0x25: {  	[bflag:$0x0] =	sbarrier.arrive $0xFFFF  }
0x26: {  	s26 =	simm.s32 $0x0  }
0x27: {  	[tilespmem:s26], [sflag:$0x3] =	stream.linear.gather [hbm4b:s10+s26], $0x2700, $0x38;
	[tilespmem:$0xAF00] =	vst v63  }
0x28: {  	_ =	swait.ge [sflag:s15], $0x2700  }
0x29: {  	[sflag:s15] =	ssyncset.done $0x0  }
0x2a: {  	[sflag:s15] =	ssyncadd.s32 $0xFFFFD900  }
0x2b: {  	[tilespmem:s16], [sflag:$0x3] =	stream.linear.gather [hbm4b:s11+s26], $0x2700, $0x38;
	[tilespmem:$0xAF00] =	vst v63  }
0x2c: {  	_ =	swait.ge [sflag:s15], $0x2700  }
0x2d: {  	[sflag:s15] =	ssyncset.done $0x0  }
0x2e: {  	[sflag:s15] =	ssyncadd.s32 $0xFFFFD900  }
0x2f: {  	[tilespmem:s18], [sflag:$0x1] =	stream.indirect.gather [hbm4b:s4+s17], $0x10, s26, s17, $0xb8;
	[tilespmem:$0xAF00] =	vst v63  }
0x30: {  	s31 =	simm.s32 $0x80  }
0x31: {  	[tilespmem:s19], [sflag:$0x2] =	stream.indirect.gather [hbm4b:s4+s17], $0x10, s31, s17, $0xb8;
	[tilespmem:$0xAF00] =	vst v63  }
0x32: {  	_ =	swait.ge [sflag:s20], $0x800  }
0x33: {  	[sflag:s20] =	ssyncset.done $0x0  }
0x34: {  	s29 =	simm.s32 $0x2780;
	[sflag:s20] =	ssyncadd.s32 $0xFFFFF800  }
0x35: {  	[spmem:s2] =	stream.indirect.scatter.add.f32 [tilespmem:s18], [sflag:$0x3], $0x10, s29, s17, $0xb8;
	[tilespmem:$0xAF00] =	vst v63  }
0x36: {  	_ =	swait.ge [sflag:s15], $0x800  }
0x37: {  	[sflag:s15] =	ssyncset.done $0x0  }
0x38: {  	s30 =	simm.s32 $0x100;
	[sflag:s15] =	ssyncadd.s32 $0xFFFFF800  }
0x39: {  	[tilespmem:s18], [sflag:$0x1] =	stream.indirect.gather [hbm4b:s4+s17], $0x10, s30, s17, $0xb8;
	[tilespmem:$0xAF00] =	vst v63  }
0x3a: {  	_ =	swait.ge [sflag:s21], $0x800  }
0x3b: {  	[sflag:s21] =	ssyncset.done $0x0  }
0x3c: {  	s31 =	simm.s32 $0x2800;
	[sflag:s21] =	ssyncadd.s32 $0xFFFFF800  }
0x3d: {  	[spmem:s2] =	stream.indirect.scatter.add.f32 [tilespmem:s19], [sflag:$0x3], $0x10, s31, s17, $0xb8;
	[tilespmem:$0xAF00] =	vst v63  }
0x3e: {  	_ =	swait.ge [sflag:s15], $0x800  }
0x3f: {  	s28 =	simm.s32 $0x800;
	s26 =	simm.s32 $0x100;
	[sflag:s15] =	ssyncset.done $0x0  }
.LBB2_9:
0x40: {  	s29 =	sadd.s32 $0x80, s26  }
0x41: {  	[sflag:s15] =	ssyncadd.s32 $0xFFFFF800;
	s30 =	smov.u32 s28;
	s31 =	sadd.s32 $0x400, s28  }
0x42: {  	[tilespmem:s19], [sflag:$0x2] =	stream.indirect.gather [hbm4b:s4+s17], $0x10, s29, s17, $0xb8;
	[tilespmem:$0xAF00] =	vst v63  }
0x43: {  	p2 =	sne.s32 s28, $0x9400;
	_ =	swait.ge [sflag:s20], $0x800  }
0x44: {  	[sflag:s20] =	ssyncset.done $0x0  }
0x45: {  	s28 =	sadd.s32 $0x2780, s26;
	[sflag:s20] =	ssyncadd.s32 $0xFFFFF800  }
0x46: {  	[spmem:s2] =	stream.indirect.scatter.add.f32 [tilespmem:s18], [sflag:$0x3], $0x10, s28, s17, $0xb8;
	[tilespmem:$0xAF00] =	vst v63  }
0x47: {  	_ =	swait.ge [sflag:s15], $0x800  }
0x48: {  	[sflag:s15] =	ssyncset.done $0x0  }
0x49: {  	s28 =	sadd.s32 $0x100, s26;
	[sflag:s15] =	ssyncadd.s32 $0xFFFFF800  }
0x4a: {  	[tilespmem:s18], [sflag:$0x1] =	stream.indirect.gather [hbm4b:s4+s17], $0x10, s28, s17, $0xb8;
	[tilespmem:$0xAF00] =	vst v63  }
0x4b: {  	_ =	swait.ge [sflag:s21], $0x800  }
.Ltmp4:
0x4c: {  	[sflag:s21] =	ssyncset.done $0x0;
	(pc) =	sbr.rel @p2 .LBB2_9-.Ltmp4, $4  }
0x4d: {  	s26 =	sadd.s32 $0x2800, s26;
	[sflag:s21] =	ssyncadd.s32 $0xFFFFF800  }
0x4e: {  	[spmem:s2] =	stream.indirect.scatter.add.f32 [tilespmem:s19], [sflag:$0x3], $0x10, s26, s17, $0xb8;
	[tilespmem:$0xAF00] =	vst v63  }
0x4f: {  	_ =	swait.ge [sflag:s15], $0x800  }
0x50: {  	s28 =	smov.u32 s31;
	s26 =	sshra.s32 s30, $0x2;
	[sflag:s15] =	ssyncset.done $0x0  }
0x51: {  	s28 =	sadd.s32 $0x80, s26;
	[sflag:s15] =	ssyncadd.s32 $0xFFFFF800  }
0x52: {  	[tilespmem:s19], [sflag:$0x2] =	stream.indirect.gather [hbm4b:s4+s17], $0x10, s28, s17, $0xb8;
	[tilespmem:$0xAF00] =	vst v63  }
0x53: {  	_ =	swait.ge [sflag:s20], $0x800  }
0x54: {  	[sflag:s20] =	ssyncset.done $0x0  }
0x55: {  	s29 =	sadd.s32 $0x2780, s26;
	[sflag:s20] =	ssyncadd.s32 $0xFFFFF800  }
0x56: {  	[spmem:s2] =	stream.indirect.scatter.add.f32 [tilespmem:s18], [sflag:$0x3], $0x10, s29, s17, $0xb8;
	[tilespmem:$0xAF00] =	vst v63  }
0x57: {  	_ =	swait.ge [sflag:s15], $0x800  }
0x58: {  	[sflag:s15] =	ssyncset.done $0x0  }
0x59: {  	s30 =	sadd.s32 $0x100, s26;
	[sflag:s15] =	ssyncadd.s32 $0xFFFFF800  }
0x5a: {  	[tilespmem:s18], [sflag:$0x1] =	stream.indirect.gather [hbm4b:s4+s17], $0x10, s30, s17, $0xb8;
	[tilespmem:$0xAF00] =	vst v63  }
0x5b: {  	_ =	swait.ge [sflag:s21], $0x800  }
0x5c: {  	[sflag:s21] =	ssyncset.done $0x0  }
0x5d: {  	s31 =	sadd.s32 $0x2800, s26;
	[sflag:s21] =	ssyncadd.s32 $0xFFFFF800  }
0x5e: {  	[spmem:s2] =	stream.indirect.scatter.add.f32 [tilespmem:s19], [sflag:$0x3], $0x10, s31, s17, $0xb8;
	[tilespmem:$0xAF00] =	vst v63  }
0x5f: {  	_ =	swait.ge [sflag:s15], $0x800  }
0x60: {  	[sflag:s15] =	ssyncset.done $0x0  }
0x61: {  	[sflag:s15] =	ssyncadd.s32 $0xFFFFF800  }
0x62: {  	[tilespmem:s19], [sflag:$0x2] =	stream.indirect.gather [hbm4b:s4+s17], $0x10, s22, s17, $0xb8;
	[tilespmem:$0xAF00] =	vst v63  }
0x63: {  	_ =	swait.ge [sflag:s20], $0x800  }
0x64: {  	[sflag:s20] =	ssyncset.done $0x0  }
0x65: {  	[sflag:s20] =	ssyncadd.s32 $0xFFFFF800  }
0x66: {  	[spmem:s2] =	stream.indirect.scatter.add.f32 [tilespmem:s18], [sflag:$0x3], $0x10, s23, s17, $0xb8;
	[tilespmem:$0xAF00] =	vst v63  }
0x67: {  	_ =	swait.ge [sflag:s15], $0x800  }
0x68: {  	[sflag:s15] =	ssyncset.done $0x0  }
.Ltmp5:
0x69: {  	[sflag:s15] =	ssyncadd.s32 $0xFFFFF800;
	(pc) =	sbr.rel .LBB2_11-.Ltmp5, $4  }
0x6a: {  	_ =	swait.ge [sflag:s21], $0x800  }
0x6b: {  	[sflag:s21] =	ssyncset.done $0x0  }
0x6c: {  	[sflag:s21] =	ssyncadd.s32 $0xFFFFF800  }
0x6d: {  	[spmem:s2] =	stream.indirect.scatter.add.f32 [tilespmem:s19], [sflag:$0x3], $0x10, s24, s17, $0xb8;
	[tilespmem:$0xAF00] =	vst v63  }
.LBB2_4:
0x6e: {  	[tilespmem:s26], [sflag:$0x3] =	stream.linear.gather [hbm4b:s6+s26], $0x2700, $0x38;
	[tilespmem:$0xAF00] =	vst v63  }
0x6f: {  	_ =	swait.ge [sflag:s15], $0x2700  }
0x70: {  	[sflag:s15] =	ssyncset.done $0x0  }
0x71: {  	[sflag:s15] =	ssyncadd.s32 $0xFFFFD900  }
0x72: {  	[tilespmem:s16], [sflag:$0x3] =	stream.linear.gather [hbm4b:s7+s26], $0x2700, $0x38;
	[tilespmem:$0xAF00] =	vst v63  }
0x73: {  	_ =	swait.ge [sflag:s15], $0x2700  }
0x74: {  	[sflag:s15] =	ssyncset.done $0x0  }
0x75: {  	[sflag:s15] =	ssyncadd.s32 $0xFFFFD900  }
0x76: {  	[tilespmem:s18], [sflag:$0x1] =	stream.indirect.gather [hbm4b:s4+s17], $0x10, s26, s17, $0xb8;
	[tilespmem:$0xAF00] =	vst v63  }
0x77: {  	s31 =	simm.s32 $0x80  }
0x78: {  	[tilespmem:s19], [sflag:$0x2] =	stream.indirect.gather [hbm4b:s4+s17], $0x10, s31, s17, $0xb8;
	[tilespmem:$0xAF00] =	vst v63  }
0x79: {  	_ =	swait.ge [sflag:s20], $0x800  }
0x7a: {  	[sflag:s20] =	ssyncset.done $0x0  }
0x7b: {  	s29 =	simm.s32 $0x2780;
	[sflag:s20] =	ssyncadd.s32 $0xFFFFF800  }
0x7c: {  	[spmem:s2] =	stream.indirect.scatter.add.f32 [tilespmem:s18], [sflag:$0x3], $0x10, s29, s17, $0xb8;
	[tilespmem:$0xAF00] =	vst v63  }
0x7d: {  	_ =	swait.ge [sflag:s15], $0x800  }
0x7e: {  	[sflag:s15] =	ssyncset.done $0x0  }
0x7f: {  	s30 =	simm.s32 $0x100;
	[sflag:s15] =	ssyncadd.s32 $0xFFFFF800  }
0x80: {  	[tilespmem:s18], [sflag:$0x1] =	stream.indirect.gather [hbm4b:s4+s17], $0x10, s30, s17, $0xb8;
	[tilespmem:$0xAF00] =	vst v63  }
0x81: {  	_ =	swait.ge [sflag:s21], $0x800  }
0x82: {  	[sflag:s21] =	ssyncset.done $0x0  }
0x83: {  	s31 =	simm.s32 $0x2800;
	[sflag:s21] =	ssyncadd.s32 $0xFFFFF800  }
0x84: {  	[spmem:s2] =	stream.indirect.scatter.add.f32 [tilespmem:s19], [sflag:$0x3], $0x10, s31, s17, $0xb8;
	[tilespmem:$0xAF00] =	vst v63  }
0x85: {  	_ =	swait.ge [sflag:s15], $0x800  }
0x86: {  	s28 =	simm.s32 $0x800;
	s26 =	simm.s32 $0x100;
	[sflag:s15] =	ssyncset.done $0x0  }
.LBB2_5:
0x87: {  	s29 =	sadd.s32 $0x80, s26  }
0x88: {  	[sflag:s15] =	ssyncadd.s32 $0xFFFFF800;
	s30 =	smov.u32 s28;
	s31 =	sadd.s32 $0x400, s28  }
0x89: {  	[tilespmem:s19], [sflag:$0x2] =	stream.indirect.gather [hbm4b:s4+s17], $0x10, s29, s17, $0xb8;
	[tilespmem:$0xAF00] =	vst v63  }
0x8a: {  	p2 =	sne.s32 s28, $0x9400;
	_ =	swait.ge [sflag:s20], $0x800  }
0x8b: {  	[sflag:s20] =	ssyncset.done $0x0  }
0x8c: {  	s28 =	sadd.s32 $0x2780, s26;
	[sflag:s20] =	ssyncadd.s32 $0xFFFFF800  }
0x8d: {  	[spmem:s2] =	stream.indirect.scatter.add.f32 [tilespmem:s18], [sflag:$0x3], $0x10, s28, s17, $0xb8;
	[tilespmem:$0xAF00] =	vst v63  }
0x8e: {  	_ =	swait.ge [sflag:s15], $0x800  }
0x8f: {  	[sflag:s15] =	ssyncset.done $0x0  }
0x90: {  	s28 =	sadd.s32 $0x100, s26;
	[sflag:s15] =	ssyncadd.s32 $0xFFFFF800  }
0x91: {  	[tilespmem:s18], [sflag:$0x1] =	stream.indirect.gather [hbm4b:s4+s17], $0x10, s28, s17, $0xb8;
	[tilespmem:$0xAF00] =	vst v63  }
0x92: {  	_ =	swait.ge [sflag:s21], $0x800  }
.Ltmp6:
0x93: {  	[sflag:s21] =	ssyncset.done $0x0;
	(pc) =	sbr.rel @p2 .LBB2_5-.Ltmp6, $4  }
0x94: {  	s26 =	sadd.s32 $0x2800, s26;
	[sflag:s21] =	ssyncadd.s32 $0xFFFFF800  }
0x95: {  	[spmem:s2] =	stream.indirect.scatter.add.f32 [tilespmem:s19], [sflag:$0x3], $0x10, s26, s17, $0xb8;
	[tilespmem:$0xAF00] =	vst v63  }
0x96: {  	_ =	swait.ge [sflag:s15], $0x800  }
0x97: {  	s28 =	smov.u32 s31;
	s26 =	sshra.s32 s30, $0x2;
	[sflag:s15] =	ssyncset.done $0x0  }
0x98: {  	s28 =	sadd.s32 $0x80, s26;
	[sflag:s15] =	ssyncadd.s32 $0xFFFFF800  }
0x99: {  	[tilespmem:s19], [sflag:$0x2] =	stream.indirect.gather [hbm4b:s4+s17], $0x10, s28, s17, $0xb8;
	[tilespmem:$0xAF00] =	vst v63  }
0x9a: {  	_ =	swait.ge [sflag:s20], $0x800  }
0x9b: {  	[sflag:s20] =	ssyncset.done $0x0  }
0x9c: {  	s29 =	sadd.s32 $0x2780, s26;
	[sflag:s20] =	ssyncadd.s32 $0xFFFFF800  }
0x9d: {  	[spmem:s2] =	stream.indirect.scatter.add.f32 [tilespmem:s18], [sflag:$0x3], $0x10, s29, s17, $0xb8;
	[tilespmem:$0xAF00] =	vst v63  }
0x9e: {  	_ =	swait.ge [sflag:s15], $0x800  }
0x9f: {  	[sflag:s15] =	ssyncset.done $0x0  }
0xa0: {  	s30 =	sadd.s32 $0x100, s26;
	[sflag:s15] =	ssyncadd.s32 $0xFFFFF800  }
0xa1: {  	[tilespmem:s18], [sflag:$0x1] =	stream.indirect.gather [hbm4b:s4+s17], $0x10, s30, s17, $0xb8;
	[tilespmem:$0xAF00] =	vst v63  }
0xa2: {  	_ =	swait.ge [sflag:s21], $0x800  }
0xa3: {  	[sflag:s21] =	ssyncset.done $0x0  }
0xa4: {  	s31 =	sadd.s32 $0x2800, s26;
	[sflag:s21] =	ssyncadd.s32 $0xFFFFF800  }
0xa5: {  	[spmem:s2] =	stream.indirect.scatter.add.f32 [tilespmem:s19], [sflag:$0x3], $0x10, s31, s17, $0xb8;
	[tilespmem:$0xAF00] =	vst v63  }
0xa6: {  	_ =	swait.ge [sflag:s15], $0x800  }
0xa7: {  	[sflag:s15] =	ssyncset.done $0x0  }
0xa8: {  	[sflag:s15] =	ssyncadd.s32 $0xFFFFF800  }
0xa9: {  	[tilespmem:s19], [sflag:$0x2] =	stream.indirect.gather [hbm4b:s4+s17], $0x10, s22, s17, $0xb8;
	[tilespmem:$0xAF00] =	vst v63  }
0xaa: {  	_ =	swait.ge [sflag:s20], $0x800  }
0xab: {  	[sflag:s20] =	ssyncset.done $0x0  }
0xac: {  	[sflag:s20] =	ssyncadd.s32 $0xFFFFF800  }
0xad: {  	[spmem:s2] =	stream.indirect.scatter.add.f32 [tilespmem:s18], [sflag:$0x3], $0x10, s23, s17, $0xb8;
	[tilespmem:$0xAF00] =	vst v63  }
0xae: {  	_ =	swait.ge [sflag:s15], $0x800  }
0xaf: {  	[sflag:s15] =	ssyncset.done $0x0  }
0xb0: {  	[sflag:s15] =	ssyncadd.s32 $0xFFFFF800  }
0xb1: {  	_ =	swait.ge [sflag:s21], $0x800  }
0xb2: {  	[sflag:s21] =	ssyncset.done $0x0  }
.Ltmp7:
0xb3: {  	[sflag:s21] =	ssyncadd.s32 $0xFFFFF800;
	(pc) =	sbr.rel @p1 .LBB2_12-.Ltmp7, $4  }
0xb4: {  	[spmem:s2] =	stream.indirect.scatter.add.f32 [tilespmem:s19], [sflag:$0x3], $0x10, s24, s17, $0xb8;
	[tilespmem:$0xAF00] =	vst v63  }
0xb5: {  	_ =	swait.ge [sflag:s15], $0x800  }
0xb6: {  	[sflag:s15] =	ssyncset.done $0x0  }
0xb7: {  	[sflag:s15] =	ssyncadd.s32 $0xFFFFF800  }
0xb8: {  	[tilespmem:s3], [sflag:$0x3] =	stream.linear.gather [hbm4b:s8+s3], $0x80, $0x38;
	[tilespmem:$0xAF00] =	vst v63  }
0xb9: {  	_ =	swait.ge [sflag:s15], $0x80  }
0xba: {  	[sflag:s15] =	ssyncset.done $0x0  }
0xbb: {  	[sflag:s15] =	ssyncadd.s32 $0xFFFFFF80  }
0xbc: {  	[tilespmem:s16], [sflag:$0x3] =	stream.linear.gather [hbm4b:s9+s3], $0x80, $0x38;
	[tilespmem:$0xAF00] =	vst v63  }
0xbd: {  	_ =	swait.ge [sflag:s15], $0x80  }
0xbe: {  	[sflag:s15] =	ssyncset.done $0x0  }
0xbf: {  	[sflag:s15] =	ssyncadd.s32 $0xFFFFFF80  }
0xc0: {  	[tilespmem:s18], [sflag:$0x1] =	stream.indirect.gather [hbm4b:s4+s17], $0x10, s3, s17, $0xb8;
	[tilespmem:$0xAF00] =	vst v63  }
.Ltmp8:
0xc1: {  	_ = 	snop;
	(pc) =	sbr.rel .LBB2_11-.Ltmp8, $4  }
0xc2: {  	_ =	swait.ge [sflag:s20], $0x800  }
0xc3: {  	[sflag:s20] =	ssyncset.done $0x0  }
0xc4: {  	[sflag:s20] =	ssyncadd.s32 $0xFFFFF800  }
0xc5: {  	[spmem:s2] =	stream.indirect.scatter.add.f32 [tilespmem:s18], [sflag:$0x3], $0x10, s16, s17, $0xb8;
	[tilespmem:$0xAF00] =	vst v63  }
.LBB2_13:
0xc6: {  	_ =	sfence.sel $0x180000  }
0xc7: {  	[bflag:$0x0] =	sbarrier.arrive $0xFFFF  }
0xc8: {  	p0 =	sne.s32 s0, $0x0;
	_ =	strace $0x90000047  }
0xc9: {  	s0 =	sadd.s32 @!p0 $0x100000, s1;
	[bflag:$0x2] =	sbarrier.arrive $0xFFFF  }
0xca: {  	[sflag:s0] =	ssyncadd.tile.s32 @!p0 $0x1;
	_ =	shalt  }
.Lfunc_end2:
_tile_overlayer_lowered:
.L_overlay_start_2:
0xcb: {  	(tag) =	ssettag $0x2  }
0xcc: {  	s0 =	rddreg [dreg:$0x0];
	s2 =	stileid.u32  }
0xcd: {  	s1 =	rddreg [dreg:$0x1];
	p0 =	sne.s32 s2, $0x0  }
0xce: {  	s3 =	rddreg [dreg:$0x2];
	[bflag:$0x3] =	sbarrier.arrive $0xFFFF;
	s2 =	simm.s32 @!p0 $0x1C03  }
0xcf: {  	[timem:s3], [sflag:s2] =	dma.local @!p0 [hbm:s0], s1  }
0xd0: {  	s0 =	simm.s32 @!p0 $0x3  }
0xd1: {  	_ =	swait.ge @!p0 [sflag:s0], s1  }
0xd2: {  	s1 =	ssub.s32 @!p0 $0x0, s1;
	[sflag:s0] =	ssyncset.done @!p0 $0x0  }
0xd3: {  	[sflag:s0] =	ssyncadd.s32 @!p0 s1  }
0xd4: {  	[bflag:$0x3] =	sbarrier.arrive $0xFFFF  }
0xd5: {  	_ =	shalt  }

// kernel: kernel.9.cloned.1.call-start
scs
__scs_entry_jumppad:
0x0: {  	(pc) =	sbr.rel $0x88, $3  }
0x1: {  	(tag) =	ssettag $0x0;
	lr =	simm.s32 $0x1  }
0x2: {  	[smem:$0x3F9B] =	sst lr;
	_ =	strace $0xD0000000  }
0x3: {  	_ = 	snop  }
0x4: {  	_ = 	snop  }
0x5: {  	_ = 	snop  }
0x6: {  	_ = 	snop  }
0x7: {  	_ = 	snop  }
__scs_overlays_trampoline_lowered:
0x8: {  	[smem:$0x3FAA] =	sst s0  }
0x9: {  	[smem:$0x3FAB] =	sst s1  }
0xa: {  	[smem:$0x3FAC] =	sst s2  }
0xb: {  	[smem:$0x3FAD] =	sst s3  }
0xc: {  	[smem:$0x3FAE] =	sst s4  }
0xd: {  	[smem:$0x3FAF] =	sst s5  }
0xe: {  	[smem:$0x3FB0] =	sst s6  }
0xf: {  	[smem:$0x3FB1] =	sst s7  }
0x10: {  	[smem:$0x3FB2] =	sst s8  }
0x11: {  	[smem:$0x3FB3] =	sst s9;
	s0 =	simm.s32 @!p0 $0x0  }
0x12: {  	s1 =	sld [smem:$0x3F99];
	s0 =	simm.s32 @p0 $0x1  }
0x13: {  	[smem:$0x3FB4] =	sst s0;
	s0 =	simm.s32 @!p1 $0x0  }
0x14: {  	s2 =	sld [smem:$0x3F98];
	s0 =	simm.s32 @p1 $0x1  }
0x15: {  	[smem:$0x3FB5] =	sst s0;
	s0 =	simm.s32 @!p2 $0x0  }
0x16: {  	s3 =	sld [smem:$0x3FDB];
	s0 =	simm.s32 @p2 $0x1  }
0x17: {  	s4 =	simm.s32 $0x1BF5;
	[smem:$0x3FB7] =	sst s0  }
0x18: {  	s0 =	sld [smem:$0x3F9A];
	_ =	swait.ge [sflag:s4], $0x0  }
0x19: {  	s7 =	sld [smem:$0x3F9B]  }
0x1a: {  	s8 =	sadd.s32 $0xFFFFE003, lr  }
0x1b: {  	s9 =	sadd.s32 $0xFFFFFEF7, lr;
	s5 =	simm.s32 $0xFFFFFFFF;
	p2 =	slt.u32 s8, $0xFFFFF086  }
0x1c: {  	p1 =	slt.u32 s9, $0xF7A;
	s5 =	simm.s32 @!p2 $0x0  }
0x1d: {  	s5 =	simm.s32 @p1 $0x1;
	p0 =	seq.s32 s7, s2  }
0x1e: {  	s7 =	smul.u32 @!p0 $0xF7A, s2;
	p2 =	seq.s32 @!p0 s5, $0x0  }
0x1f: {  	s9 =	smul.u32 $0xF7A, s1;
	s8 =	simm.s32 @!p0 $0x1BF5;
	p2 =	por !p2, p0  }
0x20: {  	[sflag:s8] =	ssyncset.s32 @!p0 $0xFFFFF086;
	s6 =	sadd.s32 @!p0 s3, s7;
	s7 =	simm.s32 @!p0 $0x108  }
0x21: {  	s3 =	sadd.s32 s3, s9;
	s6 =	sadd.s32 @!p0 $0x88, s6;
	s7 =	simm.s32 @p2 $0x1082  }
0x22: {  	[simem:s7], [sflag:s8] =	dma.local @!p0 [hbm:s6], $0xF7A  }
0x23: {  	s9 =	sor.u32 $0xD0000000, s2;
	s6 =	simm.s32 $0x108;
	_ =	swait.ge @!p0 [sflag:s8], $0x0  }
0x24: {  	s3 =	sadd.s32 $0x88, s3;
	s6 =	simm.s32 @!p1 $0x1082;
	[sflag:s4] =	ssyncset.s32 $0xFFFFF086  }
0x25: {  	[simem:s6], [sflag:s4] =	dma.local [hbm:s3], $0xF7A  }
0x26: {  	[smem:$0x3F9B] =	sst s1;
	(tag) =	ssettag s2;
	_ =	strace s9  }
0x27: {  	s1 =	sld [smem:$0x3FAB]  }
0x28: {  	s2 =	sld [smem:$0x3FAC]  }
0x29: {  	s4 =	sld [smem:$0x3FAE]  }
0x2a: {  	p0 =	seq.s32 s5, $0x0;
	s5 =	sld [smem:$0x3FAF]  }
0x2b: {  	s6 =	sld [smem:$0x3FB0]  }
0x2c: {  	s7 =	sld [smem:$0x3FB1]  }
0x2d: {  	s3 =	simm.s32 $0x108;
	s8 =	sld [smem:$0x3FB2]  }
0x2e: {  	s3 =	simm.s32 @!p0 $0x1082;
	s9 =	sld [smem:$0x3FB3]  }
0x2f: {  	lr =	sadd.s32 s0, s3;
	s0 =	sld [smem:$0x3FAA]  }
0x30: {  	s3 =	sld [smem:$0x3FAD]  }
0x31: {  	[smem:$0x3FB6] =	sst s10  }
0x32: {  	s10 =	sld [smem:$0x3FB4];
	_ =	sdelay $0x3  }
0x33: {  	p0 =	seq.s32 s10, $0x1;
	s10 =	sld [smem:$0x3FB6];
	_ =	sdelay $0x3  }
0x34: {  	[smem:$0x3FB6] =	sst s10  }
0x35: {  	s10 =	sld [smem:$0x3FB5];
	_ =	sdelay $0x3  }
0x36: {  	p1 =	seq.s32 s10, $0x1;
	s10 =	sld [smem:$0x3FB6];
	_ =	sdelay $0x3  }
0x37: {  	[smem:$0x3FB6] =	sst s10  }
0x38: {  	s10 =	sld [smem:$0x3FB7]  }
0x39: {  	_ = 	snop;
	(pc) =	sbr.ind lr, $3  }
0x3a: {  	_ = 	snop  }
0x3b: {  	_ = 	snop  }
0x3c: {  	p2 =	seq.s32 s10, $0x1;
	s10 =	sld [smem:$0x3FB6]  }
0x3d: {  	_ =	shalt  }
0x3e: {  	_ =	shalt  }
0x3f: {  	_ =	shalt  }
0x40: {  	_ =	shalt  }
0x41: {  	_ =	shalt  }
0x42: {  	_ =	shalt  }
0x43: {  	_ =	shalt  }
0x44: {  	_ =	shalt  }
0x45: {  	_ =	shalt  }
0x46: {  	_ =	shalt  }
0x47: {  	_ =	shalt  }
0x48: {  	_ =	shalt  }
0x49: {  	_ =	shalt  }
0x4a: {  	_ =	shalt  }
0x4b: {  	_ =	shalt  }
0x4c: {  	_ =	shalt  }
0x4d: {  	_ =	shalt  }
0x4e: {  	_ =	shalt  }
0x4f: {  	_ =	shalt  }
0x50: {  	_ =	shalt  }
0x51: {  	_ =	shalt  }
0x52: {  	_ =	shalt  }
0x53: {  	_ =	shalt  }
0x54: {  	_ =	shalt  }
0x55: {  	_ =	shalt  }
0x56: {  	_ =	shalt  }
0x57: {  	_ =	shalt  }
0x58: {  	_ =	shalt  }
0x59: {  	_ =	shalt  }
0x5a: {  	_ =	shalt  }
0x5b: {  	_ =	shalt  }
0x5c: {  	_ =	shalt  }
0x5d: {  	_ =	shalt  }
0x5e: {  	_ =	shalt  }
0x5f: {  	_ =	shalt  }
0x60: {  	_ =	shalt  }
0x61: {  	_ =	shalt  }
0x62: {  	_ =	shalt  }
0x63: {  	_ =	shalt  }
0x64: {  	_ =	shalt  }
0x65: {  	_ =	shalt  }
0x66: {  	_ =	shalt  }
0x67: {  	_ =	shalt  }
0x68: {  	_ =	shalt  }
0x69: {  	_ =	shalt  }
0x6a: {  	_ =	shalt  }
0x6b: {  	_ =	shalt  }
0x6c: {  	_ =	shalt  }
0x6d: {  	_ =	shalt  }
0x6e: {  	_ =	shalt  }
0x6f: {  	_ =	shalt  }
0x70: {  	_ =	shalt  }
0x71: {  	_ =	shalt  }
0x72: {  	_ =	shalt  }
0x73: {  	_ =	shalt  }
0x74: {  	_ =	shalt  }
0x75: {  	_ =	shalt  }
0x76: {  	_ =	shalt  }
0x77: {  	_ =	shalt  }
0x78: {  	_ =	shalt  }
0x79: {  	_ =	shalt  }
0x7a: {  	_ =	shalt  }
0x7b: {  	_ =	shalt  }
0x7c: {  	_ =	shalt  }
0x7d: {  	_ =	shalt  }
0x7e: {  	_ =	shalt  }
0x7f: {  	_ =	shalt  }
0x80: {  	_ =	shalt  }
0x81: {  	_ =	shalt  }
0x82: {  	_ =	shalt  }
0x83: {  	_ =	shalt  }
0x84: {  	_ =	shalt  }
0x85: {  	_ =	shalt  }
0x86: {  	_ =	shalt  }
0x87: {  	_ =	shalt  }
.Lfunc_end0:
.L_simem_size_0:
called_computation.1_lowered:
.L_overlay_start_0:
0x88: {  	s2 =	sld [smem:$0x3FD9]  }
0x89: {  	s3 =	sld [smem:$0x3FFE];
	_ =	sdelay $0x1  }
0x8a: {  	s1 =	srdreg.scid  }
0x8b: {  	s0 =	sand.u32 $0x1, s1  }
0x8c: {  	s17 =	sshll.u32 s0, $0xA;
	s2 =	sadd.s32 s3, s2  }
0x8d: {  	s2 =	sadd.s32 s2, s17  }
0x8e: {  	[smem:$0x3FC2] =	sst s2  }
0x8f: {  	_ = 	snop  }
0x90: {  	s2 =	sld [smem:$0x3FC6]  }
0x91: {  	s18 =	sld [smem:$0x3FD0];
	(tm) =	ssettm $0x1  }
0x92: {  	s4 =	sld [smem:$0x3FFB];
	_ =	sdelay $0x3  }
0x93: {  	_ =	strace s4  }
0x94: {  	s4 =	sld [smem:$0x3FFC];
	_ =	sdelay $0x3  }
0x95: {  	_ =	strace s4  }
0x96: {  	s4 =	sld [smem:$0x3FFD];
	_ =	sdelay $0x3  }
0x97: {  	_ =	strace s4  }
0x98: {  	_ =	strace $0x8FFFFFFF  }
0x99: {  	s19 =	sld [smem:$0x3FDB];
	_ =	sdelay $0x1  }
0x9a: {  	s5 =	simm.s32 $_scs_section_size  }
0x9b: {  	s6 =	simm.s32 $_size__tile_overlayer_lowered;
	s7 =	simm.s32 $_tile_overlayer_lowered  }
0x9c: {  	s22 =	simm.s32 $0x1BFF;
	s21 =	sshll.u32 s7, $0x1;
	s4 =	sadd.s32 s5, s19  }
0x9d: {  	s8 =	simm.s32 $0x0;
	s20 =	sshll.u32 s6, $0x1;
	s6 =	sadd.s32 s21, s4  }
0x9e: {  	[timem:s8], [sflag:s22] =	dma.local [hbm:s6], s20  }
0x9f: {  	_ =	swait.ge [sflag:s22], s20  }
0xa0: {  	s5 =	ssub.s32 $0x0, s20;
	[sflag:s22] =	ssyncset.done $0x0  }
0xa1: {  	[sflag:s22] =	ssyncadd.s32 s5;
	_ =	sdelay $0x1  }
0xa2: {  	s23 =	simm.s32 $0x1B8B  }
0xa3: {  	_ =	swait.ge [sflag:s23], $0x1  }
0xa4: {  	[sflag:s23] =	ssyncset.done $0x0  }
0xa5: {  	s25 =	simm.s32 $0x1B8E;
	s24 =	sld [smem:$0x3FFE];
	[sflag:s23] =	ssyncadd.s32 $0xFFFFFFFF  }
0xa6: {  	s26 =	simm.s32 $execute0_lowered;
	[smem:$0x3FD2] =	sst s25  }
0xa7: {  	s6 =	sshll.u32 s26, $0x1;
	_ =	strace $0x80000049;
	[dreg:$0x1] =	wrdreg $0xFFFFFFFF  }
0xa8: {  	s28 =	simm.s32 $_size_execute0_lowered;
	s4 =	sadd.s32 s4, s6;
	[dreg:$0x0] =	wrdreg $0x0  }
0xa9: {  	s6 =	sshll.u32 s28, $0x1;
	[dreg:$0x2] =	wrdreg s4  }
0xaa: {  	[dreg:$0x3] =	wrdreg s6  }
0xab: {  	[dreg:$0x4] =	wrdreg $0xC0  }
0xac: {  	_ =	task [dreg:s8], $0x5FFFF  }
0xad: {  	[dreg:$0x1] =	wrdreg $0xFFFFFFFF  }
0xae: {  	[dreg:$0x0] =	wrdreg $0x60  }
0xaf: {  	[dreg:$0x2] =	wrdreg s24  }
0xb0: {  	[dreg:$0x3] =	wrdreg s2  }
0xb1: {  	[dreg:$0x4] =	wrdreg s18  }
0xb2: {  	[dreg:$0x5] =	wrdreg $0xFF100  }
0xb3: {  	[dreg:$0x6] =	wrdreg $0x9  }
0xb4: {  	_ =	task.clear_ibuf [dreg:s8], $0x7FFFF;
	_ =	strace $0x90000049  }
0xb5: {  	s29 =	simm.s32 $0x9;
	_ =	strace $0x8000004B  }
0xb6: {  	_ =	swait.ge [sflag:s29], $0x1  }
0xb7: {  	[sflag:s29] =	ssyncadd.s32 $0xFFFFFFFF  }
0xb8: {  	_ =	strace $0x9000004B  }
0xb9: {  	_ =	sfence  }
0xba: {  	s30 =	sld [smem:$0x0];
	_ =	sdelay $0x2  }
0xbb: {  	s31 =	sshll.u32 s1, $0xD;
	s1 =	sshrl.u32 s1, $0x2  }
0xbc: {  	s3 =	sand.u32 $0x4000, s31;
	s1 =	sadd.s32 s1, s30  }
0xbd: {  	s0 =	sor.u32 s3, s0;
	s1 =	sshll.u32 s1, $0x11  }
0xbe: {  	s0 =	sor.u32 s1, s0  }
0xbf: {  	s0 =	sadd.s32 $0x8F2B, s0  }
0xc0: {  	[sflag:s0] =	ssyncadd.remote.s32 $0x1  }
0xc1: {  	_ =	sfence.sel $0xFFFF  }
0xc2: {  	[dreg:$0x0] =	wrdreg $0xFFFFFFFF;
	(pc) =	sbr.abs _section_cstart, $3  }
0xc3: {  	[dreg:$0x1] =	wrdreg $0xFFFFFFFF  }
0xc4: {  	_ =	task.clear_ibuf [dreg:s8], $0x2FFFF;
	_ =	strace $0x9FFFFFFF  }
0xc5: {  	(tm) =	ssettm $0x7FFFFFFF  }
tec
execute0_lowered:
.L_overlay_start_1:
0x0: {  	(tag) =	ssettag $0x1  }
0x1: {  	s1 =	rddreg [dreg:$0x0]  }
0x2: {  	s2 =	rddreg [dreg:$0x1]  }
0x3: {  	s11 =	rddreg [dreg:$0x2]  }
0x4: {  	s0 =	stileid.u32;
	s3 =	rddreg [dreg:$0x3]  }
0x5: {  	s4 =	simm.s32 $0x0;
	s6 =	srdreg.scid;
	s28 =	simm.s32 $0x3  }
0x6: {  	s29 =	simm.s32 $0x8700;
	s30 =	simm.s32 $0xAF00;
	s31 =	simm.s32 $0xD700  }
0x7: {  	s15 =	smul.u32 $0x2800, s0;
	[smem:$0x7FF] =	sst s4;
	s17 =	sadd.s32 $0x1400, s1  }
0x8: {  	s5 =	sadd.s32 $0x28E00, s1;
	s19 =	sand.u32 $0x1, s6;
	p0 =	sne.s32 s0, $0xF  }
0x9: {  	s6 =	sadd.s32 $0x23E00, s1;
	p4 =	seq.s32 s0, $0xF;
	s13 =	sadd.s32 $0x1E900, s1  }
0xa: {  	s14 =	sadd.s32 $0x23900, s1;
	s18 =	sadd.s32 $0x2D900, s1;
	s25 =	smul.u32 $0x2700, s0  }
0xb: {  	s22 =	sshll.u32 s0, $0x4;
	_ =	strace $0x8000004A;
	s7 =	ssub.s32 $0x2, s19  }
0xc: {  	p1 =	seq.s32 s19, $0x0;
	[dreg:$0x6] =	wrdreg s18;
	s26 =	smul.u32 $0x28000, s19  }
0xd: {  	p5 =	sne.s32 s19, $0x0;
	s16 =	sshrl.u32 s15, $0x3;
	s8 =	sshrl.u32 s7, $0x1  }
0xe: {  	p2 =	por !p1, !p0;
	p1 =	por !p1, !p4;
	s21 =	sshrl.u32 s25, $0x3  }
0xf: {  	s10 =	sadd.s32 s16, s1;
	s20 =	ssub.s32 s7, s8;
	s7 =	sadd.s32 s15, s3  }
0x10: {  	p2 =	por !p2, !p2;
	s12 =	sadd.s32 s5, s16;
	p1 =	por !p1, !p1  }
0x11: {  	s16 =	sadd.s32 s6, s16;
	s18 =	sadd.s32 s17, s21;
	s15 =	sadd.s32 s15, s26  }
0x12: {  	s8 =	simm.s32 @!p2 $0x0;
	s9 =	sadd.s32 $0x19E00, s10;
	[dreg:$0x5] =	wrdreg s12  }
0x13: {  	s12 =	sadd.s32 $0x19900, s1;
	[dreg:$0x7] =	wrdreg s16;
	s1 =	sadd.s32 $0x28900, s1  }
0x14: {  	s23 =	sadd.s32 $0x9C40, s18;
	s15 =	sshrl.u32 s15, $0x3;
	s25 =	sadd.s32 $0x4E00, s18  }
0x15: {  	s26 =	sadd.s32 $0xEA40, s18;
	s16 =	simm.s32 $0x4F00;
	[dreg:$0x8] =	wrdreg s1  }
0x16: {  	s8 =	simm.s32 @p2 $0x1;
	p2 =	seq.s32 s19, $0x1;
	[dreg:$0x9] =	wrdreg s23  }
0x17: {  	s1 =	sadd.s32 s22, s17;
	s22 =	sadd.s32 s11, s15;
	[dreg:$0xc] =	wrdreg s25  }
0x18: {  	[dreg:$0xd] =	wrdreg s26;
	s25 =	smax.u32 s20, $0x1;
	s15 =	simm.s32 $0x80  }
0x19: {  	s26 =	simm.s32 $0x5700;
	s17 =	simm.s32 $0x1;
	s11 =	simm.s32 $0x2  }
.Ltmp0:
0x1a: {  	s19 =	simm.s32 $0x0;
	[smem:$0x7FD] =	sst s8;
	(pc) =	sbr.rel .LBB2_1-.Ltmp0, $4  }
0x1b: {  	s8 =	sadd.s32 $0x14E00, s10;
	s10 =	sadd.s32 $0x1EE00, s10;
	p0 =	por !p0, !p2  }
0x1c: {  	p6 =	por !p4, !p2;
	s24 =	sadd.s32 $0x9C00, s1;
	s1 =	sadd.s32 $0x13840, s1  }
0x1d: {  	p3 =	por !p0, !p0;
	p4 =	por !p6, !p6;
	[dreg:$0xa] =	wrdreg s24  }
0x1e: {  	v0 =	vimm.f32 $0.0e+00;
	[dreg:$0xb] =	wrdreg s1;
	p6 =	sgt.u32 s0, $0x3;
	s1 =	simm.s32 $0xFF00  }
.LBB2_26:
0x1f: {  	s0 =	sadd.s32 $0x80, s23;
	[sflag:s28] =	ssyncadd.s32 $0xFFFFF800  }
0x20: {  	[tilespmem:s26], [sflag:$0x2] =	stream.indirect.gather [hbm4b:s6+s15], $0x10, s0, s15, $0xb8;
	[tilespmem:$0x12710] =	vst v63  }
0x21: {  	_ =	swait.ge [sflag:s17], $0x800  }
0x22: {  	[sflag:s17] =	ssyncset.done $0x0  }
0x23: {  	s21 =	sadd.s32 $0x2780, s23;
	[sflag:s17] =	ssyncadd.s32 $0xFFFFF800  }
0x24: {  	[spmem:s3] =	stream.indirect.scatter.add.f32 [tilespmem:s16], [sflag:$0x3], $0x10, s21, s15, $0xb8;
	[tilespmem:$0x12710] =	vst v63  }
0x25: {  	_ =	swait.ge [sflag:s28], $0x800  }
0x26: {  	[sflag:s28] =	ssyncset.done $0x0  }
0x27: {  	s24 =	sadd.s32 $0x100, s23;
	[sflag:s28] =	ssyncadd.s32 $0xFFFFF800  }
0x28: {  	[tilespmem:s16], [sflag:$0x1] =	stream.indirect.gather [hbm4b:s6+s15], $0x10, s24, s15, $0xb8;
	[tilespmem:$0x12710] =	vst v63  }
0x29: {  	_ =	swait.ge [sflag:s11], $0x800  }
0x2a: {  	[sflag:s11] =	ssyncset.done $0x0  }
0x2b: {  	s20 =	sadd.s32 $0x2800, s23;
	[sflag:s11] =	ssyncadd.s32 $0xFFFFF800  }
0x2c: {  	[spmem:s3] =	stream.indirect.scatter.add.f32 [tilespmem:s26], [sflag:$0x3], $0x10, s20, s15, $0xb8;
	[tilespmem:$0x12710] =	vst v63  }
0x2d: {  	_ =	swait.ge [sflag:s28], $0x800  }
0x2e: {  	[sflag:s28] =	ssyncset.done $0x0  }
0x2f: {  	s21 =	simm.s32 $0x2680;
	[sflag:s28] =	ssyncadd.s32 $0xFFFFF800  }
0x30: {  	[tilespmem:s26], [sflag:$0x2] =	stream.indirect.gather [hbm4b:s6+s15], $0x10, s21, s15, $0xb8;
	[tilespmem:$0x12710] =	vst v63  }
0x31: {  	_ =	swait.ge [sflag:s17], $0x800  }
0x32: {  	[sflag:s17] =	ssyncset.done $0x0  }
0x33: {  	s23 =	simm.s32 $0x4D80;
	[sflag:s17] =	ssyncadd.s32 $0xFFFFF800  }
0x34: {  	[spmem:s3] =	stream.indirect.scatter.add.f32 [tilespmem:s16], [sflag:$0x3], $0x10, s23, s15, $0xb8;
	[tilespmem:$0x12710] =	vst v63  }
0x35: {  	_ =	swait.ge [sflag:s28], $0x800  }
0x36: {  	[sflag:s28] =	ssyncset.done $0x0  }
0x37: {  	[sflag:s28] =	ssyncadd.s32 $0xFFFFF800  }
0x38: {  	_ =	swait.ge [sflag:s11], $0x800  }
0x39: {  	[sflag:s11] =	ssyncset.done $0x0  }
0x3a: {  	s24 =	simm.s32 $0x4E00;
	[sflag:s11] =	ssyncadd.s32 $0xFFFFF800  }
0x3b: {  	[spmem:s3] =	stream.indirect.scatter.add.f32 [tilespmem:s26], [sflag:$0x3], $0x10, s24, s15, $0xb8;
	[tilespmem:$0x12710] =	vst v63  }
0x3c: {  	_ =	swait.ge [sflag:s28], $0x800  }
0x3d: {  	[sflag:s28] =	ssyncset.done $0x0  }
0x3e: {  	[sflag:s28] =	ssyncadd.s32 $0xFFFFF800  }
.LBB2_27:
0x3f: {  	s0 =	stileid.u32;
	s19 =	sadd.s32 $0x1, s19  }
0x40: {  	[bflag:$0x0] =	sbarrier.arrive $0xFFFF;
	s0 =	sshll.u32 s0, $0x6;
	p0 =	sne.s32 s19, s25  }
.Ltmp1:
0x41: {  	s20 =	sshrl.u32 s7, $0x3;
	s0 =	sor.u32 $0x1C03, s0;
	(pc) =	sbr.rel @!p0 .LBB2_28-.Ltmp1, $4  }
0x42: {  	[hbm:s22], [sflag:s0] =	dma.local [spmem:s20], $0x500  }
0x43: {  	_ =	swait.ge [sflag:s28], $0x500  }
0x44: {  	[sflag:s28] =	ssyncset.done $0x0  }
0x45: {  	[sflag:s28] =	ssyncadd.s32 $0xFFFFFB00  }
.LBB2_1:
0x46: {  	s20 =	simm.s32 $0x40;
	s23 =	simm.s32 $0x0  }
.LBB2_2:
0x47: {  	p0 =	sne.s32 s20, $0x9FC0;
	[tilespmem:s23+$0x5F00] =	vst v0;
	s23 =	smov.u32 s20;
	s20 =	sadd.s32 $0x40, s20  }
.Ltmp2:
0x48: {  	(pc) =	sbr.rel @p0 .LBB2_2-.Ltmp2, $2  }
0x49: {  	_ =	sdelay $0x2  }
0x4a: {  	s23 =	sshra.s32 s23, $0x2  }
0x4b: {  	[tilespmem:s23+$0x5F00] =	vst v0;
	s0 =	simm.s32 $0x5F00  }
0x4c: {  	[spmem:s7] =	stream.linear.scatter [tilespmem:s0], [sflag:$0x3], $0x2800, $0x38;
	[tilespmem:$0x12710] =	vst v63  }
0x4d: {  	_ =	swait.ge [sflag:s28], $0x2800  }
0x4e: {  	s24 =	sld [smem:$0x7FD];
	_ =	sdelay $0x2  }
0x4f: {  	p0 =	seq.s32 s24, $0x1  }
.Ltmp3:
0x50: {  	_ = 	snop;
	(pc) =	sbr.rel @!p0 .LBB2_7-.Ltmp3, $3  }
0x51: {  	_ =	sdelay $0x1  }
0x52: {  	[sflag:s28] =	ssyncset.done $0x0  }
0x53: {  	[sflag:s28] =	ssyncadd.s32 $0xFFFFD800  }
0x54: {  	s20 =	simm.s32 $0x0  }
0x55: {  	[tilespmem:s29], [sflag:$0x3] =	stream.linear.gather [hbm4b:s8+s20], $0x2800, $0x38;
	[tilespmem:$0x12710] =	vst v63  }
0x56: {  	_ =	swait.ge [sflag:s28], $0x2800  }
0x57: {  	[sflag:s28] =	ssyncset.done $0x0  }
0x58: {  	[sflag:s28] =	ssyncadd.s32 $0xFFFFD800  }
0x59: {  	[tilespmem:s30], [sflag:$0x3] =	stream.linear.gather [hbm4b:s9+s20], $0x2800, $0x38;
	[tilespmem:$0x12710] =	vst v63  }
0x5a: {  	_ =	swait.ge [sflag:s28], $0x2800  }
0x5b: {  	[sflag:s28] =	ssyncset.done $0x0  }
0x5c: {  	[sflag:s28] =	ssyncadd.s32 $0xFFFFD800  }
0x5d: {  	[tilespmem:s31], [sflag:$0x3] =	stream.linear.gather [hbm4b:s10+s20], $0x2800, $0x38;
	[tilespmem:$0x12710] =	vst v63  }
0x5e: {  	_ =	swait.ge [sflag:s28], $0x2800  }
0x5f: {  	[sflag:s28] =	ssyncset.done $0x0  }
0x60: {  	[sflag:s28] =	ssyncadd.s32 $0xFFFFD800  }
0x61: {  	[tilespmem:s1], [sflag:$0x3] =	stream.linear.gather [hbm4b:s2+s20], $0x10, $0x38;
	[tilespmem:$0x12710] =	vst v63  }
0x62: {  	_ =	swait.ge [sflag:s28], $0x10  }
0x63: {  	[sflag:s28] =	ssyncset.done $0x0  }
0x64: {  	[sflag:s28] =	ssyncadd.s32 $0xFFFFFFF0  }
0x65: {  	s23 =	simm.s32 $0x0;
	v1 =	vld [tilespmem:$0xFF00]  }
0x66: {  	s20 =	simm.s32 $0x40;
	v2 =	vld [tilespmem:s23+$0xAF00]  }
.LBB2_5:
0x67: {  	p0 =	sne.s32 s20, $0x9FC0;
	v3 =	vld [tilespmem:s23+$0x8700];
	_ =	sdelay $0x1  }
0x68: {  	v4 =	vld [tilespmem:s23+$0xD700];
	_ =	sdelay $0x2  }
0x69: {  	v2 =	vadd.f32 v2, v3;
	_ =	sdelay $0x1  }
0x6a: {  	v2 =	vadd.f32 v4, v2  }
.Ltmp4:
0x6b: {  	(pc) =	sbr.rel @p0 .LBB2_5-.Ltmp4, $3  }
0x6c: {  	v2 =	vadd.f32 v2, v1;
	_ =	sdelay $0x1  }
0x6d: {  	s24 =	sshra.s32 s20, $0x2;
	v3 =	vmax.f32 v2, $0.0e+00  }
0x6e: {  	s20 =	sadd.s32 $0x40, s20;
	v2 =	vld [tilespmem:s24+$0xAF00];
	[tilespmem:s23+$0x8700] =	vst v3;
	s23 =	smov.u32 s24  }
0x6f: {  	v3 =	vld [tilespmem:s23+$0x8700];
	_ =	sdelay $0x1  }
0x70: {  	v4 =	vld [tilespmem:s23+$0xD700];
	_ =	sdelay $0x2  }
0x71: {  	v2 =	vadd.f32 v2, v3;
	_ =	sdelay $0x1  }
0x72: {  	v2 =	vadd.f32 v4, v2;
	_ =	sdelay $0x1  }
0x73: {  	v1 =	vadd.f32 v2, v1;
	_ =	sdelay $0x1  }
0x74: {  	v1 =	vmax.f32 v1, $0.0e+00  }
0x75: {  	s0 =	rddreg [dreg:$0x5];
	[tilespmem:s23+$0x8700] =	vst v1  }
0x76: {  	[hbm4b:s0+s4] =	stream.linear.scatter [tilespmem:s29], [sflag:$0x3], $0x2800, $0x38;
	[tilespmem:$0x12710] =	vst v63  }
0x77: {  	_ =	swait.ge [sflag:s28], $0x2800  }
0x78: {  	[sflag:s28] =	ssyncset.done $0x0  }
0x79: {  	[sflag:s28] =	ssyncadd.s32 $0xFFFFD800  }
.LBB2_7:
.Ltmp5:
0x7a: {  	(pc) =	sbr.rel @!p1 .LBB2_11-.Ltmp5, $1  }
0x7b: {  	_ =	sdelay $0x3  }
0x7c: {  	s20 =	simm.s32 $0x0  }
0x7d: {  	[tilespmem:s29], [sflag:$0x3] =	stream.linear.gather [hbm4b:s12+s20], $0x1900, $0x38;
	[tilespmem:$0x12710] =	vst v63  }
0x7e: {  	_ =	swait.ge [sflag:s28], $0x1900  }
0x7f: {  	[sflag:s28] =	ssyncset.done $0x0  }
0x80: {  	[sflag:s28] =	ssyncadd.s32 $0xFFFFE700  }
0x81: {  	[tilespmem:s30], [sflag:$0x3] =	stream.linear.gather [hbm4b:s13+s20], $0x1900, $0x38;
	[tilespmem:$0x12710] =	vst v63  }
0x82: {  	_ =	swait.ge [sflag:s28], $0x1900  }
0x83: {  	[sflag:s28] =	ssyncset.done $0x0  }
0x84: {  	[sflag:s28] =	ssyncadd.s32 $0xFFFFE700  }
0x85: {  	[tilespmem:s31], [sflag:$0x3] =	stream.linear.gather [hbm4b:s14+s20], $0x1900, $0x38;
	[tilespmem:$0x12710] =	vst v63  }
0x86: {  	_ =	swait.ge [sflag:s28], $0x1900  }
0x87: {  	[sflag:s28] =	ssyncset.done $0x0  }
0x88: {  	[sflag:s28] =	ssyncadd.s32 $0xFFFFE700  }
0x89: {  	[tilespmem:s1], [sflag:$0x3] =	stream.linear.gather [hbm4b:s2+s20], $0x10, $0x38;
	[tilespmem:$0x12710] =	vst v63  }
0x8a: {  	_ =	swait.ge [sflag:s28], $0x10  }
0x8b: {  	[sflag:s28] =	ssyncset.done $0x0  }
0x8c: {  	[sflag:s28] =	ssyncadd.s32 $0xFFFFFFF0  }
0x8d: {  	s23 =	simm.s32 $0x0;
	v1 =	vld [tilespmem:$0xFF00]  }
0x8e: {  	s20 =	simm.s32 $0x40;
	v2 =	vld [tilespmem:s23+$0xAF00]  }
.LBB2_9:
0x8f: {  	p0 =	sne.s32 s20, $0x63C0;
	v3 =	vld [tilespmem:s23+$0x8700];
	_ =	sdelay $0x1  }
0x90: {  	v4 =	vld [tilespmem:s23+$0xD700];
	_ =	sdelay $0x2  }
0x91: {  	v2 =	vadd.f32 v2, v3;
	_ =	sdelay $0x1  }
0x92: {  	v2 =	vadd.f32 v4, v2  }
.Ltmp6:
0x93: {  	(pc) =	sbr.rel @p0 .LBB2_9-.Ltmp6, $3  }
0x94: {  	v2 =	vadd.f32 v2, v1;
	_ =	sdelay $0x1  }
0x95: {  	s24 =	sshra.s32 s20, $0x2;
	v3 =	vmax.f32 v2, $0.0e+00  }
0x96: {  	s20 =	sadd.s32 $0x40, s20;
	v2 =	vld [tilespmem:s24+$0xAF00];
	[tilespmem:s23+$0x8700] =	vst v3;
	s23 =	smov.u32 s24  }
0x97: {  	v3 =	vld [tilespmem:s23+$0x8700];
	_ =	sdelay $0x1  }
0x98: {  	v4 =	vld [tilespmem:s23+$0xD700];
	_ =	sdelay $0x2  }
0x99: {  	v2 =	vadd.f32 v2, v3;
	_ =	sdelay $0x1  }
0x9a: {  	v2 =	vadd.f32 v4, v2;
	_ =	sdelay $0x1  }
0x9b: {  	v1 =	vadd.f32 v2, v1;
	_ =	sdelay $0x1  }
0x9c: {  	v1 =	vmax.f32 v1, $0.0e+00  }
0x9d: {  	s0 =	rddreg [dreg:$0x6];
	[tilespmem:s23+$0x8700] =	vst v1  }
0x9e: {  	[hbm4b:s0+s4] =	stream.linear.scatter [tilespmem:s29], [sflag:$0x3], $0x1900, $0x38;
	[tilespmem:$0x12710] =	vst v63  }
0x9f: {  	_ =	swait.ge [sflag:s28], $0x1900  }
0xa0: {  	[sflag:s28] =	ssyncset.done $0x0  }
0xa1: {  	[sflag:s28] =	ssyncadd.s32 $0xFFFFE700  }
.LBB2_11:
.Ltmp7:
0xa2: {  	(pc) =	sbr.rel @!p3 .LBB2_15-.Ltmp7, $1  }
0xa3: {  	_ =	sdelay $0x3  }
0xa4: {  	s20 =	simm.s32 $0x0  }
0xa5: {  	[tilespmem:s29], [sflag:$0x3] =	stream.linear.gather [hbm4b:s8+s20], $0x2800, $0x38;
	[tilespmem:$0x12710] =	vst v63  }
0xa6: {  	_ =	swait.ge [sflag:s28], $0x2800  }
0xa7: {  	[sflag:s28] =	ssyncset.done $0x0  }
0xa8: {  	[sflag:s28] =	ssyncadd.s32 $0xFFFFD800  }
0xa9: {  	[tilespmem:s30], [sflag:$0x3] =	stream.linear.gather [hbm4b:s9+s20], $0x2800, $0x38;
	[tilespmem:$0x12710] =	vst v63  }
0xaa: {  	_ =	swait.ge [sflag:s28], $0x2800  }
0xab: {  	[sflag:s28] =	ssyncset.done $0x0  }
0xac: {  	[sflag:s28] =	ssyncadd.s32 $0xFFFFD800  }
0xad: {  	[tilespmem:s31], [sflag:$0x3] =	stream.linear.gather [hbm4b:s10+s20], $0x2800, $0x38;
	[tilespmem:$0x12710] =	vst v63  }
0xae: {  	_ =	swait.ge [sflag:s28], $0x2800  }
0xaf: {  	[sflag:s28] =	ssyncset.done $0x0  }
0xb0: {  	[sflag:s28] =	ssyncadd.s32 $0xFFFFD800  }
0xb1: {  	[tilespmem:s1], [sflag:$0x3] =	stream.linear.gather [hbm4b:s2+s20], $0x10, $0x38;
	[tilespmem:$0x12710] =	vst v63  }
0xb2: {  	_ =	swait.ge [sflag:s28], $0x10  }
0xb3: {  	[sflag:s28] =	ssyncset.done $0x0  }
0xb4: {  	[sflag:s28] =	ssyncadd.s32 $0xFFFFFFF0  }
0xb5: {  	s23 =	simm.s32 $0x0;
	v1 =	vld [tilespmem:$0xFF00]  }
0xb6: {  	s20 =	simm.s32 $0x40;
	v2 =	vld [tilespmem:s23+$0xAF00]  }
.LBB2_13:
0xb7: {  	p0 =	sne.s32 s20, $0x9FC0;
	v3 =	vld [tilespmem:s23+$0x8700];
	_ =	sdelay $0x1  }
0xb8: {  	v4 =	vld [tilespmem:s23+$0xD700];
	_ =	sdelay $0x2  }
0xb9: {  	v2 =	vadd.f32 v2, v3;
	_ =	sdelay $0x1  }
0xba: {  	v2 =	vadd.f32 v4, v2  }
.Ltmp8:
0xbb: {  	(pc) =	sbr.rel @p0 .LBB2_13-.Ltmp8, $3  }
0xbc: {  	v2 =	vadd.f32 v2, v1;
	_ =	sdelay $0x1  }
0xbd: {  	s24 =	sshra.s32 s20, $0x2;
	v3 =	vmax.f32 v2, $0.0e+00  }
0xbe: {  	s20 =	sadd.s32 $0x40, s20;
	v2 =	vld [tilespmem:s24+$0xAF00];
	[tilespmem:s23+$0x8700] =	vst v3;
	s23 =	smov.u32 s24  }
0xbf: {  	v3 =	vld [tilespmem:s23+$0x8700];
	_ =	sdelay $0x1  }
0xc0: {  	v4 =	vld [tilespmem:s23+$0xD700];
	_ =	sdelay $0x2  }
0xc1: {  	v2 =	vadd.f32 v2, v3;
	_ =	sdelay $0x1  }
0xc2: {  	v2 =	vadd.f32 v4, v2;
	_ =	sdelay $0x1  }
0xc3: {  	v1 =	vadd.f32 v2, v1;
	_ =	sdelay $0x1  }
0xc4: {  	v1 =	vmax.f32 v1, $0.0e+00  }
0xc5: {  	s0 =	rddreg [dreg:$0x7];
	[tilespmem:s23+$0x8700] =	vst v1  }
0xc6: {  	[hbm4b:s0+s4] =	stream.linear.scatter [tilespmem:s29], [sflag:$0x3], $0x2800, $0x38;
	[tilespmem:$0x12710] =	vst v63  }
0xc7: {  	_ =	swait.ge [sflag:s28], $0x2800  }
0xc8: {  	[sflag:s28] =	ssyncset.done $0x0  }
0xc9: {  	[sflag:s28] =	ssyncadd.s32 $0xFFFFD800  }
.LBB2_15:
.Ltmp9:
0xca: {  	(pc) =	sbr.rel @!p4 .LBB2_19-.Ltmp9, $1  }
0xcb: {  	_ =	sdelay $0x3  }
0xcc: {  	s20 =	simm.s32 $0x0  }
0xcd: {  	[tilespmem:s29], [sflag:$0x3] =	stream.linear.gather [hbm4b:s12+s20], $0x1900, $0x38;
	[tilespmem:$0x12710] =	vst v63  }
0xce: {  	_ =	swait.ge [sflag:s28], $0x1900  }
0xcf: {  	[sflag:s28] =	ssyncset.done $0x0  }
0xd0: {  	[sflag:s28] =	ssyncadd.s32 $0xFFFFE700  }
0xd1: {  	[tilespmem:s30], [sflag:$0x3] =	stream.linear.gather [hbm4b:s13+s20], $0x1900, $0x38;
	[tilespmem:$0x12710] =	vst v63  }
0xd2: {  	_ =	swait.ge [sflag:s28], $0x1900  }
0xd3: {  	[sflag:s28] =	ssyncset.done $0x0  }
0xd4: {  	[sflag:s28] =	ssyncadd.s32 $0xFFFFE700  }
0xd5: {  	[tilespmem:s31], [sflag:$0x3] =	stream.linear.gather [hbm4b:s14+s20], $0x1900, $0x38;
	[tilespmem:$0x12710] =	vst v63  }
0xd6: {  	_ =	swait.ge [sflag:s28], $0x1900  }
0xd7: {  	[sflag:s28] =	ssyncset.done $0x0  }
0xd8: {  	[sflag:s28] =	ssyncadd.s32 $0xFFFFE700  }
0xd9: {  	[tilespmem:s1], [sflag:$0x3] =	stream.linear.gather [hbm4b:s2+s20], $0x10, $0x38;
	[tilespmem:$0x12710] =	vst v63  }
0xda: {  	_ =	swait.ge [sflag:s28], $0x10  }
0xdb: {  	[sflag:s28] =	ssyncset.done $0x0  }
0xdc: {  	[sflag:s28] =	ssyncadd.s32 $0xFFFFFFF0  }
0xdd: {  	s23 =	simm.s32 $0x0;
	v1 =	vld [tilespmem:$0xFF00]  }
0xde: {  	s20 =	simm.s32 $0x40;
	v2 =	vld [tilespmem:s23+$0xAF00]  }
.LBB2_17:
0xdf: {  	p0 =	sne.s32 s20, $0x63C0;
	v3 =	vld [tilespmem:s23+$0x8700];
	_ =	sdelay $0x1  }
0xe0: {  	v4 =	vld [tilespmem:s23+$0xD700];
	_ =	sdelay $0x2  }
0xe1: {  	v2 =	vadd.f32 v2, v3;
	_ =	sdelay $0x1  }
0xe2: {  	v2 =	vadd.f32 v4, v2  }
.Ltmp10:
0xe3: {  	(pc) =	sbr.rel @p0 .LBB2_17-.Ltmp10, $3  }
0xe4: {  	v2 =	vadd.f32 v2, v1;
	_ =	sdelay $0x1  }
0xe5: {  	s24 =	sshra.s32 s20, $0x2;
	v3 =	vmax.f32 v2, $0.0e+00  }
0xe6: {  	s20 =	sadd.s32 $0x40, s20;
	v2 =	vld [tilespmem:s24+$0xAF00];
	[tilespmem:s23+$0x8700] =	vst v3;
	s23 =	smov.u32 s24  }
0xe7: {  	v3 =	vld [tilespmem:s23+$0x8700];
	_ =	sdelay $0x1  }
0xe8: {  	v4 =	vld [tilespmem:s23+$0xD700];
	_ =	sdelay $0x2  }
0xe9: {  	v2 =	vadd.f32 v2, v3;
	_ =	sdelay $0x1  }
0xea: {  	v2 =	vadd.f32 v4, v2;
	_ =	sdelay $0x1  }
0xeb: {  	v1 =	vadd.f32 v2, v1;
	_ =	sdelay $0x1  }
0xec: {  	v1 =	vmax.f32 v1, $0.0e+00  }
0xed: {  	s0 =	rddreg [dreg:$0x8];
	[tilespmem:s23+$0x8700] =	vst v1  }
0xee: {  	[hbm4b:s0+s4] =	stream.linear.scatter [tilespmem:s29], [sflag:$0x3], $0x1900, $0x38;
	[tilespmem:$0x12710] =	vst v63  }
0xef: {  	_ =	swait.ge [sflag:s28], $0x1900  }
0xf0: {  	[sflag:s28] =	ssyncset.done $0x0  }
0xf1: {  	[sflag:s28] =	ssyncadd.s32 $0xFFFFE700  }
.LBB2_19:
.Ltmp11:
0xf2: {  	(pc) =	sbr.rel @p5 .LBB2_23-.Ltmp11, $2  }
0xf3: {  	_ =	sdelay $0x1  }
0xf4: {  	[bflag:$0x0] =	sbarrier.arrive $0xFFFF;
	_ =	sdelay $0x1  }
0xf5: {  	s20 =	simm.s32 $0x0  }
0xf6: {  	[tilespmem:s20], [sflag:$0x3] =	stream.linear.gather [hbm4b:s18+s20], $0x2700, $0x38;
	[tilespmem:$0x12710] =	vst v63  }
0xf7: {  	_ =	swait.ge [sflag:s28], $0x2700  }
0xf8: {  	[sflag:s28] =	ssyncset.done $0x0  }
0xf9: {  	s21 =	simm.s32 $0x2780;
	s0 =	rddreg [dreg:$0x9];
	[sflag:s28] =	ssyncadd.s32 $0xFFFFD900  }
0xfa: {  	[tilespmem:s21], [sflag:$0x3] =	stream.linear.gather [hbm4b:s0+s20], $0x2700, $0x38;
	[tilespmem:$0x12710] =	vst v63  }
0xfb: {  	_ =	swait.ge [sflag:s28], $0x2700  }
0xfc: {  	[sflag:s28] =	ssyncset.done $0x0  }
0xfd: {  	[sflag:s28] =	ssyncadd.s32 $0xFFFFD900  }
0xfe: {  	[tilespmem:s16], [sflag:$0x1] =	stream.indirect.gather [hbm4b:s5+s15], $0x10, s20, s15, $0xb8;
	[tilespmem:$0x12710] =	vst v63  }
0xff: {  	s0 =	simm.s32 $0x80  }
0x100: {  	[tilespmem:s26], [sflag:$0x2] =	stream.indirect.gather [hbm4b:s5+s15], $0x10, s0, s15, $0xb8;
	[tilespmem:$0x12710] =	vst v63  }
0x101: {  	_ =	swait.ge [sflag:s17], $0x800  }
0x102: {  	[sflag:s17] =	ssyncset.done $0x0  }
0x103: {  	s21 =	simm.s32 $0x2780;
	[sflag:s17] =	ssyncadd.s32 $0xFFFFF800  }
0x104: {  	[spmem:s3] =	stream.indirect.scatter.add.f32 [tilespmem:s16], [sflag:$0x3], $0x10, s21, s15, $0xb8;
	[tilespmem:$0x12710] =	vst v63  }
0x105: {  	_ =	swait.ge [sflag:s28], $0x800  }
0x106: {  	[sflag:s28] =	ssyncset.done $0x0  }
0x107: {  	s23 =	simm.s32 $0x100;
	[sflag:s28] =	ssyncadd.s32 $0xFFFFF800  }
0x108: {  	[tilespmem:s16], [sflag:$0x1] =	stream.indirect.gather [hbm4b:s5+s15], $0x10, s23, s15, $0xb8;
	[tilespmem:$0x12710] =	vst v63  }
0x109: {  	_ =	swait.ge [sflag:s11], $0x800  }
0x10a: {  	[sflag:s11] =	ssyncset.done $0x0  }
0x10b: {  	s24 =	simm.s32 $0x2800;
	[sflag:s11] =	ssyncadd.s32 $0xFFFFF800  }
0x10c: {  	[spmem:s3] =	stream.indirect.scatter.add.f32 [tilespmem:s26], [sflag:$0x3], $0x10, s24, s15, $0xb8;
	[tilespmem:$0x12710] =	vst v63  }
0x10d: {  	_ =	swait.ge [sflag:s28], $0x800  }
0x10e: {  	s20 =	simm.s32 $0x800;
	s23 =	simm.s32 $0x100;
	[sflag:s28] =	ssyncset.done $0x0  }
.LBB2_21:
0x10f: {  	s24 =	sadd.s32 $0x80, s23  }
0x110: {  	[sflag:s28] =	ssyncadd.s32 $0xFFFFF800;
	s21 =	smov.u32 s20;
	s0 =	sadd.s32 $0x400, s20  }
0x111: {  	[tilespmem:s26], [sflag:$0x2] =	stream.indirect.gather [hbm4b:s5+s15], $0x10, s24, s15, $0xb8;
	[tilespmem:$0x12710] =	vst v63  }
0x112: {  	p0 =	sne.s32 s20, $0x9400;
	_ =	swait.ge [sflag:s17], $0x800  }
0x113: {  	[sflag:s17] =	ssyncset.done $0x0  }
0x114: {  	s20 =	sadd.s32 $0x2780, s23;
	[sflag:s17] =	ssyncadd.s32 $0xFFFFF800  }
0x115: {  	[spmem:s3] =	stream.indirect.scatter.add.f32 [tilespmem:s16], [sflag:$0x3], $0x10, s20, s15, $0xb8;
	[tilespmem:$0x12710] =	vst v63  }
0x116: {  	_ =	swait.ge [sflag:s28], $0x800  }
0x117: {  	[sflag:s28] =	ssyncset.done $0x0  }
0x118: {  	s20 =	sadd.s32 $0x100, s23;
	[sflag:s28] =	ssyncadd.s32 $0xFFFFF800  }
0x119: {  	[tilespmem:s16], [sflag:$0x1] =	stream.indirect.gather [hbm4b:s5+s15], $0x10, s20, s15, $0xb8;
	[tilespmem:$0x12710] =	vst v63  }
0x11a: {  	_ =	swait.ge [sflag:s11], $0x800  }
.Ltmp12:
0x11b: {  	[sflag:s11] =	ssyncset.done $0x0;
	(pc) =	sbr.rel @p0 .LBB2_21-.Ltmp12, $4  }
0x11c: {  	s20 =	sadd.s32 $0x2800, s23;
	[sflag:s11] =	ssyncadd.s32 $0xFFFFF800  }
0x11d: {  	[spmem:s3] =	stream.indirect.scatter.add.f32 [tilespmem:s26], [sflag:$0x3], $0x10, s20, s15, $0xb8;
	[tilespmem:$0x12710] =	vst v63  }
0x11e: {  	_ =	swait.ge [sflag:s28], $0x800  }
0x11f: {  	s23 =	sshra.s32 s21, $0x2;
	s20 =	smov.u32 s0;
	[sflag:s28] =	ssyncset.done $0x0  }
0x120: {  	s0 =	sadd.s32 $0x80, s23;
	[sflag:s28] =	ssyncadd.s32 $0xFFFFF800  }
0x121: {  	[tilespmem:s26], [sflag:$0x2] =	stream.indirect.gather [hbm4b:s5+s15], $0x10, s0, s15, $0xb8;
	[tilespmem:$0x12710] =	vst v63  }
0x122: {  	_ =	swait.ge [sflag:s17], $0x800  }
0x123: {  	[sflag:s17] =	ssyncset.done $0x0  }
0x124: {  	s21 =	sadd.s32 $0x2780, s23;
	[sflag:s17] =	ssyncadd.s32 $0xFFFFF800  }
0x125: {  	[spmem:s3] =	stream.indirect.scatter.add.f32 [tilespmem:s16], [sflag:$0x3], $0x10, s21, s15, $0xb8;
	[tilespmem:$0x12710] =	vst v63  }
0x126: {  	_ =	swait.ge [sflag:s28], $0x800  }
0x127: {  	[sflag:s28] =	ssyncset.done $0x0  }
0x128: {  	s24 =	sadd.s32 $0x100, s23;
	[sflag:s28] =	ssyncadd.s32 $0xFFFFF800  }
0x129: {  	[tilespmem:s16], [sflag:$0x1] =	stream.indirect.gather [hbm4b:s5+s15], $0x10, s24, s15, $0xb8;
	[tilespmem:$0x12710] =	vst v63  }
0x12a: {  	_ =	swait.ge [sflag:s11], $0x800  }
0x12b: {  	[sflag:s11] =	ssyncset.done $0x0  }
0x12c: {  	s20 =	sadd.s32 $0x2800, s23;
	[sflag:s11] =	ssyncadd.s32 $0xFFFFF800  }
0x12d: {  	[spmem:s3] =	stream.indirect.scatter.add.f32 [tilespmem:s26], [sflag:$0x3], $0x10, s20, s15, $0xb8;
	[tilespmem:$0x12710] =	vst v63  }
0x12e: {  	_ =	swait.ge [sflag:s28], $0x800  }
0x12f: {  	[sflag:s28] =	ssyncset.done $0x0  }
0x130: {  	s21 =	simm.s32 $0x2680;
	[sflag:s28] =	ssyncadd.s32 $0xFFFFF800  }
0x131: {  	[tilespmem:s26], [sflag:$0x2] =	stream.indirect.gather [hbm4b:s5+s15], $0x10, s21, s15, $0xb8;
	[tilespmem:$0x12710] =	vst v63  }
0x132: {  	_ =	swait.ge [sflag:s17], $0x800  }
0x133: {  	[sflag:s17] =	ssyncset.done $0x0  }
0x134: {  	s23 =	simm.s32 $0x4D80;
	[sflag:s17] =	ssyncadd.s32 $0xFFFFF800  }
0x135: {  	[spmem:s3] =	stream.indirect.scatter.add.f32 [tilespmem:s16], [sflag:$0x3], $0x10, s23, s15, $0xb8;
	[tilespmem:$0x12710] =	vst v63  }
0x136: {  	_ =	swait.ge [sflag:s28], $0x800  }
0x137: {  	[sflag:s28] =	ssyncset.done $0x0  }
0x138: {  	[sflag:s28] =	ssyncadd.s32 $0xFFFFF800  }
0x139: {  	_ =	swait.ge [sflag:s11], $0x800  }
0x13a: {  	[sflag:s11] =	ssyncset.done $0x0  }
0x13b: {  	s24 =	simm.s32 $0x4E00;
	[sflag:s11] =	ssyncadd.s32 $0xFFFFF800  }
0x13c: {  	[spmem:s3] =	stream.indirect.scatter.add.f32 [tilespmem:s26], [sflag:$0x3], $0x10, s24, s15, $0xb8;
	[tilespmem:$0x12710] =	vst v63  }
0x13d: {  	_ =	swait.ge [sflag:s28], $0x800  }
0x13e: {  	[sflag:s28] =	ssyncset.done $0x0  }
0x13f: {  	s0 =	simm.s32 @!p6 $0x0;
	s20 =	rddreg [dreg:$0xa];
	[sflag:s28] =	ssyncadd.s32 $0xFFFFF800  }
0x140: {  	[tilespmem:s0], [sflag:$0x3] =	stream.linear.gather @!p6 [hbm4b:s20+s0], $0x80, $0x38;
	[tilespmem:$0x12710] =	vst v63  }
0x141: {  	s20 =	simm.s32 @!p6 $0x3  }
0x142: {  	_ =	swait.ge @!p6 [sflag:s20], $0x80  }
0x143: {  	[sflag:s20] =	ssyncset.done @!p6 $0x0  }
0x144: {  	s21 =	simm.s32 @!p6 $0x2780;
	s23 =	rddreg [dreg:$0xb];
	[sflag:s20] =	ssyncadd.s32 @!p6 $0xFFFFFF80  }
0x145: {  	[tilespmem:s21], [sflag:$0x3] =	stream.linear.gather @!p6 [hbm4b:s23+s0], $0x80, $0x38;
	[tilespmem:$0x12710] =	vst v63  }
0x146: {  	_ =	swait.ge @!p6 [sflag:s20], $0x80  }
0x147: {  	[sflag:s20] =	ssyncset.done @!p6 $0x0  }
0x148: {  	s24 =	simm.s32 @!p6 $0x4F00;
	s23 =	simm.s32 @!p6 $0x80;
	[sflag:s20] =	ssyncadd.s32 @!p6 $0xFFFFFF80  }
0x149: {  	[tilespmem:s24], [sflag:$0x1] =	stream.indirect.gather @!p6 [hbm4b:s5+s23], $0x10, s0, s23, $0xb8;
	[tilespmem:$0x12710] =	vst v63  }
0x14a: {  	s0 =	simm.s32 @!p6 $0x1  }
0x14b: {  	_ =	swait.ge @!p6 [sflag:s0], $0x800  }
0x14c: {  	[sflag:s0] =	ssyncset.done @!p6 $0x0  }
0x14d: {  	[sflag:s0] =	ssyncadd.s32 @!p6 $0xFFFFF800  }
0x14e: {  	[spmem:s3] =	stream.indirect.scatter.add.f32 @!p6 [tilespmem:s24], [sflag:$0x3], $0x10, s21, s23, $0xb8;
	[tilespmem:$0x12710] =	vst v63  }
0x14f: {  	_ =	swait.ge @!p6 [sflag:s20], $0x800  }
0x150: {  	[sflag:s20] =	ssyncset.done @!p6 $0x0  }
0x151: {  	[sflag:s20] =	ssyncadd.s32 @!p6 $0xFFFFF800  }
.LBB2_23:
.Ltmp13:
0x152: {  	(pc) =	sbr.rel @!p2 .LBB2_27-.Ltmp13, $1  }
0x153: {  	_ =	sdelay $0x3  }
0x154: {  	s0 =	simm.s32 $0x0;
	s20 =	rddreg [dreg:$0xc]  }
0x155: {  	[tilespmem:s0], [sflag:$0x3] =	stream.linear.gather [hbm4b:s20+s0], $0x2700, $0x38;
	[tilespmem:$0x12710] =	vst v63  }
0x156: {  	_ =	swait.ge [sflag:s28], $0x2700  }
0x157: {  	[sflag:s28] =	ssyncset.done $0x0  }
0x158: {  	s21 =	simm.s32 $0x2780;
	s24 =	rddreg [dreg:$0xd];
	[sflag:s28] =	ssyncadd.s32 $0xFFFFD900  }
0x159: {  	[tilespmem:s21], [sflag:$0x3] =	stream.linear.gather [hbm4b:s24+s0], $0x2700, $0x38;
	[tilespmem:$0x12710] =	vst v63  }
0x15a: {  	_ =	swait.ge [sflag:s28], $0x2700  }
0x15b: {  	[sflag:s28] =	ssyncset.done $0x0  }
0x15c: {  	[sflag:s28] =	ssyncadd.s32 $0xFFFFD900  }
0x15d: {  	[tilespmem:s16], [sflag:$0x1] =	stream.indirect.gather [hbm4b:s6+s15], $0x10, s0, s15, $0xb8;
	[tilespmem:$0x12710] =	vst v63  }
0x15e: {  	s20 =	simm.s32 $0x80  }
0x15f: {  	[tilespmem:s26], [sflag:$0x2] =	stream.indirect.gather [hbm4b:s6+s15], $0x10, s20, s15, $0xb8;
	[tilespmem:$0x12710] =	vst v63  }
0x160: {  	_ =	swait.ge [sflag:s17], $0x800  }
0x161: {  	[sflag:s17] =	ssyncset.done $0x0  }
0x162: {  	s21 =	simm.s32 $0x2780;
	[sflag:s17] =	ssyncadd.s32 $0xFFFFF800  }
0x163: {  	[spmem:s3] =	stream.indirect.scatter.add.f32 [tilespmem:s16], [sflag:$0x3], $0x10, s21, s15, $0xb8;
	[tilespmem:$0x12710] =	vst v63  }
0x164: {  	_ =	swait.ge [sflag:s28], $0x800  }
0x165: {  	[sflag:s28] =	ssyncset.done $0x0  }
0x166: {  	s23 =	simm.s32 $0x100;
	[sflag:s28] =	ssyncadd.s32 $0xFFFFF800  }
0x167: {  	[tilespmem:s16], [sflag:$0x1] =	stream.indirect.gather [hbm4b:s6+s15], $0x10, s23, s15, $0xb8;
	[tilespmem:$0x12710] =	vst v63  }
0x168: {  	_ =	swait.ge [sflag:s11], $0x800  }
0x169: {  	[sflag:s11] =	ssyncset.done $0x0  }
0x16a: {  	s24 =	simm.s32 $0x2800;
	[sflag:s11] =	ssyncadd.s32 $0xFFFFF800  }
0x16b: {  	[spmem:s3] =	stream.indirect.scatter.add.f32 [tilespmem:s26], [sflag:$0x3], $0x10, s24, s15, $0xb8;
	[tilespmem:$0x12710] =	vst v63  }
0x16c: {  	_ =	swait.ge [sflag:s28], $0x800  }
0x16d: {  	s20 =	simm.s32 $0x800;
	s23 =	simm.s32 $0x100;
	[sflag:s28] =	ssyncset.done $0x0  }
.LBB2_25:
0x16e: {  	s0 =	sadd.s32 $0x80, s23  }
0x16f: {  	[sflag:s28] =	ssyncadd.s32 $0xFFFFF800;
	s21 =	smov.u32 s20;
	s24 =	sadd.s32 $0x400, s20  }
0x170: {  	[tilespmem:s26], [sflag:$0x2] =	stream.indirect.gather [hbm4b:s6+s15], $0x10, s0, s15, $0xb8;
	[tilespmem:$0x12710] =	vst v63  }
0x171: {  	p0 =	sne.s32 s20, $0x9400;
	_ =	swait.ge [sflag:s17], $0x800  }
0x172: {  	[sflag:s17] =	ssyncset.done $0x0  }
0x173: {  	s0 =	sadd.s32 $0x2780, s23;
	[sflag:s17] =	ssyncadd.s32 $0xFFFFF800  }
0x174: {  	[spmem:s3] =	stream.indirect.scatter.add.f32 [tilespmem:s16], [sflag:$0x3], $0x10, s0, s15, $0xb8;
	[tilespmem:$0x12710] =	vst v63  }
0x175: {  	_ =	swait.ge [sflag:s28], $0x800  }
0x176: {  	[sflag:s28] =	ssyncset.done $0x0  }
0x177: {  	s0 =	sadd.s32 $0x100, s23;
	[sflag:s28] =	ssyncadd.s32 $0xFFFFF800  }
0x178: {  	[tilespmem:s16], [sflag:$0x1] =	stream.indirect.gather [hbm4b:s6+s15], $0x10, s0, s15, $0xb8;
	[tilespmem:$0x12710] =	vst v63  }
0x179: {  	_ =	swait.ge [sflag:s11], $0x800  }
.Ltmp14:
0x17a: {  	[sflag:s11] =	ssyncset.done $0x0;
	(pc) =	sbr.rel @p0 .LBB2_25-.Ltmp14, $4  }
0x17b: {  	s0 =	sadd.s32 $0x2800, s23;
	[sflag:s11] =	ssyncadd.s32 $0xFFFFF800  }
0x17c: {  	[spmem:s3] =	stream.indirect.scatter.add.f32 [tilespmem:s26], [sflag:$0x3], $0x10, s0, s15, $0xb8;
	[tilespmem:$0x12710] =	vst v63  }
0x17d: {  	_ =	swait.ge [sflag:s28], $0x800  }
0x17e: {  	s20 =	smov.u32 s24;
	s23 =	sshra.s32 s21, $0x2;
	[sflag:s28] =	ssyncset.done $0x0  }
.Ltmp15:
0x17f: {  	_ = 	snop;
	(pc) =	sbr.rel .LBB2_26-.Ltmp15, $1  }
0x180: {  	_ =	sdelay $0x3  }
.LBB2_28:
0x181: {  	_ =	sfence.sel $0x180000  }
0x182: {  	[bflag:$0x0] =	sbarrier.arrive $0xFFFF  }
0x183: {  	_ =	strace $0x9000004A  }
0x184: {  	s0 =	stileid.u32;
	[bflag:$0x2] =	sbarrier.arrive $0xFFFF  }
0x185: {  	p0 =	sne.s32 s0, $0x0;
	s0 =	rddreg [dreg:$0x4]  }
0x186: {  	s0 =	sadd.s32 @!p0 $0x100000, s0  }
0x187: {  	[sflag:s0] =	ssyncadd.tile.s32 @!p0 $0x1;
	_ =	shalt  }
.Lfunc_end2:
_tile_overlayer_lowered:
.L_overlay_start_2:
0x188: {  	(tag) =	ssettag $0x2  }
0x189: {  	s0 =	rddreg [dreg:$0x0];
	s2 =	stileid.u32  }
0x18a: {  	s1 =	rddreg [dreg:$0x1];
	p0 =	sne.s32 s2, $0x0  }
0x18b: {  	s3 =	rddreg [dreg:$0x2];
	[bflag:$0x3] =	sbarrier.arrive $0xFFFF;
	s2 =	simm.s32 @!p0 $0x1C03  }
0x18c: {  	[timem:s3], [sflag:s2] =	dma.local @!p0 [hbm:s0], s1  }
0x18d: {  	s0 =	simm.s32 @!p0 $0x3  }
0x18e: {  	_ =	swait.ge @!p0 [sflag:s0], s1  }
0x18f: {  	s1 =	ssub.s32 @!p0 $0x0, s1;
	[sflag:s0] =	ssyncset.done @!p0 $0x0  }
0x190: {  	[sflag:s0] =	ssyncadd.s32 @!p0 s1  }
0x191: {  	[bflag:$0x3] =	sbarrier.arrive $0xFFFF  }
0x192: {  	_ =	shalt  }

</sc_bundles>
